<compile_context>
chip_gen: v7x
topology: tpu7x:2x2x1
jax: 0.10.2.dev20260603
libtpu: 0.0.44.dev20260713+nightly
codegen_flags: <defaults>
</compile_context>

<pallas_src>
import jax
import jax.numpy as jnp
from jax import lax
from jax.experimental import pallas as pl
from jax.experimental.pallas import tpu as pltpu
from jax.experimental.pallas import tpu_sc as plsc

E = 320000
D = 128
N = 10000
NW = 32
EPW = E // NW
B = 80
NBLK = EPW // B
NBUF = 4


def _decode_body(z_hbm, ei_hbm, out_hbm, src_idx, dst_idx, s_all, d_all,
                 ob, sems):
    sid = lax.axis_index("s")
    wid = sid * 2 + lax.axis_index("c")
    base = wid * EPW

    pltpu.sync_copy(ei_hbm.at[pl.ds(base, EPW)], src_idx)
    pltpu.sync_copy(ei_hbm.at[pl.ds(E + base, EPW)], dst_idx)

    lanes = lax.iota(jnp.int32, 16)
    last_lane = lanes == 15

    def ring(j):
        slot = lax.rem(j, NBUF)
        return slot * B, slot

    def issue(j):
        off, slot = ring(j)
        pltpu.async_copy(z_hbm.at[src_idx.at[pl.ds(j * B, B)]],
                         s_all.at[pl.ds(off, B)], sems.at[slot])
        pltpu.async_copy(z_hbm.at[dst_idx.at[pl.ds(j * B, B)]],
                         d_all.at[pl.ds(off, B)], sems.at[slot])

    def drain(j):
        off, slot = ring(j)
        pltpu.make_async_copy(z_hbm.at[src_idx.at[pl.ds(j * B, B)]],
                              s_all.at[pl.ds(off, B)], sems.at[slot]).wait()
        pltpu.make_async_copy(z_hbm.at[dst_idx.at[pl.ds(j * B, B)]],
                              d_all.at[pl.ds(off, B)], sems.at[slot]).wait()

    def compute(j):
        off, _ = ring(j)

        def group_body(g, _):
            eb = off + 16 * g
            for eo in range(16):
                acc = None
                for k in range(D // 16):
                    p = (s_all[eb + eo, pl.ds(16 * k, 16)]
                         * d_all[eb + eo, pl.ds(16 * k, 16)])
                    acc = p if acc is None else acc + p
                tot = plsc.cumsum(acc)
                pos = jnp.full((16,), j * B + 16 * g + eo, jnp.int32)
                plsc.store_scatter(ob, [pos], tot, mask=last_lane)
            return 0

        lax.fori_loop(0, B // 16, group_body, 0)

    for k in range(NBUF - 1):
        issue(k)

    def blk_body(j, _):
        drain(j)

        @pl.when(j + NBUF - 1 < NBLK)
        def _():
            issue(j + NBUF - 1)

        compute(j)
        return 0

    lax.fori_loop(0, NBLK, blk_body, 0)

    def sig_body(v, _):
        x = ob[pl.ds(16 * v, 16)]
        ob[pl.ds(16 * v, 16)] = 1.0 / (1.0 + jnp.exp(-x))
        return 0

    lax.fori_loop(0, EPW // 16, sig_body, 0, unroll=8)

    pltpu.sync_copy(ob, out_hbm.at[pl.ds(base, EPW)])


_decode = pl.kernel(
    _decode_body,
    out_type=jax.ShapeDtypeStruct((E,), jnp.float32),
    mesh=plsc.VectorSubcoreMesh(core_axis_name="c", subcore_axis_name="s"),
    scratch_types=[
        pltpu.VMEM((EPW,), jnp.int32),
        pltpu.VMEM((EPW,), jnp.int32),
        pltpu.VMEM((NBUF * B, D), jnp.float32),
        pltpu.VMEM((NBUF * B, D), jnp.float32),
        pltpu.VMEM((EPW,), jnp.float32),
        pltpu.SemaphoreType.DMA((NBUF,)),
    ],
    compiler_params=pltpu.CompilerParams(needs_layout_passes=False),
)


@jax.jit
def kernel(z, edge_index):
    return _decode(z, edge_index.astype(jnp.int32).reshape(2 * E))

# --- scband reference (transcript-rebuilt; emitter-appended) ---
"""Pipeline reference for scband-inner-product-decoder-352187318593 (READ-ONLY COPY).

The authoritative reference and input builder live on the scoring server;
editing this copy changes nothing except your own understanding.
"""

import jax, jax.numpy as jnp
import numpy as np


def setup_inputs(seed: int = 0) -> dict:
    key = jax.random.key(seed)
    k1, k2 = jax.random.split(key)
    z = jax.random.normal(k1, (10000, 128), dtype=jnp.float32)
    edge_index = jax.random.randint(k2, (2, 320000), 0, 10000, dtype=jnp.int64)
    return {"z": z, "edge_index": edge_index}


def reference(z, edge_index):
    # InnerProductDecoder.forward with sigmoid=True
    src = jnp.take(z, edge_index[0], axis=0)
    dst = jnp.take(z, edge_index[1], axis=0)
    value = jnp.sum(src * dst, axis=1)
    return jax.nn.sigmoid(value)

if __name__ == "__main__":
    import jax
    _d = setup_inputs()
    print(jax.jit(kernel)(*tuple(_d.values())))

</pallas_src>

<mosaic_0001>
#map = affine_map<(d0, d1) -> (0, 0)>
#map1 = affine_map<(d0, d1) -> (0)>
module attributes {stable_mosaic.version = 14 : i64} {
  func.func @_decode_body(%arg0: i32, %arg1: i32, %arg2: memref<10000x128xf32, #tpu.memory_space<hbm>>, %arg3: memref<640000xi32, #tpu.memory_space<hbm>>, %arg4: memref<320000xf32, #tpu.memory_space<hbm>>, %arg5: memref<10000xi32, #tpu.memory_space<vmem>>, %arg6: memref<10000xi32, #tpu.memory_space<vmem>>, %arg7: memref<320x128xf32, #tpu.memory_space<vmem>>, %arg8: memref<320x128xf32, #tpu.memory_space<vmem>>, %arg9: memref<10000xf32, #tpu.memory_space<vmem>>, %arg10: memref<4x!tpu.dma_semaphore, #tpu.memory_space<semaphore_mem>>) attributes {dimension_semantics = [#tpu.dimension_semantics<core_parallel>, #tpu.dimension_semantics<subcore_parallel>], iteration_bounds = array<i64: 2, 16>, scalar_prefetch = 0 : i64, scratch_operands = 6 : i64, tpu.core_type = #tpu.core_type<sc_vector_subcore>, window_params = [{transform_indices = #map}, {transform_indices = #map1}, {transform_indices = #map1}]} {
    %mul3A = arith.constant 2 : i32
    %mul3A_0 = arith.muli %arg1, %mul3A : i32
    %add3A = arith.addi %mul3A_0, %arg0 : i32
    %mul3A_1 = arith.constant 10000 : i32
    %mul3A_2 = arith.muli %add3A, %mul3A_1 : i32
    "tpu.region"() ({
      %run_scoped3A = tpu.sem_alloc : memref<!tpu.dma_semaphore, #tpu.memory_space<semaphore_mem>>
      %dma_start3A_103 = tpu.memref_slice %arg3[%mul3A_2] : memref<640000xi32, #tpu.memory_space<hbm>> -> memref<10000xi32, #tpu.memory_space<hbm>>
      %dma_start3A_104 = tpu.memref_slice %arg3[%mul3A_2] : memref<640000xi32, #tpu.memory_space<hbm>> -> memref<10000xi32, #tpu.memory_space<hbm>>
      tpu.enqueue_dma source(%dma_start3A_104 : memref<10000xi32, #tpu.memory_space<hbm>>) target(%arg5 : memref<10000xi32, #tpu.memory_space<vmem>>) target_semaphore(%run_scoped3A : memref<!tpu.dma_semaphore, #tpu.memory_space<semaphore_mem>>)
      %dma_wait3A = tpu.memref_slice %arg3[%mul3A_2] : memref<640000xi32, #tpu.memory_space<hbm>> -> memref<10000xi32, #tpu.memory_space<hbm>>
      %dma_wait3A_105 = tpu.memref_slice %arg3[%mul3A_2] : memref<640000xi32, #tpu.memory_space<hbm>> -> memref<10000xi32, #tpu.memory_space<hbm>>
      tpu.wait_dma2 semaphore(%run_scoped3A : memref<!tpu.dma_semaphore, #tpu.memory_space<semaphore_mem>>) src(%dma_wait3A_105 : memref<10000xi32, #tpu.memory_space<hbm>>) dst(%arg5 : memref<10000xi32, #tpu.memory_space<vmem>>)
      tpu.yield
    }) : () -> ()
    %add3A_3 = arith.constant 320000 : i32
    %add3A_4 = arith.addi %add3A_3, %mul3A_2 : i32
    "tpu.region"() ({
      %run_scoped3A = tpu.sem_alloc : memref<!tpu.dma_semaphore, #tpu.memory_space<semaphore_mem>>
      %dma_start3A_103 = tpu.memref_slice %arg3[%add3A_4] : memref<640000xi32, #tpu.memory_space<hbm>> -> memref<10000xi32, #tpu.memory_space<hbm>>
      %dma_start3A_104 = tpu.memref_slice %arg3[%add3A_4] : memref<640000xi32, #tpu.memory_space<hbm>> -> memref<10000xi32, #tpu.memory_space<hbm>>
      tpu.enqueue_dma source(%dma_start3A_104 : memref<10000xi32, #tpu.memory_space<hbm>>) target(%arg6 : memref<10000xi32, #tpu.memory_space<vmem>>) target_semaphore(%run_scoped3A : memref<!tpu.dma_semaphore, #tpu.memory_space<semaphore_mem>>)
      %dma_wait3A = tpu.memref_slice %arg3[%add3A_4] : memref<640000xi32, #tpu.memory_space<hbm>> -> memref<10000xi32, #tpu.memory_space<hbm>>
      %dma_wait3A_105 = tpu.memref_slice %arg3[%add3A_4] : memref<640000xi32, #tpu.memory_space<hbm>> -> memref<10000xi32, #tpu.memory_space<hbm>>
      tpu.wait_dma2 semaphore(%run_scoped3A : memref<!tpu.dma_semaphore, #tpu.memory_space<semaphore_mem>>) src(%dma_wait3A_105 : memref<10000xi32, #tpu.memory_space<hbm>>) dst(%arg6 : memref<10000xi32, #tpu.memory_space<vmem>>)
      tpu.yield
    }) : () -> ()
    %iota3A = tpu.iota {dimensions = array<i32: 0>} : vector<16xi32>
    %eq3A = arith.constant 15 : i32
    %eq3A_5 = vector.broadcast %eq3A : i32 to vector<16xi32>
    %eq3A_6 = arith.cmpi eq, %iota3A, %eq3A_5 : vector<16xi32>
    %rem3A = arith.constant 0 : i32
    %rem3A_7 = arith.constant 4 : i32
    %rem3A_8 = arith.remsi %rem3A, %rem3A_7 : i32
    %mul3A_9 = arith.constant 80 : i32
    %mul3A_10 = arith.muli %rem3A_8, %mul3A_9 : i32
    %dma_start3A = arith.constant 0 : i32
    %dma_start3A_11 = tpu.memref_slice %arg7[%mul3A_10, %dma_start3A] : memref<320x128xf32, #tpu.memory_space<vmem>> -> memref<80x128xf32, #tpu.memory_space<vmem>>
    %dma_start3A_12 = arith.constant 0 : i32
    %dma_start3A_13 = tpu.memref_slice %arg5[%dma_start3A_12] : memref<10000xi32, #tpu.memory_space<vmem>> -> memref<80xi32, #tpu.memory_space<vmem>>
    %dma_start3A_14 = arith.constant 0 : i32
    %dma_start3A_15 = arith.constant 0 : i32
    %dma_start3A_16 = tpu.memref_slice %arg2[%dma_start3A_14, %dma_start3A_15] : memref<10000x128xf32, #tpu.memory_space<hbm>> -> memref<10000x128xf32, #tpu.memory_space<hbm>>
    %dma_start3A_17 = tpu.memref_slice %arg10[%rem3A_8] : memref<4x!tpu.dma_semaphore, #tpu.memory_space<semaphore_mem>> -> memref<1x!tpu.dma_semaphore, #tpu.memory_space<semaphore_mem>>
    %dma_start3A_18 = tpu.memref_squeeze %dma_start3A_17 : memref<1x!tpu.dma_semaphore, #tpu.memory_space<semaphore_mem>> -> memref<!tpu.dma_semaphore, #tpu.memory_space<semaphore_mem>>
    tpu.enqueue_indirect_dma source(%dma_start3A_16 : memref<10000x128xf32, #tpu.memory_space<hbm>>) target(%dma_start3A_11 : memref<80x128xf32, #tpu.memory_space<vmem>>) offsets(%dma_start3A_13 : memref<80xi32, #tpu.memory_space<vmem>>) semaphore(%dma_start3A_18 : memref<!tpu.dma_semaphore, #tpu.memory_space<semaphore_mem>>)
    %dma_start3A_19 = arith.constant 0 : i32
    %dma_start3A_20 = tpu.memref_slice %arg8[%mul3A_10, %dma_start3A_19] : memref<320x128xf32, #tpu.memory_space<vmem>> -> memref<80x128xf32, #tpu.memory_space<vmem>>
    %dma_start3A_21 = arith.constant 0 : i32
    %dma_start3A_22 = tpu.memref_slice %arg6[%dma_start3A_21] : memref<10000xi32, #tpu.memory_space<vmem>> -> memref<80xi32, #tpu.memory_space<vmem>>
    %dma_start3A_23 = arith.constant 0 : i32
    %dma_start3A_24 = arith.constant 0 : i32
    %dma_start3A_25 = tpu.memref_slice %arg2[%dma_start3A_23, %dma_start3A_24] : memref<10000x128xf32, #tpu.memory_space<hbm>> -> memref<10000x128xf32, #tpu.memory_space<hbm>>
    %dma_start3A_26 = tpu.memref_slice %arg10[%rem3A_8] : memref<4x!tpu.dma_semaphore, #tpu.memory_space<semaphore_mem>> -> memref<1x!tpu.dma_semaphore, #tpu.memory_space<semaphore_mem>>
    %dma_start3A_27 = tpu.memref_squeeze %dma_start3A_26 : memref<1x!tpu.dma_semaphore, #tpu.memory_space<semaphore_mem>> -> memref<!tpu.dma_semaphore, #tpu.memory_space<semaphore_mem>>
    tpu.enqueue_indirect_dma source(%dma_start3A_25 : memref<10000x128xf32, #tpu.memory_space<hbm>>) target(%dma_start3A_20 : memref<80x128xf32, #tpu.memory_space<vmem>>) offsets(%dma_start3A_22 : memref<80xi32, #tpu.memory_space<vmem>>) semaphore(%dma_start3A_27 : memref<!tpu.dma_semaphore, #tpu.memory_space<semaphore_mem>>)
    %rem3A_28 = arith.constant 1 : i32
    %rem3A_29 = arith.constant 4 : i32
    %rem3A_30 = arith.remsi %rem3A_28, %rem3A_29 : i32
    %mul3A_31 = arith.constant 80 : i32
    %mul3A_32 = arith.muli %rem3A_30, %mul3A_31 : i32
    %dma_start3A_33 = arith.constant 0 : i32
    %dma_start3A_34 = tpu.memref_slice %arg7[%mul3A_32, %dma_start3A_33] : memref<320x128xf32, #tpu.memory_space<vmem>> -> memref<80x128xf32, #tpu.memory_space<vmem>>
    %dma_start3A_35 = arith.constant 80 : i32
    %dma_start3A_36 = tpu.memref_slice %arg5[%dma_start3A_35] : memref<10000xi32, #tpu.memory_space<vmem>> -> memref<80xi32, #tpu.memory_space<vmem>>
    %dma_start3A_37 = arith.constant 0 : i32
    %dma_start3A_38 = arith.constant 0 : i32
    %dma_start3A_39 = tpu.memref_slice %arg2[%dma_start3A_37, %dma_start3A_38] : memref<10000x128xf32, #tpu.memory_space<hbm>> -> memref<10000x128xf32, #tpu.memory_space<hbm>>
    %dma_start3A_40 = tpu.memref_slice %arg10[%rem3A_30] : memref<4x!tpu.dma_semaphore, #tpu.memory_space<semaphore_mem>> -> memref<1x!tpu.dma_semaphore, #tpu.memory_space<semaphore_mem>>
    %dma_start3A_41 = tpu.memref_squeeze %dma_start3A_40 : memref<1x!tpu.dma_semaphore, #tpu.memory_space<semaphore_mem>> -> memref<!tpu.dma_semaphore, #tpu.memory_space<semaphore_mem>>
    tpu.enqueue_indirect_dma source(%dma_start3A_39 : memref<10000x128xf32, #tpu.memory_space<hbm>>) target(%dma_start3A_34 : memref<80x128xf32, #tpu.memory_space<vmem>>) offsets(%dma_start3A_36 : memref<80xi32, #tpu.memory_space<vmem>>) semaphore(%dma_start3A_41 : memref<!tpu.dma_semaphore, #tpu.memory_space<semaphore_mem>>)
    %dma_start3A_42 = arith.constant 0 : i32
    %dma_start3A_43 = tpu.memref_slice %arg8[%mul3A_32, %dma_start3A_42] : memref<320x128xf32, #tpu.memory_space<vmem>> -> memref<80x128xf32, #tpu.memory_space<vmem>>
    %dma_start3A_44 = arith.constant 80 : i32
    %dma_start3A_45 = tpu.memref_slice %arg6[%dma_start3A_44] : memref<10000xi32, #tpu.memory_space<vmem>> -> memref<80xi32, #tpu.memory_space<vmem>>
    %dma_start3A_46 = arith.constant 0 : i32
    %dma_start3A_47 = arith.constant 0 : i32
    %dma_start3A_48 = tpu.memref_slice %arg2[%dma_start3A_46, %dma_start3A_47] : memref<10000x128xf32, #tpu.memory_space<hbm>> -> memref<10000x128xf32, #tpu.memory_space<hbm>>
    %dma_start3A_49 = tpu.memref_slice %arg10[%rem3A_30] : memref<4x!tpu.dma_semaphore, #tpu.memory_space<semaphore_mem>> -> memref<1x!tpu.dma_semaphore, #tpu.memory_space<semaphore_mem>>
    %dma_start3A_50 = tpu.memref_squeeze %dma_start3A_49 : memref<1x!tpu.dma_semaphore, #tpu.memory_space<semaphore_mem>> -> memref<!tpu.dma_semaphore, #tpu.memory_space<semaphore_mem>>
    tpu.enqueue_indirect_dma source(%dma_start3A_48 : memref<10000x128xf32, #tpu.memory_space<hbm>>) target(%dma_start3A_43 : memref<80x128xf32, #tpu.memory_space<vmem>>) offsets(%dma_start3A_45 : memref<80xi32, #tpu.memory_space<vmem>>) semaphore(%dma_start3A_50 : memref<!tpu.dma_semaphore, #tpu.memory_space<semaphore_mem>>)
    %rem3A_51 = arith.constant 2 : i32
    %rem3A_52 = arith.constant 4 : i32
    %rem3A_53 = arith.remsi %rem3A_51, %rem3A_52 : i32
    %mul3A_54 = arith.constant 80 : i32
    %mul3A_55 = arith.muli %rem3A_53, %mul3A_54 : i32
    %dma_start3A_56 = arith.constant 0 : i32
    %dma_start3A_57 = tpu.memref_slice %arg7[%mul3A_55, %dma_start3A_56] : memref<320x128xf32, #tpu.memory_space<vmem>> -> memref<80x128xf32, #tpu.memory_space<vmem>>
    %dma_start3A_58 = arith.constant 160 : i32
    %dma_start3A_59 = tpu.memref_slice %arg5[%dma_start3A_58] : memref<10000xi32, #tpu.memory_space<vmem>> -> memref<80xi32, #tpu.memory_space<vmem>>
    %dma_start3A_60 = arith.constant 0 : i32
    %dma_start3A_61 = arith.constant 0 : i32
    %dma_start3A_62 = tpu.memref_slice %arg2[%dma_start3A_60, %dma_start3A_61] : memref<10000x128xf32, #tpu.memory_space<hbm>> -> memref<10000x128xf32, #tpu.memory_space<hbm>>
    %dma_start3A_63 = tpu.memref_slice %arg10[%rem3A_53] : memref<4x!tpu.dma_semaphore, #tpu.memory_space<semaphore_mem>> -> memref<1x!tpu.dma_semaphore, #tpu.memory_space<semaphore_mem>>
    %dma_start3A_64 = tpu.memref_squeeze %dma_start3A_63 : memref<1x!tpu.dma_semaphore, #tpu.memory_space<semaphore_mem>> -> memref<!tpu.dma_semaphore, #tpu.memory_space<semaphore_mem>>
    tpu.enqueue_indirect_dma source(%dma_start3A_62 : memref<10000x128xf32, #tpu.memory_space<hbm>>) target(%dma_start3A_57 : memref<80x128xf32, #tpu.memory_space<vmem>>) offsets(%dma_start3A_59 : memref<80xi32, #tpu.memory_space<vmem>>) semaphore(%dma_start3A_64 : memref<!tpu.dma_semaphore, #tpu.memory_space<semaphore_mem>>)
    %dma_start3A_65 = arith.constant 0 : i32
    %dma_start3A_66 = tpu.memref_slice %arg8[%mul3A_55, %dma_start3A_65] : memref<320x128xf32, #tpu.memory_space<vmem>> -> memref<80x128xf32, #tpu.memory_space<vmem>>
    %dma_start3A_67 = arith.constant 160 : i32
    %dma_start3A_68 = tpu.memref_slice %arg6[%dma_start3A_67] : memref<10000xi32, #tpu.memory_space<vmem>> -> memref<80xi32, #tpu.memory_space<vmem>>
    %dma_start3A_69 = arith.constant 0 : i32
    %dma_start3A_70 = arith.constant 0 : i32
    %dma_start3A_71 = tpu.memref_slice %arg2[%dma_start3A_69, %dma_start3A_70] : memref<10000x128xf32, #tpu.memory_space<hbm>> -> memref<10000x128xf32, #tpu.memory_space<hbm>>
    %dma_start3A_72 = tpu.memref_slice %arg10[%rem3A_53] : memref<4x!tpu.dma_semaphore, #tpu.memory_space<semaphore_mem>> -> memref<1x!tpu.dma_semaphore, #tpu.memory_space<semaphore_mem>>
    %dma_start3A_73 = tpu.memref_squeeze %dma_start3A_72 : memref<1x!tpu.dma_semaphore, #tpu.memory_space<semaphore_mem>> -> memref<!tpu.dma_semaphore, #tpu.memory_space<semaphore_mem>>
    tpu.enqueue_indirect_dma source(%dma_start3A_71 : memref<10000x128xf32, #tpu.memory_space<hbm>>) target(%dma_start3A_66 : memref<80x128xf32, #tpu.memory_space<vmem>>) offsets(%dma_start3A_68 : memref<80xi32, #tpu.memory_space<vmem>>) semaphore(%dma_start3A_73 : memref<!tpu.dma_semaphore, #tpu.memory_space<semaphore_mem>>)
    %scan3A = arith.constant 0 : i32
    %scan3A_74 = arith.constant 0 : i32
    %scan3A_75 = arith.constant 125 : i32
    %scan3A_76 = arith.addi %scan3A_74, %scan3A_75 : i32
    %scan3A_77 = arith.constant 1 : i32
    %scan3A_78 = scf.for %scan3A_103 = %scan3A_74 to %scan3A_76 step %scan3A_77 iter_args(%scan3A_104 = %scan3A) -> (i32)  : i32 {
      %rem3A_105 = arith.constant 4 : i32
      %rem3A_106 = arith.remsi %scan3A_103, %rem3A_105 : i32
      %mul3A_107 = arith.constant 80 : i32
      %mul3A_108 = arith.muli %rem3A_106, %mul3A_107 : i32
      %mul3A_109 = arith.constant 80 : i32
      %mul3A_110 = arith.muli %scan3A_103, %mul3A_109 : i32
      %dma_wait3A = arith.constant 0 : i32
      %dma_wait3A_111 = tpu.memref_slice %arg7[%mul3A_108, %dma_wait3A] : memref<320x128xf32, #tpu.memory_space<vmem>> -> memref<80x128xf32, #tpu.memory_space<vmem>>
      %dma_wait3A_112 = tpu.memref_slice %arg5[%mul3A_110] : memref<10000xi32, #tpu.memory_space<vmem>> -> memref<80xi32, #tpu.memory_space<vmem>>
      %dma_wait3A_113 = arith.constant 0 : i32
      %dma_wait3A_114 = arith.constant 0 : i32
      %dma_wait3A_115 = tpu.memref_slice %arg2[%dma_wait3A_113, %dma_wait3A_114] : memref<10000x128xf32, #tpu.memory_space<hbm>> -> memref<10000x128xf32, #tpu.memory_space<hbm>>
      %dma_wait3A_116 = tpu.memref_slice %arg10[%rem3A_106] : memref<4x!tpu.dma_semaphore, #tpu.memory_space<semaphore_mem>> -> memref<1x!tpu.dma_semaphore, #tpu.memory_space<semaphore_mem>>
      %dma_wait3A_117 = tpu.memref_squeeze %dma_wait3A_116 : memref<1x!tpu.dma_semaphore, #tpu.memory_space<semaphore_mem>> -> memref<!tpu.dma_semaphore, #tpu.memory_space<semaphore_mem>>
      tpu.wait_indirect_dma semaphore(%dma_wait3A_117 : memref<!tpu.dma_semaphore, #tpu.memory_space<semaphore_mem>>) src(%dma_wait3A_115 : memref<10000x128xf32, #tpu.memory_space<hbm>>) dst(%dma_wait3A_111 : memref<80x128xf32, #tpu.memory_space<vmem>>)
      %mul3A_118 = arith.constant 80 : i32
      %mul3A_119 = arith.muli %scan3A_103, %mul3A_118 : i32
      %dma_wait3A_120 = arith.constant 0 : i32
      %dma_wait3A_121 = tpu.memref_slice %arg8[%mul3A_108, %dma_wait3A_120] : memref<320x128xf32, #tpu.memory_space<vmem>> -> memref<80x128xf32, #tpu.memory_space<vmem>>
      %dma_wait3A_122 = tpu.memref_slice %arg6[%mul3A_119] : memref<10000xi32, #tpu.memory_space<vmem>> -> memref<80xi32, #tpu.memory_space<vmem>>
      %dma_wait3A_123 = arith.constant 0 : i32
      %dma_wait3A_124 = arith.constant 0 : i32
      %dma_wait3A_125 = tpu.memref_slice %arg2[%dma_wait3A_123, %dma_wait3A_124] : memref<10000x128xf32, #tpu.memory_space<hbm>> -> memref<10000x128xf32, #tpu.memory_space<hbm>>
      %dma_wait3A_126 = tpu.memref_slice %arg10[%rem3A_106] : memref<4x!tpu.dma_semaphore, #tpu.memory_space<semaphore_mem>> -> memref<1x!tpu.dma_semaphore, #tpu.memory_space<semaphore_mem>>
      %dma_wait3A_127 = tpu.memref_squeeze %dma_wait3A_126 : memref<1x!tpu.dma_semaphore, #tpu.memory_space<semaphore_mem>> -> memref<!tpu.dma_semaphore, #tpu.memory_space<semaphore_mem>>
      tpu.wait_indirect_dma semaphore(%dma_wait3A_127 : memref<!tpu.dma_semaphore, #tpu.memory_space<semaphore_mem>>) src(%dma_wait3A_125 : memref<10000x128xf32, #tpu.memory_space<hbm>>) dst(%dma_wait3A_121 : memref<80x128xf32, #tpu.memory_space<vmem>>)
      %add3A_128 = arith.constant 4 : i32
      %add3A_129 = arith.addi %scan3A_103, %add3A_128 : i32
      %sub3A = arith.constant 1 : i32
      %sub3A_130 = arith.subi %add3A_129, %sub3A : i32
      %lt3A = arith.constant 125 : i32
      %lt3A_131 = arith.cmpi slt, %sub3A_130, %lt3A : i32
      %convert_element_type3A = arith.extui %lt3A_131 : i1 to i32
      %cond3A = arith.constant 0 : i32
      %cond3A_132 = arith.cmpi ne, %convert_element_type3A, %cond3A : i32
      scf.if %cond3A_132 {
        %add3A_145 = arith.constant 4 : i32
        %add3A_146 = arith.addi %scan3A_103, %add3A_145 : i32
        %sub3A_147 = arith.constant 1 : i32
        %sub3A_148 = arith.subi %add3A_146, %sub3A_147 : i32
        %rem3A_149 = arith.constant 4 : i32
        %rem3A_150 = arith.remsi %sub3A_148, %rem3A_149 : i32
        %mul3A_151 = arith.constant 80 : i32
        %mul3A_152 = arith.muli %rem3A_150, %mul3A_151 : i32
        %mul3A_153 = arith.constant 80 : i32
        %mul3A_154 = arith.muli %sub3A_148, %mul3A_153 : i32
        %dma_start3A_155 = arith.constant 0 : i32
        %dma_start3A_156 = tpu.memref_slice %arg7[%mul3A_152, %dma_start3A_155] : memref<320x128xf32, #tpu.memory_space<vmem>> -> memref<80x128xf32, #tpu.memory_space<vmem>>
        %dma_start3A_157 = tpu.memref_slice %arg5[%mul3A_154] : memref<10000xi32, #tpu.memory_space<vmem>> -> memref<80xi32, #tpu.memory_space<vmem>>
        %dma_start3A_158 = arith.constant 0 : i32
        %dma_start3A_159 = arith.constant 0 : i32
        %dma_start3A_160 = tpu.memref_slice %arg2[%dma_start3A_158, %dma_start3A_159] : memref<10000x128xf32, #tpu.memory_space<hbm>> -> memref<10000x128xf32, #tpu.memory_space<hbm>>
        %dma_start3A_161 = tpu.memref_slice %arg10[%rem3A_150] : memref<4x!tpu.dma_semaphore, #tpu.memory_space<semaphore_mem>> -> memref<1x!tpu.dma_semaphore, #tpu.memory_space<semaphore_mem>>
        %dma_start3A_162 = tpu.memref_squeeze %dma_start3A_161 : memref<1x!tpu.dma_semaphore, #tpu.memory_space<semaphore_mem>> -> memref<!tpu.dma_semaphore, #tpu.memory_space<semaphore_mem>>
        tpu.enqueue_indirect_dma source(%dma_start3A_160 : memref<10000x128xf32, #tpu.memory_space<hbm>>) target(%dma_start3A_156 : memref<80x128xf32, #tpu.memory_space<vmem>>) offsets(%dma_start3A_157 : memref<80xi32, #tpu.memory_space<vmem>>) semaphore(%dma_start3A_162 : memref<!tpu.dma_semaphore, #tpu.memory_space<semaphore_mem>>)
        %mul3A_163 = arith.constant 80 : i32
        %mul3A_164 = arith.muli %sub3A_148, %mul3A_163 : i32
        %dma_start3A_165 = arith.constant 0 : i32
        %dma_start3A_166 = tpu.memref_slice %arg8[%mul3A_152, %dma_start3A_165] : memref<320x128xf32, #tpu.memory_space<vmem>> -> memref<80x128xf32, #tpu.memory_space<vmem>>
        %dma_start3A_167 = tpu.memref_slice %arg6[%mul3A_164] : memref<10000xi32, #tpu.memory_space<vmem>> -> memref<80xi32, #tpu.memory_space<vmem>>
        %dma_start3A_168 = arith.constant 0 : i32
        %dma_start3A_169 = arith.constant 0 : i32
        %dma_start3A_170 = tpu.memref_slice %arg2[%dma_start3A_168, %dma_start3A_169] : memref<10000x128xf32, #tpu.memory_space<hbm>> -> memref<10000x128xf32, #tpu.memory_space<hbm>>
        %dma_start3A_171 = tpu.memref_slice %arg10[%rem3A_150] : memref<4x!tpu.dma_semaphore, #tpu.memory_space<semaphore_mem>> -> memref<1x!tpu.dma_semaphore, #tpu.memory_space<semaphore_mem>>
        %dma_start3A_172 = tpu.memref_squeeze %dma_start3A_171 : memref<1x!tpu.dma_semaphore, #tpu.memory_space<semaphore_mem>> -> memref<!tpu.dma_semaphore, #tpu.memory_space<semaphore_mem>>
        tpu.enqueue_indirect_dma source(%dma_start3A_170 : memref<10000x128xf32, #tpu.memory_space<hbm>>) target(%dma_start3A_166 : memref<80x128xf32, #tpu.memory_space<vmem>>) offsets(%dma_start3A_167 : memref<80xi32, #tpu.memory_space<vmem>>) semaphore(%dma_start3A_172 : memref<!tpu.dma_semaphore, #tpu.memory_space<semaphore_mem>>)
      } else {
      }
      %rem3A_133 = arith.constant 4 : i32
      %rem3A_134 = arith.remsi %scan3A_103, %rem3A_133 : i32
      %mul3A_135 = arith.constant 80 : i32
      %mul3A_136 = arith.muli %rem3A_134, %mul3A_135 : i32
      %scan3A_137 = arith.constant 0 : i32
      %scan3A_138 = arith.constant 0 : i32
      %scan3A_139 = arith.constant 5 : i32
      %scan3A_140 = arith.addi %scan3A_138, %scan3A_139 : i32
      %scan3A_141 = arith.constant 1 : i32
      %scan3A_142 = scf.for %scan3A_145 = %scan3A_138 to %scan3A_140 step %scan3A_141 iter_args(%scan3A_146 = %scan3A_137) -> (i32)  : i32 {
        %mul3A_147 = arith.constant 16 : i32
        %mul3A_148 = arith.muli %mul3A_147, %scan3A_145 : i32
        %add3A_149 = arith.addi %mul3A_136, %mul3A_148 : i32
        %add3A_150 = arith.constant 0 : i32
        %add3A_151 = arith.addi %add3A_149, %add3A_150 : i32
        %get3A_152 = arith.index_cast %add3A_151 : i32 to index
        %get3A_153 = arith.constant 0 : index
        %get3A_154 = tpu.vector_load %arg7[%get3A_152, %get3A_153] {strides = array<i32>} : memref<320x128xf32, #tpu.memory_space<vmem>>, vector<16xf32>,
        %add3A_155 = arith.constant 0 : i32
        %add3A_156 = arith.addi %add3A_149, %add3A_155 : i32
        %get3A_157 = arith.index_cast %add3A_156 : i32 to index
        %get3A_158 = arith.constant 0 : index
        %get3A_159 = tpu.vector_load %arg8[%get3A_157, %get3A_158] {strides = array<i32>} : memref<320x128xf32, #tpu.memory_space<vmem>>, vector<16xf32>,
        %mul3A_160 = arith.mulf %get3A_154, %get3A_159 : vector<16xf32>
        %add3A_161 = arith.constant 0 : i32
        %add3A_162 = arith.addi %add3A_149, %add3A_161 : i32
        %get3A_163 = arith.index_cast %add3A_162 : i32 to index
        %get3A_164 = arith.constant 16 : index
        %get3A_165 = tpu.vector_load %arg7[%get3A_163, %get3A_164] {strides = array<i32>} : memref<320x128xf32, #tpu.memory_space<vmem>>, vector<16xf32>,
        %add3A_166 = arith.constant 0 : i32
        %add3A_167 = arith.addi %add3A_149, %add3A_166 : i32
        %get3A_168 = arith.index_cast %add3A_167 : i32 to index
        %get3A_169 = arith.constant 16 : index
        %get3A_170 = tpu.vector_load %arg8[%get3A_168, %get3A_169] {strides = array<i32>} : memref<320x128xf32, #tpu.memory_space<vmem>>, vector<16xf32>,
        %mul3A_171 = arith.mulf %get3A_165, %get3A_170 : vector<16xf32>
        %add3A_172 = arith.addf %mul3A_160, %mul3A_171 : vector<16xf32>
        %add3A_173 = arith.constant 0 : i32
        %add3A_174 = arith.addi %add3A_149, %add3A_173 : i32
        %get3A_175 = arith.index_cast %add3A_174 : i32 to index
        %get3A_176 = arith.constant 32 : index
        %get3A_177 = tpu.vector_load %arg7[%get3A_175, %get3A_176] {strides = array<i32>} : memref<320x128xf32, #tpu.memory_space<vmem>>, vector<16xf32>,
        %add3A_178 = arith.constant 0 : i32
        %add3A_179 = arith.addi %add3A_149, %add3A_178 : i32
        %get3A_180 = arith.index_cast %add3A_179 : i32 to index
        %get3A_181 = arith.constant 32 : index
        %get3A_182 = tpu.vector_load %arg8[%get3A_180, %get3A_181] {strides = array<i32>} : memref<320x128xf32, #tpu.memory_space<vmem>>, vector<16xf32>,
        %mul3A_183 = arith.mulf %get3A_177, %get3A_182 : vector<16xf32>
        %add3A_184 = arith.addf %add3A_172, %mul3A_183 : vector<16xf32>
        %add3A_185 = arith.constant 0 : i32
        %add3A_186 = arith.addi %add3A_149, %add3A_185 : i32
        %get3A_187 = arith.index_cast %add3A_186 : i32 to index
        %get3A_188 = arith.constant 48 : index
        %get3A_189 = tpu.vector_load %arg7[%get3A_187, %get3A_188] {strides = array<i32>} : memref<320x128xf32, #tpu.memory_space<vmem>>, vector<16xf32>,
        %add3A_190 = arith.constant 0 : i32
        %add3A_191 = arith.addi %add3A_149, %add3A_190 : i32
        %get3A_192 = arith.index_cast %add3A_191 : i32 to index
        %get3A_193 = arith.constant 48 : index
        %get3A_194 = tpu.vector_load %arg8[%get3A_192, %get3A_193] {strides = array<i32>} : memref<320x128xf32, #tpu.memory_space<vmem>>, vector<16xf32>,
        %mul3A_195 = arith.mulf %get3A_189, %get3A_194 : vector<16xf32>
        %add3A_196 = arith.addf %add3A_184, %mul3A_195 : vector<16xf32>
        %add3A_197 = arith.constant 0 : i32
        %add3A_198 = arith.addi %add3A_149, %add3A_197 : i32
        %get3A_199 = arith.index_cast %add3A_198 : i32 to index
        %get3A_200 = arith.constant 64 : index
        %get3A_201 = tpu.vector_load %arg7[%get3A_199, %get3A_200] {strides = array<i32>} : memref<320x128xf32, #tpu.memory_space<vmem>>, vector<16xf32>,
        %add3A_202 = arith.constant 0 : i32
        %add3A_203 = arith.addi %add3A_149, %add3A_202 : i32
        %get3A_204 = arith.index_cast %add3A_203 : i32 to index
        %get3A_205 = arith.constant 64 : index
        %get3A_206 = tpu.vector_load %arg8[%get3A_204, %get3A_205] {strides = array<i32>} : memref<320x128xf32, #tpu.memory_space<vmem>>, vector<16xf32>,
        %mul3A_207 = arith.mulf %get3A_201, %get3A_206 : vector<16xf32>
        %add3A_208 = arith.addf %add3A_196, %mul3A_207 : vector<16xf32>
        %add3A_209 = arith.constant 0 : i32
        %add3A_210 = arith.addi %add3A_149, %add3A_209 : i32
        %get3A_211 = arith.index_cast %add3A_210 : i32 to index
        %get3A_212 = arith.constant 80 : index
        %get3A_213 = tpu.vector_load %arg7[%get3A_211, %get3A_212] {strides = array<i32>} : memref<320x128xf32, #tpu.memory_space<vmem>>, vector<16xf32>,
        %add3A_214 = arith.constant 0 : i32
        %add3A_215 = arith.addi %add3A_149, %add3A_214 : i32
        %get3A_216 = arith.index_cast %add3A_215 : i32 to index
        %get3A_217 = arith.constant 80 : index
        %get3A_218 = tpu.vector_load %arg8[%get3A_216, %get3A_217] {strides = array<i32>} : memref<320x128xf32, #tpu.memory_space<vmem>>, vector<16xf32>,
        %mul3A_219 = arith.mulf %get3A_213, %get3A_218 : vector<16xf32>
        %add3A_220 = arith.addf %add3A_208, %mul3A_219 : vector<16xf32>
        %add3A_221 = arith.constant 0 : i32
        %add3A_222 = arith.addi %add3A_149, %add3A_221 : i32
        %get3A_223 = arith.index_cast %add3A_222 : i32 to index
        %get3A_224 = arith.constant 96 : index
        %get3A_225 = tpu.vector_load %arg7[%get3A_223, %get3A_224] {strides = array<i32>} : memref<320x128xf32, #tpu.memory_space<vmem>>, vector<16xf32>,
        %add3A_226 = arith.constant 0 : i32
        %add3A_227 = arith.addi %add3A_149, %add3A_226 : i32
        %get3A_228 = arith.index_cast %add3A_227 : i32 to index
        %get3A_229 = arith.constant 96 : index
        %get3A_230 = tpu.vector_load %arg8[%get3A_228, %get3A_229] {strides = array<i32>} : memref<320x128xf32, #tpu.memory_space<vmem>>, vector<16xf32>,
        %mul3A_231 = arith.mulf %get3A_225, %get3A_230 : vector<16xf32>
        %add3A_232 = arith.addf %add3A_220, %mul3A_231 : vector<16xf32>
        %add3A_233 = arith.constant 0 : i32
        %add3A_234 = arith.addi %add3A_149, %add3A_233 : i32
        %get3A_235 = arith.index_cast %add3A_234 : i32 to index
        %get3A_236 = arith.constant 112 : index
        %get3A_237 = tpu.vector_load %arg7[%get3A_235, %get3A_236] {strides = array<i32>} : memref<320x128xf32, #tpu.memory_space<vmem>>, vector<16xf32>,
        %add3A_238 = arith.constant 0 : i32
        %add3A_239 = arith.addi %add3A_149, %add3A_238 : i32
        %get3A_240 = arith.index_cast %add3A_239 : i32 to index
        %get3A_241 = arith.constant 112 : index
        %get3A_242 = tpu.vector_load %arg8[%get3A_240, %get3A_241] {strides = array<i32>} : memref<320x128xf32, #tpu.memory_space<vmem>>, vector<16xf32>,
        %mul3A_243 = arith.mulf %get3A_237, %get3A_242 : vector<16xf32>
        %add3A_244 = arith.addf %add3A_232, %mul3A_243 : vector<16xf32>
        %broadcast_in_dim3A = arith.constant true
        %broadcast_in_dim3A_245 = vector.broadcast %broadcast_in_dim3A : i1 to vector<16xi1>
        %masked_cumsum3A = tpu.scan <sum>, %add3A_244 masked %broadcast_in_dim3A_245 : vector<16xf32>, vector<16xi1> -> vector<16xf32>
        %mul3A_246 = arith.constant 80 : i32
        %mul3A_247 = arith.muli %scan3A_103, %mul3A_246 : i32
        %mul3A_248 = arith.constant 16 : i32
        %mul3A_249 = arith.muli %mul3A_248, %scan3A_145 : i32
        %add3A_250 = arith.addi %mul3A_247, %mul3A_249 : i32
        %add3A_251 = arith.constant 0 : i32
        %add3A_252 = arith.addi %add3A_250, %add3A_251 : i32
        %broadcast_in_dim3A_253 = vector.broadcast %add3A_252 : i32 to vector<16xi32>
        tpu.vector_store_idx %arg9[%broadcast_in_dim3A_253], %masked_cumsum3A masked %eq3A_6 : memref<10000xf32, #tpu.memory_space<vmem>>[vector<16xi32>], vector<16xf32>, vector<16xi1>
        %add3A_254 = arith.constant 1 : i32
        %add3A_255 = arith.addi %add3A_149, %add3A_254 : i32
        %get3A_256 = arith.index_cast %add3A_255 : i32 to index
        %get3A_257 = arith.constant 0 : index
        %get3A_258 = tpu.vector_load %arg7[%get3A_256, %get3A_257] {strides = array<i32>} : memref<320x128xf32, #tpu.memory_space<vmem>>, vector<16xf32>,
        %add3A_259 = arith.constant 1 : i32
        %add3A_260 = arith.addi %add3A_149, %add3A_259 : i32
        %get3A_261 = arith.index_cast %add3A_260 : i32 to index
        %get3A_262 = arith.constant 0 : index
        %get3A_263 = tpu.vector_load %arg8[%get3A_261, %get3A_262] {strides = array<i32>} : memref<320x128xf32, #tpu.memory_space<vmem>>, vector<16xf32>,
        %mul3A_264 = arith.mulf %get3A_258, %get3A_263 : vector<16xf32>
        %add3A_265 = arith.constant 1 : i32
        %add3A_266 = arith.addi %add3A_149, %add3A_265 : i32
        %get3A_267 = arith.index_cast %add3A_266 : i32 to index
        %get3A_268 = arith.constant 16 : index
        %get3A_269 = tpu.vector_load %arg7[%get3A_267, %get3A_268] {strides = array<i32>} : memref<320x128xf32, #tpu.memory_space<vmem>>, vector<16xf32>,
        %add3A_270 = arith.constant 1 : i32
        %add3A_271 = arith.addi %add3A_149, %add3A_270 : i32
        %get3A_272 = arith.index_cast %add3A_271 : i32 to index
        %get3A_273 = arith.constant 16 : index
        %get3A_274 = tpu.vector_load %arg8[%get3A_272, %get3A_273] {strides = array<i32>} : memref<320x128xf32, #tpu.memory_space<vmem>>, vector<16xf32>,
        %mul3A_275 = arith.mulf %get3A_269, %get3A_274 : vector<16xf32>
        %add3A_276 = arith.addf %mul3A_264, %mul3A_275 : vector<16xf32>
        %add3A_277 = arith.constant 1 : i32
        %add3A_278 = arith.addi %add3A_149, %add3A_277 : i32
        %get3A_279 = arith.index_cast %add3A_278 : i32 to index
        %get3A_280 = arith.constant 32 : index
        %get3A_281 = tpu.vector_load %arg7[%get3A_279, %get3A_280] {strides = array<i32>} : memref<320x128xf32, #tpu.memory_space<vmem>>, vector<16xf32>,
        %add3A_282 = arith.constant 1 : i32
        %add3A_283 = arith.addi %add3A_149, %add3A_282 : i32
        %get3A_284 = arith.index_cast %add3A_283 : i32 to index
        %get3A_285 = arith.constant 32 : index
        %get3A_286 = tpu.vector_load %arg8[%get3A_284, %get3A_285] {strides = array<i32>} : memref<320x128xf32, #tpu.memory_space<vmem>>, vector<16xf32>,
        %mul3A_287 = arith.mulf %get3A_281, %get3A_286 : vector<16xf32>
        %add3A_288 = arith.addf %add3A_276, %mul3A_287 : vector<16xf32>
        %add3A_289 = arith.constant 1 : i32
        %add3A_290 = arith.addi %add3A_149, %add3A_289 : i32
        %get3A_291 = arith.index_cast %add3A_290 : i32 to index
        %get3A_292 = arith.constant 48 : index
        %get3A_293 = tpu.vector_load %arg7[%get3A_291, %get3A_292] {strides = array<i32>} : memref<320x128xf32, #tpu.memory_space<vmem>>, vector<16xf32>,
        %add3A_294 = arith.constant 1 : i32
        %add3A_295 = arith.addi %add3A_149, %add3A_294 : i32
        %get3A_296 = arith.index_cast %add3A_295 : i32 to index
        %get3A_297 = arith.constant 48 : index
        %get3A_298 = tpu.vector_load %arg8[%get3A_296, %get3A_297] {strides = array<i32>} : memref<320x128xf32, #tpu.memory_space<vmem>>, vector<16xf32>,
        %mul3A_299 = arith.mulf %get3A_293, %get3A_298 : vector<16xf32>
        %add3A_300 = arith.addf %add3A_288, %mul3A_299 : vector<16xf32>
        %add3A_301 = arith.constant 1 : i32
        %add3A_302 = arith.addi %add3A_149, %add3A_301 : i32
        %get3A_303 = arith.index_cast %add3A_302 : i32 to index
        %get3A_304 = arith.constant 64 : index
        %get3A_305 = tpu.vector_load %arg7[%get3A_303, %get3A_304] {strides = array<i32>} : memref<320x128xf32, #tpu.memory_space<vmem>>, vector<16xf32>,
        %add3A_306 = arith.constant 1 : i32
        %add3A_307 = arith.addi %add3A_149, %add3A_306 : i32
        %get3A_308 = arith.index_cast %add3A_307 : i32 to index
        %get3A_309 = arith.constant 64 : index
        %get3A_310 = tpu.vector_load %arg8[%get3A_308, %get3A_309] {strides = array<i32>} : memref<320x128xf32, #tpu.memory_space<vmem>>, vector<16xf32>,
        %mul3A_311 = arith.mulf %get3A_305, %get3A_310 : vector<16xf32>
        %add3A_312 = arith.addf %add3A_300, %mul3A_311 : vector<16xf32>
        %add3A_313 = arith.constant 1 : i32
        %add3A_314 = arith.addi %add3A_149, %add3A_313 : i32
        %get3A_315 = arith.index_cast %add3A_314 : i32 to index
        %get3A_316 = arith.constant 80 : index
        %get3A_317 = tpu.vector_load %arg7[%get3A_315, %get3A_316] {strides = array<i32>} : memref<320x128xf32, #tpu.memory_space<vmem>>, vector<16xf32>,
        %add3A_318 = arith.constant 1 : i32
        %add3A_319 = arith.addi %add3A_149, %add3A_318 : i32
        %get3A_320 = arith.index_cast %add3A_319 : i32 to index
        %get3A_321 = arith.constant 80 : index
        %get3A_322 = tpu.vector_load %arg8[%get3A_320, %get3A_321] {strides = array<i32>} : memref<320x128xf32, #tpu.memory_space<vmem>>, vector<16xf32>,
        %mul3A_323 = arith.mulf %get3A_317, %get3A_322 : vector<16xf32>
        %add3A_324 = arith.addf %add3A_312, %mul3A_323 : vector<16xf32>
        %add3A_325 = arith.constant 1 : i32
        %add3A_326 = arith.addi %add3A_149, %add3A_325 : i32
        %get3A_327 = arith.index_cast %add3A_326 : i32 to index
        %get3A_328 = arith.constant 96 : index
        %get3A_329 = tpu.vector_load %arg7[%get3A_327, %get3A_328] {strides = array<i32>} : memref<320x128xf32, #tpu.memory_space<vmem>>, vector<16xf32>,
        %add3A_330 = arith.constant 1 : i32
        %add3A_331 = arith.addi %add3A_149, %add3A_330 : i32
        %get3A_332 = arith.index_cast %add3A_331 : i32 to index
        %get3A_333 = arith.constant 96 : index
        %get3A_334 = tpu.vector_load %arg8[%get3A_332, %get3A_333] {strides = array<i32>} : memref<320x128xf32, #tpu.memory_space<vmem>>, vector<16xf32>,
        %mul3A_335 = arith.mulf %get3A_329, %get3A_334 : vector<16xf32>
        %add3A_336 = arith.addf %add3A_324, %mul3A_335 : vector<16xf32>
        %add3A_337 = arith.constant 1 : i32
        %add3A_338 = arith.addi %add3A_149, %add3A_337 : i32
        %get3A_339 = arith.index_cast %add3A_338 : i32 to index
        %get3A_340 = arith.constant 112 : index
        %get3A_341 = tpu.vector_load %arg7[%get3A_339, %get3A_340] {strides = array<i32>} : memref<320x128xf32, #tpu.memory_space<vmem>>, vector<16xf32>,
        %add3A_342 = arith.constant 1 : i32
        %add3A_343 = arith.addi %add3A_149, %add3A_342 : i32
        %get3A_344 = arith.index_cast %add3A_343 : i32 to index
        %get3A_345 = arith.constant 112 : index
        %get3A_346 = tpu.vector_load %arg8[%get3A_344, %get3A_345] {strides = array<i32>} : memref<320x128xf32, #tpu.memory_space<vmem>>, vector<16xf32>,
        %mul3A_347 = arith.mulf %get3A_341, %get3A_346 : vector<16xf32>
        %add3A_348 = arith.addf %add3A_336, %mul3A_347 : vector<16xf32>
        %broadcast_in_dim3A_349 = arith.constant true
        %broadcast_in_dim3A_350 = vector.broadcast %broadcast_in_dim3A_349 : i1 to vector<16xi1>
        %masked_cumsum3A_351 = tpu.scan <sum>, %add3A_348 masked %broadcast_in_dim3A_350 : vector<16xf32>, vector<16xi1> -> vector<16xf32>
        %mul3A_352 = arith.constant 80 : i32
        %mul3A_353 = arith.muli %scan3A_103, %mul3A_352 : i32
        %mul3A_354 = arith.constant 16 : i32
        %mul3A_355 = arith.muli %mul3A_354, %scan3A_145 : i32
        %add3A_356 = arith.addi %mul3A_353, %mul3A_355 : i32
        %add3A_357 = arith.constant 1 : i32
        %add3A_358 = arith.addi %add3A_356, %add3A_357 : i32
        %broadcast_in_dim3A_359 = vector.broadcast %add3A_358 : i32 to vector<16xi32>
        tpu.vector_store_idx %arg9[%broadcast_in_dim3A_359], %masked_cumsum3A_351 masked %eq3A_6 : memref<10000xf32, #tpu.memory_space<vmem>>[vector<16xi32>], vector<16xf32>, vector<16xi1>
        %add3A_360 = arith.constant 2 : i32
        %add3A_361 = arith.addi %add3A_149, %add3A_360 : i32
        %get3A_362 = arith.index_cast %add3A_361 : i32 to index
        %get3A_363 = arith.constant 0 : index
        %get3A_364 = tpu.vector_load %arg7[%get3A_362, %get3A_363] {strides = array<i32>} : memref<320x128xf32, #tpu.memory_space<vmem>>, vector<16xf32>,
        %add3A_365 = arith.constant 2 : i32
        %add3A_366 = arith.addi %add3A_149, %add3A_365 : i32
        %get3A_367 = arith.index_cast %add3A_366 : i32 to index
        %get3A_368 = arith.constant 0 : index
        %get3A_369 = tpu.vector_load %arg8[%get3A_367, %get3A_368] {strides = array<i32>} : memref<320x128xf32, #tpu.memory_space<vmem>>, vector<16xf32>,
        %mul3A_370 = arith.mulf %get3A_364, %get3A_369 : vector<16xf32>
        %add3A_371 = arith.constant 2 : i32
        %add3A_372 = arith.addi %add3A_149, %add3A_371 : i32
        %get3A_373 = arith.index_cast %add3A_372 : i32 to index
        %get3A_374 = arith.constant 16 : index
        %get3A_375 = tpu.vector_load %arg7[%get3A_373, %get3A_374] {strides = array<i32>} : memref<320x128xf32, #tpu.memory_space<vmem>>, vector<16xf32>,
        %add3A_376 = arith.constant 2 : i32
        %add3A_377 = arith.addi %add3A_149, %add3A_376 : i32
        %get3A_378 = arith.index_cast %add3A_377 : i32 to index
        %get3A_379 = arith.constant 16 : index
        %get3A_380 = tpu.vector_load %arg8[%get3A_378, %get3A_379] {strides = array<i32>} : memref<320x128xf32, #tpu.memory_space<vmem>>, vector<16xf32>,
        %mul3A_381 = arith.mulf %get3A_375, %get3A_380 : vector<16xf32>
        %add3A_382 = arith.addf %mul3A_370, %mul3A_381 : vector<16xf32>
        %add3A_383 = arith.constant 2 : i32
        %add3A_384 = arith.addi %add3A_149, %add3A_383 : i32
        %get3A_385 = arith.index_cast %add3A_384 : i32 to index
        %get3A_386 = arith.constant 32 : index
        %get3A_387 = tpu.vector_load %arg7[%get3A_385, %get3A_386] {strides = array<i32>} : memref<320x128xf32, #tpu.memory_space<vmem>>, vector<16xf32>,
        %add3A_388 = arith.constant 2 : i32
        %add3A_389 = arith.addi %add3A_149, %add3A_388 : i32
        %get3A_390 = arith.index_cast %add3A_389 : i32 to index
        %get3A_391 = arith.constant 32 : index
        %get3A_392 = tpu.vector_load %arg8[%get3A_390, %get3A_391] {strides = array<i32>} : memref<320x128xf32, #tpu.memory_space<vmem>>, vector<16xf32>,
        %mul3A_393 = arith.mulf %get3A_387, %get3A_392 : vector<16xf32>
        %add3A_394 = arith.addf %add3A_382, %mul3A_393 : vector<16xf32>
        %add3A_395 = arith.constant 2 : i32
        %add3A_396 = arith.addi %add3A_149, %add3A_395 : i32
        %get3A_397 = arith.index_cast %add3A_396 : i32 to index
        %get3A_398 = arith.constant 48 : index
        %get3A_399 = tpu.vector_load %arg7[%get3A_397, %get3A_398] {strides = array<i32>} : memref<320x128xf32, #tpu.memory_space<vmem>>, vector<16xf32>,
        %add3A_400 = arith.constant 2 : i32
        %add3A_401 = arith.addi %add3A_149, %add3A_400 : i32
        %get3A_402 = arith.index_cast %add3A_401 : i32 to index
        %get3A_403 = arith.constant 48 : index
        %get3A_404 = tpu.vector_load %arg8[%get3A_402, %get3A_403] {strides = array<i32>} : memref<320x128xf32, #tpu.memory_space<vmem>>, vector<16xf32>,
        %mul3A_405 = arith.mulf %get3A_399, %get3A_404 : vector<16xf32>
        %add3A_406 = arith.addf %add3A_394, %mul3A_405 : vector<16xf32>
        %add3A_407 = arith.constant 2 : i32
        %add3A_408 = arith.addi %add3A_149, %add3A_407 : i32
        %get3A_409 = arith.index_cast %add3A_408 : i32 to index
        %get3A_410 = arith.constant 64 : index
        %get3A_411 = tpu.vector_load %arg7[%get3A_409, %get3A_410] {strides = array<i32>} : memref<320x128xf32, #tpu.memory_space<vmem>>, vector<16xf32>,
        %add3A_412 = arith.constant 2 : i32
        %add3A_413 = arith.addi %add3A_149, %add3A_412 : i32
        %get3A_414 = arith.index_cast %add3A_413 : i32 to index
        %get3A_415 = arith.constant 64 : index
        %get3A_416 = tpu.vector_load %arg8[%get3A_414, %get3A_415] {strides = array<i32>} : memref<320x128xf32, #tpu.memory_space<vmem>>, vector<16xf32>,
        %mul3A_417 = arith.mulf %get3A_411, %get3A_416 : vector<16xf32>
        %add3A_418 = arith.addf %add3A_406, %mul3A_417 : vector<16xf32>
        %add3A_419 = arith.constant 2 : i32
        %add3A_420 = arith.addi %add3A_149, %add3A_419 : i32
        %get3A_421 = arith.index_cast %add3A_420 : i32 to index
        %get3A_422 = arith.constant 80 : index
        %get3A_423 = tpu.vector_load %arg7[%get3A_421, %get3A_422] {strides = array<i32>} : memref<320x128xf32, #tpu.memory_space<vmem>>, vector<16xf32>,
        %add3A_424 = arith.constant 2 : i32
        %add3A_425 = arith.addi %add3A_149, %add3A_424 : i32
        %get3A_426 = arith.index_cast %add3A_425 : i32 to index
        %get3A_427 = arith.constant 80 : index
        %get3A_428 = tpu.vector_load %arg8[%get3A_426, %get3A_427] {strides = array<i32>} : memref<320x128xf32, #tpu.memory_space<vmem>>, vector<16xf32>,
        %mul3A_429 = arith.mulf %get3A_423, %get3A_428 : vector<16xf32>
        %add3A_430 = arith.addf %add3A_418, %mul3A_429 : vector<16xf32>
        %add3A_431 = arith.constant 2 : i32
        %add3A_432 = arith.addi %add3A_149, %add3A_431 : i32
        %get3A_433 = arith.index_cast %add3A_432 : i32 to index
        %get3A_434 = arith.constant 96 : index
        %get3A_435 = tpu.vector_load %arg7[%get3A_433, %get3A_434] {strides = array<i32>} : memref<320x128xf32, #tpu.memory_space<vmem>>, vector<16xf32>,
        %add3A_436 = arith.constant 2 : i32
        %add3A_437 = arith.addi %add3A_149, %add3A_436 : i32
        %get3A_438 = arith.index_cast %add3A_437 : i32 to index
        %get3A_439 = arith.constant 96 : index
        %get3A_440 = tpu.vector_load %arg8[%get3A_438, %get3A_439] {strides = array<i32>} : memref<320x128xf32, #tpu.memory_space<vmem>>, vector<16xf32>,
        %mul3A_441 = arith.mulf %get3A_435, %get3A_440 : vector<16xf32>
        %add3A_442 = arith.addf %add3A_430, %mul3A_441 : vector<16xf32>
        %add3A_443 = arith.constant 2 : i32
        %add3A_444 = arith.addi %add3A_149, %add3A_443 : i32
        %get3A_445 = arith.index_cast %add3A_444 : i32 to index
        %get3A_446 = arith.constant 112 : index
        %get3A_447 = tpu.vector_load %arg7[%get3A_445, %get3A_446] {strides = array<i32>} : memref<320x128xf32, #tpu.memory_space<vmem>>, vector<16xf32>,
        %add3A_448 = arith.constant 2 : i32
        %add3A_449 = arith.addi %add3A_149, %add3A_448 : i32
        %get3A_450 = arith.index_cast %add3A_449 : i32 to index
        %get3A_451 = arith.constant 112 : index
        %get3A_452 = tpu.vector_load %arg8[%get3A_450, %get3A_451] {strides = array<i32>} : memref<320x128xf32, #tpu.memory_space<vmem>>, vector<16xf32>,
        %mul3A_453 = arith.mulf %get3A_447, %get3A_452 : vector<16xf32>
        %add3A_454 = arith.addf %add3A_442, %mul3A_453 : vector<16xf32>
        %broadcast_in_dim3A_455 = arith.constant true
        %broadcast_in_dim3A_456 = vector.broadcast %broadcast_in_dim3A_455 : i1 to vector<16xi1>
        %masked_cumsum3A_457 = tpu.scan <sum>, %add3A_454 masked %broadcast_in_dim3A_456 : vector<16xf32>, vector<16xi1> -> vector<16xf32>
        %mul3A_458 = arith.constant 80 : i32
        %mul3A_459 = arith.muli %scan3A_103, %mul3A_458 : i32
        %mul3A_460 = arith.constant 16 : i32
        %mul3A_461 = arith.muli %mul3A_460, %scan3A_145 : i32
        %add3A_462 = arith.addi %mul3A_459, %mul3A_461 : i32
        %add3A_463 = arith.constant 2 : i32
        %add3A_464 = arith.addi %add3A_462, %add3A_463 : i32
        %broadcast_in_dim3A_465 = vector.broadcast %add3A_464 : i32 to vector<16xi32>
        tpu.vector_store_idx %arg9[%broadcast_in_dim3A_465], %masked_cumsum3A_457 masked %eq3A_6 : memref<10000xf32, #tpu.memory_space<vmem>>[vector<16xi32>], vector<16xf32>, vector<16xi1>
        %add3A_466 = arith.constant 3 : i32
        %add3A_467 = arith.addi %add3A_149, %add3A_466 : i32
        %get3A_468 = arith.index_cast %add3A_467 : i32 to index
        %get3A_469 = arith.constant 0 : index
        %get3A_470 = tpu.vector_load %arg7[%get3A_468, %get3A_469] {strides = array<i32>} : memref<320x128xf32, #tpu.memory_space<vmem>>, vector<16xf32>,
        %add3A_471 = arith.constant 3 : i32
        %add3A_472 = arith.addi %add3A_149, %add3A_471 : i32
        %get3A_473 = arith.index_cast %add3A_472 : i32 to index
        %get3A_474 = arith.constant 0 : index
        %get3A_475 = tpu.vector_load %arg8[%get3A_473, %get3A_474] {strides = array<i32>} : memref<320x128xf32, #tpu.memory_space<vmem>>, vector<16xf32>,
        %mul3A_476 = arith.mulf %get3A_470, %get3A_475 : vector<16xf32>
        %add3A_477 = arith.constant 3 : i32
        %add3A_478 = arith.addi %add3A_149, %add3A_477 : i32
        %get3A_479 = arith.index_cast %add3A_478 : i32 to index
        %get3A_480 = arith.constant 16 : index
        %get3A_481 = tpu.vector_load %arg7[%get3A_479, %get3A_480] {strides = array<i32>} : memref<320x128xf32, #tpu.memory_space<vmem>>, vector<16xf32>,
        %add3A_482 = arith.constant 3 : i32
        %add3A_483 = arith.addi %add3A_149, %add3A_482 : i32
        %get3A_484 = arith.index_cast %add3A_483 : i32 to index
        %get3A_485 = arith.constant 16 : index
        %get3A_486 = tpu.vector_load %arg8[%get3A_484, %get3A_485] {strides = array<i32>} : memref<320x128xf32, #tpu.memory_space<vmem>>, vector<16xf32>,
        %mul3A_487 = arith.mulf %get3A_481, %get3A_486 : vector<16xf32>
        %add3A_488 = arith.addf %mul3A_476, %mul3A_487 : vector<16xf32>
        %add3A_489 = arith.constant 3 : i32
        %add3A_490 = arith.addi %add3A_149, %add3A_489 : i32
        %get3A_491 = arith.index_cast %add3A_490 : i32 to index
        %get3A_492 = arith.constant 32 : index
        %get3A_493 = tpu.vector_load %arg7[%get3A_491, %get3A_492] {strides = array<i32>} : memref<320x128xf32, #tpu.memory_space<vmem>>, vector<16xf32>,
        %add3A_494 = arith.constant 3 : i32
        %add3A_495 = arith.addi %add3A_149, %add3A_494 : i32
        %get3A_496 = arith.index_cast %add3A_495 : i32 to index
        %get3A_497 = arith.constant 32 : index
        %get3A_498 = tpu.vector_load %arg8[%get3A_496, %get3A_497] {strides = array<i32>} : memref<320x128xf32, #tpu.memory_space<vmem>>, vector<16xf32>,
        %mul3A_499 = arith.mulf %get3A_493, %get3A_498 : vector<16xf32>
        %add3A_500 = arith.addf %add3A_488, %mul3A_499 : vector<16xf32>
        %add3A_501 = arith.constant 3 : i32
        %add3A_502 = arith.addi %add3A_149, %add3A_501 : i32
        %get3A_503 = arith.index_cast %add3A_502 : i32 to index
        %get3A_504 = arith.constant 48 : index
        %get3A_505 = tpu.vector_load %arg7[%get3A_503, %get3A_504] {strides = array<i32>} : memref<320x128xf32, #tpu.memory_space<vmem>>, vector<16xf32>,
        %add3A_506 = arith.constant 3 : i32
        %add3A_507 = arith.addi %add3A_149, %add3A_506 : i32
        %get3A_508 = arith.index_cast %add3A_507 : i32 to index
        %get3A_509 = arith.constant 48 : index
        %get3A_510 = tpu.vector_load %arg8[%get3A_508, %get3A_509] {strides = array<i32>} : memref<320x128xf32, #tpu.memory_space<vmem>>, vector<16xf32>,
        %mul3A_511 = arith.mulf %get3A_505, %get3A_510 : vector<16xf32>
        %add3A_512 = arith.addf %add3A_500, %mul3A_511 : vector<16xf32>
        %add3A_513 = arith.constant 3 : i32
        %add3A_514 = arith.addi %add3A_149, %add3A_513 : i32
        %get3A_515 = arith.index_cast %add3A_514 : i32 to index
        %get3A_516 = arith.constant 64 : index
        %get3A_517 = tpu.vector_load %arg7[%get3A_515, %get3A_516] {strides = array<i32>} : memref<320x128xf32, #tpu.memory_space<vmem>>, vector<16xf32>,
        %add3A_518 = arith.constant 3 : i32
        %add3A_519 = arith.addi %add3A_149, %add3A_518 : i32
        %get3A_520 = arith.index_cast %add3A_519 : i32 to index
        %get3A_521 = arith.constant 64 : index
        %get3A_522 = tpu.vector_load %arg8[%get3A_520, %get3A_521] {strides = array<i32>} : memref<320x128xf32, #tpu.memory_space<vmem>>, vector<16xf32>,
        %mul3A_523 = arith.mulf %get3A_517, %get3A_522 : vector<16xf32>
        %add3A_524 = arith.addf %add3A_512, %mul3A_523 : vector<16xf32>
        %add3A_525 = arith.constant 3 : i32
        %add3A_526 = arith.addi %add3A_149, %add3A_525 : i32
        %get3A_527 = arith.index_cast %add3A_526 : i32 to index
        %get3A_528 = arith.constant 80 : index
        %get3A_529 = tpu.vector_load %arg7[%get3A_527, %get3A_528] {strides = array<i32>} : memref<320x128xf32, #tpu.memory_space<vmem>>, vector<16xf32>,
        %add3A_530 = arith.constant 3 : i32
        %add3A_531 = arith.addi %add3A_149, %add3A_530 : i32
        %get3A_532 = arith.index_cast %add3A_531 : i32 to index
        %get3A_533 = arith.constant 80 : index
        %get3A_534 = tpu.vector_load %arg8[%get3A_532, %get3A_533] {strides = array<i32>} : memref<320x128xf32, #tpu.memory_space<vmem>>, vector<16xf32>,
        %mul3A_535 = arith.mulf %get3A_529, %get3A_534 : vector<16xf32>
        %add3A_536 = arith.addf %add3A_524, %mul3A_535 : vector<16xf32>
        %add3A_537 = arith.constant 3 : i32
        %add3A_538 = arith.addi %add3A_149, %add3A_537 : i32
        %get3A_539 = arith.index_cast %add3A_538 : i32 to index
        %get3A_540 = arith.constant 96 : index
        %get3A_541 = tpu.vector_load %arg7[%get3A_539, %get3A_540] {strides = array<i32>} : memref<320x128xf32, #tpu.memory_space<vmem>>, vector<16xf32>,
        %add3A_542 = arith.constant 3 : i32
        %add3A_543 = arith.addi %add3A_149, %add3A_542 : i32
        %get3A_544 = arith.index_cast %add3A_543 : i32 to index
        %get3A_545 = arith.constant 96 : index
        %get3A_546 = tpu.vector_load %arg8[%get3A_544, %get3A_545] {strides = array<i32>} : memref<320x128xf32, #tpu.memory_space<vmem>>, vector<16xf32>,
        %mul3A_547 = arith.mulf %get3A_541, %get3A_546 : vector<16xf32>
        %add3A_548 = arith.addf %add3A_536, %mul3A_547 : vector<16xf32>
        %add3A_549 = arith.constant 3 : i32
        %add3A_550 = arith.addi %add3A_149, %add3A_549 : i32
        %get3A_551 = arith.index_cast %add3A_550 : i32 to index
        %get3A_552 = arith.constant 112 : index
        %get3A_553 = tpu.vector_load %arg7[%get3A_551, %get3A_552] {strides = array<i32>} : memref<320x128xf32, #tpu.memory_space<vmem>>, vector<16xf32>,
        %add3A_554 = arith.constant 3 : i32
        %add3A_555 = arith.addi %add3A_149, %add3A_554 : i32
        %get3A_556 = arith.index_cast %add3A_555 : i32 to index
        %get3A_557 = arith.constant 112 : index
        %get3A_558 = tpu.vector_load %arg8[%get3A_556, %get3A_557] {strides = array<i32>} : memref<320x128xf32, #tpu.memory_space<vmem>>, vector<16xf32>,
        %mul3A_559 = arith.mulf %get3A_553, %get3A_558 : vector<16xf32>
        %add3A_560 = arith.addf %add3A_548, %mul3A_559 : vector<16xf32>
        %broadcast_in_dim3A_561 = arith.constant true
        %broadcast_in_dim3A_562 = vector.broadcast %broadcast_in_dim3A_561 : i1 to vector<16xi1>
        %masked_cumsum3A_563 = tpu.scan <sum>, %add3A_560 masked %broadcast_in_dim3A_562 : vector<16xf32>, vector<16xi1> -> vector<16xf32>
        %mul3A_564 = arith.constant 80 : i32
        %mul3A_565 = arith.muli %scan3A_103, %mul3A_564 : i32
        %mul3A_566 = arith.constant 16 : i32
        %mul3A_567 = arith.muli %mul3A_566, %scan3A_145 : i32
        %add3A_568 = arith.addi %mul3A_565, %mul3A_567 : i32
        %add3A_569 = arith.constant 3 : i32
        %add3A_570 = arith.addi %add3A_568, %add3A_569 : i32
        %broadcast_in_dim3A_571 = vector.broadcast %add3A_570 : i32 to vector<16xi32>
        tpu.vector_store_idx %arg9[%broadcast_in_dim3A_571], %masked_cumsum3A_563 masked %eq3A_6 : memref<10000xf32, #tpu.memory_space<vmem>>[vector<16xi32>], vector<16xf32>, vector<16xi1>
        %add3A_572 = arith.constant 4 : i32
        %add3A_573 = arith.addi %add3A_149, %add3A_572 : i32
        %get3A_574 = arith.index_cast %add3A_573 : i32 to index
        %get3A_575 = arith.constant 0 : index
        %get3A_576 = tpu.vector_load %arg7[%get3A_574, %get3A_575] {strides = array<i32>} : memref<320x128xf32, #tpu.memory_space<vmem>>, vector<16xf32>,
        %add3A_577 = arith.constant 4 : i32
        %add3A_578 = arith.addi %add3A_149, %add3A_577 : i32
        %get3A_579 = arith.index_cast %add3A_578 : i32 to index
        %get3A_580 = arith.constant 0 : index
        %get3A_581 = tpu.vector_load %arg8[%get3A_579, %get3A_580] {strides = array<i32>} : memref<320x128xf32, #tpu.memory_space<vmem>>, vector<16xf32>,
        %mul3A_582 = arith.mulf %get3A_576, %get3A_581 : vector<16xf32>
        %add3A_583 = arith.constant 4 : i32
        %add3A_584 = arith.addi %add3A_149, %add3A_583 : i32
        %get3A_585 = arith.index_cast %add3A_584 : i32 to index
        %get3A_586 = arith.constant 16 : index
        %get3A_587 = tpu.vector_load %arg7[%get3A_585, %get3A_586] {strides = array<i32>} : memref<320x128xf32, #tpu.memory_space<vmem>>, vector<16xf32>,
        %add3A_588 = arith.constant 4 : i32
        %add3A_589 = arith.addi %add3A_149, %add3A_588 : i32
        %get3A_590 = arith.index_cast %add3A_589 : i32 to index
        %get3A_591 = arith.constant 16 : index
        %get3A_592 = tpu.vector_load %arg8[%get3A_590, %get3A_591] {strides = array<i32>} : memref<320x128xf32, #tpu.memory_space<vmem>>, vector<16xf32>,
        %mul3A_593 = arith.mulf %get3A_587, %get3A_592 : vector<16xf32>
        %add3A_594 = arith.addf %mul3A_582, %mul3A_593 : vector<16xf32>
        %add3A_595 = arith.constant 4 : i32
        %add3A_596 = arith.addi %add3A_149, %add3A_595 : i32
        %get3A_597 = arith.index_cast %add3A_596 : i32 to index
        %get3A_598 = arith.constant 32 : index
        %get3A_599 = tpu.vector_load %arg7[%get3A_597, %get3A_598] {strides = array<i32>} : memref<320x128xf32, #tpu.memory_space<vmem>>, vector<16xf32>,
        %add3A_600 = arith.constant 4 : i32
        %add3A_601 = arith.addi %add3A_149, %add3A_600 : i32
        %get3A_602 = arith.index_cast %add3A_601 : i32 to index
        %get3A_603 = arith.constant 32 : index
        %get3A_604 = tpu.vector_load %arg8[%get3A_602, %get3A_603] {strides = array<i32>} : memref<320x128xf32, #tpu.memory_space<vmem>>, vector<16xf32>,
        %mul3A_605 = arith.mulf %get3A_599, %get3A_604 : vector<16xf32>
        %add3A_606 = arith.addf %add3A_594, %mul3A_605 : vector<16xf32>
        %add3A_607 = arith.constant 4 : i32
        %add3A_608 = arith.addi %add3A_149, %add3A_607 : i32
        %get3A_609 = arith.index_cast %add3A_608 : i32 to index
        %get3A_610 = arith.constant 48 : index
        %get3A_611 = tpu.vector_load %arg7[%get3A_609, %get3A_610] {strides = array<i32>} : memref<320x128xf32, #tpu.memory_space<vmem>>, vector<16xf32>,
        %add3A_612 = arith.constant 4 : i32
        %add3A_613 = arith.addi %add3A_149, %add3A_612 : i32
        %get3A_614 = arith.index_cast %add3A_613 : i32 to index
        %get3A_615 = arith.constant 48 : index
        %get3A_616 = tpu.vector_load %arg8[%get3A_614, %get3A_615] {strides = array<i32>} : memref<320x128xf32, #tpu.memory_space<vmem>>, vector<16xf32>,
        %mul3A_617 = arith.mulf %get3A_611, %get3A_616 : vector<16xf32>
        %add3A_618 = arith.addf %add3A_606, %mul3A_617 : vector<16xf32>
        %add3A_619 = arith.constant 4 : i32
        %add3A_620 = arith.addi %add3A_149, %add3A_619 : i32
        %get3A_621 = arith.index_cast %add3A_620 : i32 to index
        %get3A_622 = arith.constant 64 : index
        %get3A_623 = tpu.vector_load %arg7[%get3A_621, %get3A_622] {strides = array<i32>} : memref<320x128xf32, #tpu.memory_space<vmem>>, vector<16xf32>,
        %add3A_624 = arith.constant 4 : i32
        %add3A_625 = arith.addi %add3A_149, %add3A_624 : i32
        %get3A_626 = arith.index_cast %add3A_625 : i32 to index
        %get3A_627 = arith.constant 64 : index
        %get3A_628 = tpu.vector_load %arg8[%get3A_626, %get3A_627] {strides = array<i32>} : memref<320x128xf32, #tpu.memory_space<vmem>>, vector<16xf32>,
        %mul3A_629 = arith.mulf %get3A_623, %get3A_628 : vector<16xf32>
        %add3A_630 = arith.addf %add3A_618, %mul3A_629 : vector<16xf32>
        %add3A_631 = arith.constant 4 : i32
        %add3A_632 = arith.addi %add3A_149, %add3A_631 : i32
        %get3A_633 = arith.index_cast %add3A_632 : i32 to index
        %get3A_634 = arith.constant 80 : index
        %get3A_635 = tpu.vector_load %arg7[%get3A_633, %get3A_634] {strides = array<i32>} : memref<320x128xf32, #tpu.memory_space<vmem>>, vector<16xf32>,
        %add3A_636 = arith.constant 4 : i32
        %add3A_637 = arith.addi %add3A_149, %add3A_636 : i32
        %get3A_638 = arith.index_cast %add3A_637 : i32 to index
        %get3A_639 = arith.constant 80 : index
        %get3A_640 = tpu.vector_load %arg8[%get3A_638, %get3A_639] {strides = array<i32>} : memref<320x128xf32, #tpu.memory_space<vmem>>, vector<16xf32>,
        %mul3A_641 = arith.mulf %get3A_635, %get3A_640 : vector<16xf32>
        %add3A_642 = arith.addf %add3A_630, %mul3A_641 : vector<16xf32>
        %add3A_643 = arith.constant 4 : i32
        %add3A_644 = arith.addi %add3A_149, %add3A_643 : i32
        %get3A_645 = arith.index_cast %add3A_644 : i32 to index
        %get3A_646 = arith.constant 96 : index
        %get3A_647 = tpu.vector_load %arg7[%get3A_645, %get3A_646] {strides = array<i32>} : memref<320x128xf32, #tpu.memory_space<vmem>>, vector<16xf32>,
        %add3A_648 = arith.constant 4 : i32
        %add3A_649 = arith.addi %add3A_149, %add3A_648 : i32
        %get3A_650 = arith.index_cast %add3A_649 : i32 to index
        %get3A_651 = arith.constant 96 : index
        %get3A_652 = tpu.vector_load %arg8[%get3A_650, %get3A_651] {strides = array<i32>} : memref<320x128xf32, #tpu.memory_space<vmem>>, vector<16xf32>,
        %mul3A_653 = arith.mulf %get3A_647, %get3A_652 : vector<16xf32>
        %add3A_654 = arith.addf %add3A_642, %mul3A_653 : vector<16xf32>
        %add3A_655 = arith.constant 4 : i32
        %add3A_656 = arith.addi %add3A_149, %add3A_655 : i32
        %get3A_657 = arith.index_cast %add3A_656 : i32 to index
        %get3A_658 = arith.constant 112 : index
        %get3A_659 = tpu.vector_load %arg7[%get3A_657, %get3A_658] {strides = array<i32>} : memref<320x128xf32, #tpu.memory_space<vmem>>, vector<16xf32>,
        %add3A_660 = arith.constant 4 : i32
        %add3A_661 = arith.addi %add3A_149, %add3A_660 : i32
        %get3A_662 = arith.index_cast %add3A_661 : i32 to index
        %get3A_663 = arith.constant 112 : index
        %get3A_664 = tpu.vector_load %arg8[%get3A_662, %get3A_663] {strides = array<i32>} : memref<320x128xf32, #tpu.memory_space<vmem>>, vector<16xf32>,
        %mul3A_665 = arith.mulf %get3A_659, %get3A_664 : vector<16xf32>
        %add3A_666 = arith.addf %add3A_654, %mul3A_665 : vector<16xf32>
        %broadcast_in_dim3A_667 = arith.constant true
        %broadcast_in_dim3A_668 = vector.broadcast %broadcast_in_dim3A_667 : i1 to vector<16xi1>
        %masked_cumsum3A_669 = tpu.scan <sum>, %add3A_666 masked %broadcast_in_dim3A_668 : vector<16xf32>, vector<16xi1> -> vector<16xf32>
        %mul3A_670 = arith.constant 80 : i32
        %mul3A_671 = arith.muli %scan3A_103, %mul3A_670 : i32
        %mul3A_672 = arith.constant 16 : i32
        %mul3A_673 = arith.muli %mul3A_672, %scan3A_145 : i32
        %add3A_674 = arith.addi %mul3A_671, %mul3A_673 : i32
        %add3A_675 = arith.constant 4 : i32
        %add3A_676 = arith.addi %add3A_674, %add3A_675 : i32
        %broadcast_in_dim3A_677 = vector.broadcast %add3A_676 : i32 to vector<16xi32>
        tpu.vector_store_idx %arg9[%broadcast_in_dim3A_677], %masked_cumsum3A_669 masked %eq3A_6 : memref<10000xf32, #tpu.memory_space<vmem>>[vector<16xi32>], vector<16xf32>, vector<16xi1>
        %add3A_678 = arith.constant 5 : i32
        %add3A_679 = arith.addi %add3A_149, %add3A_678 : i32
        %get3A_680 = arith.index_cast %add3A_679 : i32 to index
        %get3A_681 = arith.constant 0 : index
        %get3A_682 = tpu.vector_load %arg7[%get3A_680, %get3A_681] {strides = array<i32>} : memref<320x128xf32, #tpu.memory_space<vmem>>, vector<16xf32>,
        %add3A_683 = arith.constant 5 : i32
        %add3A_684 = arith.addi %add3A_149, %add3A_683 : i32
        %get3A_685 = arith.index_cast %add3A_684 : i32 to index
        %get3A_686 = arith.constant 0 : index
        %get3A_687 = tpu.vector_load %arg8[%get3A_685, %get3A_686] {strides = array<i32>} : memref<320x128xf32, #tpu.memory_space<vmem>>, vector<16xf32>,
        %mul3A_688 = arith.mulf %get3A_682, %get3A_687 : vector<16xf32>
        %add3A_689 = arith.constant 5 : i32
        %add3A_690 = arith.addi %add3A_149, %add3A_689 : i32
        %get3A_691 = arith.index_cast %add3A_690 : i32 to index
        %get3A_692 = arith.constant 16 : index
        %get3A_693 = tpu.vector_load %arg7[%get3A_691, %get3A_692] {strides = array<i32>} : memref<320x128xf32, #tpu.memory_space<vmem>>, vector<16xf32>,
        %add3A_694 = arith.constant 5 : i32
        %add3A_695 = arith.addi %add3A_149, %add3A_694 : i32
        %get3A_696 = arith.index_cast %add3A_695 : i32 to index
        %get3A_697 = arith.constant 16 : index
        %get3A_698 = tpu.vector_load %arg8[%get3A_696, %get3A_697] {strides = array<i32>} : memref<320x128xf32, #tpu.memory_space<vmem>>, vector<16xf32>,
        %mul3A_699 = arith.mulf %get3A_693, %get3A_698 : vector<16xf32>
        %add3A_700 = arith.addf %mul3A_688, %mul3A_699 : vector<16xf32>
        %add3A_701 = arith.constant 5 : i32
        %add3A_702 = arith.addi %add3A_149, %add3A_701 : i32
        %get3A_703 = arith.index_cast %add3A_702 : i32 to index
        %get3A_704 = arith.constant 32 : index
        %get3A_705 = tpu.vector_load %arg7[%get3A_703, %get3A_704] {strides = array<i32>} : memref<320x128xf32, #tpu.memory_space<vmem>>, vector<16xf32>,
        %add3A_706 = arith.constant 5 : i32
        %add3A_707 = arith.addi %add3A_149, %add3A_706 : i32
        %get3A_708 = arith.index_cast %add3A_707 : i32 to index
        %get3A_709 = arith.constant 32 : index
        %get3A_710 = tpu.vector_load %arg8[%get3A_708, %get3A_709] {strides = array<i32>} : memref<320x128xf32, #tpu.memory_space<vmem>>, vector<16xf32>,
        %mul3A_711 = arith.mulf %get3A_705, %get3A_710 : vector<16xf32>
        %add3A_712 = arith.addf %add3A_700, %mul3A_711 : vector<16xf32>
        %add3A_713 = arith.constant 5 : i32
        %add3A_714 = arith.addi %add3A_149, %add3A_713 : i32
        %get3A_715 = arith.index_cast %add3A_714 : i32 to index
        %get3A_716 = arith.constant 48 : index
        %get3A_717 = tpu.vector_load %arg7[%get3A_715, %get3A_716] {strides = array<i32>} : memref<320x128xf32, #tpu.memory_space<vmem>>, vector<16xf32>,
        %add3A_718 = arith.constant 5 : i32
        %add3A_719 = arith.addi %add3A_149, %add3A_718 : i32
        %get3A_720 = arith.index_cast %add3A_719 : i32 to index
        %get3A_721 = arith.constant 48 : index
        %get3A_722 = tpu.vector_load %arg8[%get3A_720, %get3A_721] {strides = array<i32>} : memref<320x128xf32, #tpu.memory_space<vmem>>, vector<16xf32>,
        %mul3A_723 = arith.mulf %get3A_717, %get3A_722 : vector<16xf32>
        %add3A_724 = arith.addf %add3A_712, %mul3A_723 : vector<16xf32>
        %add3A_725 = arith.constant 5 : i32
        %add3A_726 = arith.addi %add3A_149, %add3A_725 : i32
        %get3A_727 = arith.index_cast %add3A_726 : i32 to index
        %get3A_728 = arith.constant 64 : index
        %get3A_729 = tpu.vector_load %arg7[%get3A_727, %get3A_728] {strides = array<i32>} : memref<320x128xf32, #tpu.memory_space<vmem>>, vector<16xf32>,
        %add3A_730 = arith.constant 5 : i32
        %add3A_731 = arith.addi %add3A_149, %add3A_730 : i32
        %get3A_732 = arith.index_cast %add3A_731 : i32 to index
        %get3A_733 = arith.constant 64 : index
        %get3A_734 = tpu.vector_load %arg8[%get3A_732, %get3A_733] {strides = array<i32>} : memref<320x128xf32, #tpu.memory_space<vmem>>, vector<16xf32>,
        %mul3A_735 = arith.mulf %get3A_729, %get3A_734 : vector<16xf32>
        %add3A_736 = arith.addf %add3A_724, %mul3A_735 : vector<16xf32>
        %add3A_737 = arith.constant 5 : i32
        %add3A_738 = arith.addi %add3A_149, %add3A_737 : i32
        %get3A_739 = arith.index_cast %add3A_738 : i32 to index
        %get3A_740 = arith.constant 80 : index
        %get3A_741 = tpu.vector_load %arg7[%get3A_739, %get3A_740] {strides = array<i32>} : memref<320x128xf32, #tpu.memory_space<vmem>>, vector<16xf32>,
        %add3A_742 = arith.constant 5 : i32
        %add3A_743 = arith.addi %add3A_149, %add3A_742 : i32
        %get3A_744 = arith.index_cast %add3A_743 : i32 to index
        %get3A_745 = arith.constant 80 : index
        %get3A_746 = tpu.vector_load %arg8[%get3A_744, %get3A_745] {strides = array<i32>} : memref<320x128xf32, #tpu.memory_space<vmem>>, vector<16xf32>,
        %mul3A_747 = arith.mulf %get3A_741, %get3A_746 : vector<16xf32>
        %add3A_748 = arith.addf %add3A_736, %mul3A_747 : vector<16xf32>
        %add3A_749 = arith.constant 5 : i32
        %add3A_750 = arith.addi %add3A_149, %add3A_749 : i32
        %get3A_751 = arith.index_cast %add3A_750 : i32 to index
        %get3A_752 = arith.constant 96 : index
        %get3A_753 = tpu.vector_load %arg7[%get3A_751, %get3A_752] {strides = array<i32>} : memref<320x128xf32, #tpu.memory_space<vmem>>, vector<16xf32>,
        %add3A_754 = arith.constant 5 : i32
        %add3A_755 = arith.addi %add3A_149, %add3A_754 : i32
        %get3A_756 = arith.index_cast %add3A_755 : i32 to index
        %get3A_757 = arith.constant 96 : index
        %get3A_758 = tpu.vector_load %arg8[%get3A_756, %get3A_757] {strides = array<i32>} : memref<320x128xf32, #tpu.memory_space<vmem>>, vector<16xf32>,
        %mul3A_759 = arith.mulf %get3A_753, %get3A_758 : vector<16xf32>
        %add3A_760 = arith.addf %add3A_748, %mul3A_759 : vector<16xf32>
        %add3A_761 = arith.constant 5 : i32
        %add3A_762 = arith.addi %add3A_149, %add3A_761 : i32
        %get3A_763 = arith.index_cast %add3A_762 : i32 to index
        %get3A_764 = arith.constant 112 : index
        %get3A_765 = tpu.vector_load %arg7[%get3A_763, %get3A_764] {strides = array<i32>} : memref<320x128xf32, #tpu.memory_space<vmem>>, vector<16xf32>,
        %add3A_766 = arith.constant 5 : i32
        %add3A_767 = arith.addi %add3A_149, %add3A_766 : i32
        %get3A_768 = arith.index_cast %add3A_767 : i32 to index
        %get3A_769 = arith.constant 112 : index
        %get3A_770 = tpu.vector_load %arg8[%get3A_768, %get3A_769] {strides = array<i32>} : memref<320x128xf32, #tpu.memory_space<vmem>>, vector<16xf32>,
        %mul3A_771 = arith.mulf %get3A_765, %get3A_770 : vector<16xf32>
        %add3A_772 = arith.addf %add3A_760, %mul3A_771 : vector<16xf32>
        %broadcast_in_dim3A_773 = arith.constant true
        %broadcast_in_dim3A_774 = vector.broadcast %broadcast_in_dim3A_773 : i1 to vector<16xi1>
        %masked_cumsum3A_775 = tpu.scan <sum>, %add3A_772 masked %broadcast_in_dim3A_774 : vector<16xf32>, vector<16xi1> -> vector<16xf32>
        %mul3A_776 = arith.constant 80 : i32
        %mul3A_777 = arith.muli %scan3A_103, %mul3A_776 : i32
        %mul3A_778 = arith.constant 16 : i32
        %mul3A_779 = arith.muli %mul3A_778, %scan3A_145 : i32
        %add3A_780 = arith.addi %mul3A_777, %mul3A_779 : i32
        %add3A_781 = arith.constant 5 : i32
        %add3A_782 = arith.addi %add3A_780, %add3A_781 : i32
        %broadcast_in_dim3A_783 = vector.broadcast %add3A_782 : i32 to vector<16xi32>
        tpu.vector_store_idx %arg9[%broadcast_in_dim3A_783], %masked_cumsum3A_775 masked %eq3A_6 : memref<10000xf32, #tpu.memory_space<vmem>>[vector<16xi32>], vector<16xf32>, vector<16xi1>
        %add3A_784 = arith.constant 6 : i32
        %add3A_785 = arith.addi %add3A_149, %add3A_784 : i32
        %get3A_786 = arith.index_cast %add3A_785 : i32 to index
        %get3A_787 = arith.constant 0 : index
        %get3A_788 = tpu.vector_load %arg7[%get3A_786, %get3A_787] {strides = array<i32>} : memref<320x128xf32, #tpu.memory_space<vmem>>, vector<16xf32>,
        %add3A_789 = arith.constant 6 : i32
        %add3A_790 = arith.addi %add3A_149, %add3A_789 : i32
        %get3A_791 = arith.index_cast %add3A_790 : i32 to index
        %get3A_792 = arith.constant 0 : index
        %get3A_793 = tpu.vector_load %arg8[%get3A_791, %get3A_792] {strides = array<i32>} : memref<320x128xf32, #tpu.memory_space<vmem>>, vector<16xf32>,
        %mul3A_794 = arith.mulf %get3A_788, %get3A_793 : vector<16xf32>
        %add3A_795 = arith.constant 6 : i32
        %add3A_796 = arith.addi %add3A_149, %add3A_795 : i32
        %get3A_797 = arith.index_cast %add3A_796 : i32 to index
        %get3A_798 = arith.constant 16 : index
        %get3A_799 = tpu.vector_load %arg7[%get3A_797, %get3A_798] {strides = array<i32>} : memref<320x128xf32, #tpu.memory_space<vmem>>, vector<16xf32>,
        %add3A_800 = arith.constant 6 : i32
        %add3A_801 = arith.addi %add3A_149, %add3A_800 : i32
        %get3A_802 = arith.index_cast %add3A_801 : i32 to index
        %get3A_803 = arith.constant 16 : index
        %get3A_804 = tpu.vector_load %arg8[%get3A_802, %get3A_803] {strides = array<i32>} : memref<320x128xf32, #tpu.memory_space<vmem>>, vector<16xf32>,
        %mul3A_805 = arith.mulf %get3A_799, %get3A_804 : vector<16xf32>
        %add3A_806 = arith.addf %mul3A_794, %mul3A_805 : vector<16xf32>
        %add3A_807 = arith.constant 6 : i32
        %add3A_808 = arith.addi %add3A_149, %add3A_807 : i32
        %get3A_809 = arith.index_cast %add3A_808 : i32 to index
        %get3A_810 = arith.constant 32 : index
        %get3A_811 = tpu.vector_load %arg7[%get3A_809, %get3A_810] {strides = array<i32>} : memref<320x128xf32, #tpu.memory_space<vmem>>, vector<16xf32>,
        %add3A_812 = arith.constant 6 : i32
        %add3A_813 = arith.addi %add3A_149, %add3A_812 : i32
        %get3A_814 = arith.index_cast %add3A_813 : i32 to index
        %get3A_815 = arith.constant 32 : index
        %get3A_816 = tpu.vector_load %arg8[%get3A_814, %get3A_815] {strides = array<i32>} : memref<320x128xf32, #tpu.memory_space<vmem>>, vector<16xf32>,
        %mul3A_817 = arith.mulf %get3A_811, %get3A_816 : vector<16xf32>
        %add3A_818 = arith.addf %add3A_806, %mul3A_817 : vector<16xf32>
        %add3A_819 = arith.constant 6 : i32
        %add3A_820 = arith.addi %add3A_149, %add3A_819 : i32
        %get3A_821 = arith.index_cast %add3A_820 : i32 to index
        %get3A_822 = arith.constant 48 : index
        %get3A_823 = tpu.vector_load %arg7[%get3A_821, %get3A_822] {strides = array<i32>} : memref<320x128xf32, #tpu.memory_space<vmem>>, vector<16xf32>,
        %add3A_824 = arith.constant 6 : i32
        %add3A_825 = arith.addi %add3A_149, %add3A_824 : i32
        %get3A_826 = arith.index_cast %add3A_825 : i32 to index
        %get3A_827 = arith.constant 48 : index
        %get3A_828 = tpu.vector_load %arg8[%get3A_826, %get3A_827] {strides = array<i32>} : memref<320x128xf32, #tpu.memory_space<vmem>>, vector<16xf32>,
        %mul3A_829 = arith.mulf %get3A_823, %get3A_828 : vector<16xf32>
        %add3A_830 = arith.addf %add3A_818, %mul3A_829 : vector<16xf32>
        %add3A_831 = arith.constant 6 : i32
        %add3A_832 = arith.addi %add3A_149, %add3A_831 : i32
        %get3A_833 = arith.index_cast %add3A_832 : i32 to index
        %get3A_834 = arith.constant 64 : index
        %get3A_835 = tpu.vector_load %arg7[%get3A_833, %get3A_834] {strides = array<i32>} : memref<320x128xf32, #tpu.memory_space<vmem>>, vector<16xf32>,
        %add3A_836 = arith.constant 6 : i32
        %add3A_837 = arith.addi %add3A_149, %add3A_836 : i32
        %get3A_838 = arith.index_cast %add3A_837 : i32 to index
        %get3A_839 = arith.constant 64 : index
        %get3A_840 = tpu.vector_load %arg8[%get3A_838, %get3A_839] {strides = array<i32>} : memref<320x128xf32, #tpu.memory_space<vmem>>, vector<16xf32>,
        %mul3A_841 = arith.mulf %get3A_835, %get3A_840 : vector<16xf32>
        %add3A_842 = arith.addf %add3A_830, %mul3A_841 : vector<16xf32>
        %add3A_843 = arith.constant 6 : i32
        %add3A_844 = arith.addi %add3A_149, %add3A_843 : i32
        %get3A_845 = arith.index_cast %add3A_844 : i32 to index
        %get3A_846 = arith.constant 80 : index
        %get3A_847 = tpu.vector_load %arg7[%get3A_845, %get3A_846] {strides = array<i32>} : memref<320x128xf32, #tpu.memory_space<vmem>>, vector<16xf32>,
        %add3A_848 = arith.constant 6 : i32
        %add3A_849 = arith.addi %add3A_149, %add3A_848 : i32
        %get3A_850 = arith.index_cast %add3A_849 : i32 to index
        %get3A_851 = arith.constant 80 : index
        %get3A_852 = tpu.vector_load %arg8[%get3A_850, %get3A_851] {strides = array<i32>} : memref<320x128xf32, #tpu.memory_space<vmem>>, vector<16xf32>,
        %mul3A_853 = arith.mulf %get3A_847, %get3A_852 : vector<16xf32>
        %add3A_854 = arith.addf %add3A_842, %mul3A_853 : vector<16xf32>
        %add3A_855 = arith.constant 6 : i32
        %add3A_856 = arith.addi %add3A_149, %add3A_855 : i32
        %get3A_857 = arith.index_cast %add3A_856 : i32 to index
        %get3A_858 = arith.constant 96 : index
        %get3A_859 = tpu.vector_load %arg7[%get3A_857, %get3A_858] {strides = array<i32>} : memref<320x128xf32, #tpu.memory_space<vmem>>, vector<16xf32>,
        %add3A_860 = arith.constant 6 : i32
        %add3A_861 = arith.addi %add3A_149, %add3A_860 : i32
        %get3A_862 = arith.index_cast %add3A_861 : i32 to index
        %get3A_863 = arith.constant 96 : index
        %get3A_864 = tpu.vector_load %arg8[%get3A_862, %get3A_863] {strides = array<i32>} : memref<320x128xf32, #tpu.memory_space<vmem>>, vector<16xf32>,
        %mul3A_865 = arith.mulf %get3A_859, %get3A_864 : vector<16xf32>
        %add3A_866 = arith.addf %add3A_854, %mul3A_865 : vector<16xf32>
        %add3A_867 = arith.constant 6 : i32
        %add3A_868 = arith.addi %add3A_149, %add3A_867 : i32
        %get3A_869 = arith.index_cast %add3A_868 : i32 to index
        %get3A_870 = arith.constant 112 : index
        %get3A_871 = tpu.vector_load %arg7[%get3A_869, %get3A_870] {strides = array<i32>} : memref<320x128xf32, #tpu.memory_space<vmem>>, vector<16xf32>,
        %add3A_872 = arith.constant 6 : i32
        %add3A_873 = arith.addi %add3A_149, %add3A_872 : i32
        %get3A_874 = arith.index_cast %add3A_873 : i32 to index
        %get3A_875 = arith.constant 112 : index
        %get3A_876 = tpu.vector_load %arg8[%get3A_874, %get3A_875] {strides = array<i32>} : memref<320x128xf32, #tpu.memory_space<vmem>>, vector<16xf32>,
        %mul3A_877 = arith.mulf %get3A_871, %get3A_876 : vector<16xf32>
        %add3A_878 = arith.addf %add3A_866, %mul3A_877 : vector<16xf32>
        %broadcast_in_dim3A_879 = arith.constant true
        %broadcast_in_dim3A_880 = vector.broadcast %broadcast_in_dim3A_879 : i1 to vector<16xi1>
        %masked_cumsum3A_881 = tpu.scan <sum>, %add3A_878 masked %broadcast_in_dim3A_880 : vector<16xf32>, vector<16xi1> -> vector<16xf32>
        %mul3A_882 = arith.constant 80 : i32
        %mul3A_883 = arith.muli %scan3A_103, %mul3A_882 : i32
        %mul3A_884 = arith.constant 16 : i32
        %mul3A_885 = arith.muli %mul3A_884, %scan3A_145 : i32
        %add3A_886 = arith.addi %mul3A_883, %mul3A_885 : i32
        %add3A_887 = arith.constant 6 : i32
        %add3A_888 = arith.addi %add3A_886, %add3A_887 : i32
        %broadcast_in_dim3A_889 = vector.broadcast %add3A_888 : i32 to vector<16xi32>
        tpu.vector_store_idx %arg9[%broadcast_in_dim3A_889], %masked_cumsum3A_881 masked %eq3A_6 : memref<10000xf32, #tpu.memory_space<vmem>>[vector<16xi32>], vector<16xf32>, vector<16xi1>
        %add3A_890 = arith.constant 7 : i32
        %add3A_891 = arith.addi %add3A_149, %add3A_890 : i32
        %get3A_892 = arith.index_cast %add3A_891 : i32 to index
        %get3A_893 = arith.constant 0 : index
        %get3A_894 = tpu.vector_load %arg7[%get3A_892, %get3A_893] {strides = array<i32>} : memref<320x128xf32, #tpu.memory_space<vmem>>, vector<16xf32>,
        %add3A_895 = arith.constant 7 : i32
        %add3A_896 = arith.addi %add3A_149, %add3A_895 : i32
        %get3A_897 = arith.index_cast %add3A_896 : i32 to index
        %get3A_898 = arith.constant 0 : index
        %get3A_899 = tpu.vector_load %arg8[%get3A_897, %get3A_898] {strides = array<i32>} : memref<320x128xf32, #tpu.memory_space<vmem>>, vector<16xf32>,
        %mul3A_900 = arith.mulf %get3A_894, %get3A_899 : vector<16xf32>
        %add3A_901 = arith.constant 7 : i32
        %add3A_902 = arith.addi %add3A_149, %add3A_901 : i32
        %get3A_903 = arith.index_cast %add3A_902 : i32 to index
        %get3A_904 = arith.constant 16 : index
        %get3A_905 = tpu.vector_load %arg7[%get3A_903, %get3A_904] {strides = array<i32>} : memref<320x128xf32, #tpu.memory_space<vmem>>, vector<16xf32>,
        %add3A_906 = arith.constant 7 : i32
        %add3A_907 = arith.addi %add3A_149, %add3A_906 : i32
        %get3A_908 = arith.index_cast %add3A_907 : i32 to index
        %get3A_909 = arith.constant 16 : index
        %get3A_910 = tpu.vector_load %arg8[%get3A_908, %get3A_909] {strides = array<i32>} : memref<320x128xf32, #tpu.memory_space<vmem>>, vector<16xf32>,
        %mul3A_911 = arith.mulf %get3A_905, %get3A_910 : vector<16xf32>
        %add3A_912 = arith.addf %mul3A_900, %mul3A_911 : vector<16xf32>
        %add3A_913 = arith.constant 7 : i32
        %add3A_914 = arith.addi %add3A_149, %add3A_913 : i32
        %get3A_915 = arith.index_cast %add3A_914 : i32 to index
        %get3A_916 = arith.constant 32 : index
        %get3A_917 = tpu.vector_load %arg7[%get3A_915, %get3A_916] {strides = array<i32>} : memref<320x128xf32, #tpu.memory_space<vmem>>, vector<16xf32>,
        %add3A_918 = arith.constant 7 : i32
        %add3A_919 = arith.addi %add3A_149, %add3A_918 : i32
        %get3A_920 = arith.index_cast %add3A_919 : i32 to index
        %get3A_921 = arith.constant 32 : index
        %get3A_922 = tpu.vector_load %arg8[%get3A_920, %get3A_921] {strides = array<i32>} : memref<320x128xf32, #tpu.memory_space<vmem>>, vector<16xf32>,
        %mul3A_923 = arith.mulf %get3A_917, %get3A_922 : vector<16xf32>
        %add3A_924 = arith.addf %add3A_912, %mul3A_923 : vector<16xf32>
        %add3A_925 = arith.constant 7 : i32
        %add3A_926 = arith.addi %add3A_149, %add3A_925 : i32
        %get3A_927 = arith.index_cast %add3A_926 : i32 to index
        %get3A_928 = arith.constant 48 : index
        %get3A_929 = tpu.vector_load %arg7[%get3A_927, %get3A_928] {strides = array<i32>} : memref<320x128xf32, #tpu.memory_space<vmem>>, vector<16xf32>,
        %add3A_930 = arith.constant 7 : i32
        %add3A_931 = arith.addi %add3A_149, %add3A_930 : i32
        %get3A_932 = arith.index_cast %add3A_931 : i32 to index
        %get3A_933 = arith.constant 48 : index
        %get3A_934 = tpu.vector_load %arg8[%get3A_932, %get3A_933] {strides = array<i32>} : memref<320x128xf32, #tpu.memory_space<vmem>>, vector<16xf32>,
        %mul3A_935 = arith.mulf %get3A_929, %get3A_934 : vector<16xf32>
        %add3A_936 = arith.addf %add3A_924, %mul3A_935 : vector<16xf32>
        %add3A_937 = arith.constant 7 : i32
        %add3A_938 = arith.addi %add3A_149, %add3A_937 : i32
        %get3A_939 = arith.index_cast %add3A_938 : i32 to index
        %get3A_940 = arith.constant 64 : index
        %get3A_941 = tpu.vector_load %arg7[%get3A_939, %get3A_940] {strides = array<i32>} : memref<320x128xf32, #tpu.memory_space<vmem>>, vector<16xf32>,
        %add3A_942 = arith.constant 7 : i32
        %add3A_943 = arith.addi %add3A_149, %add3A_942 : i32
        %get3A_944 = arith.index_cast %add3A_943 : i32 to index
        %get3A_945 = arith.constant 64 : index
        %get3A_946 = tpu.vector_load %arg8[%get3A_944, %get3A_945] {strides = array<i32>} : memref<320x128xf32, #tpu.memory_space<vmem>>, vector<16xf32>,
        %mul3A_947 = arith.mulf %get3A_941, %get3A_946 : vector<16xf32>
        %add3A_948 = arith.addf %add3A_936, %mul3A_947 : vector<16xf32>
        %add3A_949 = arith.constant 7 : i32
        %add3A_950 = arith.addi %add3A_149, %add3A_949 : i32
        %get3A_951 = arith.index_cast %add3A_950 : i32 to index
        %get3A_952 = arith.constant 80 : index
        %get3A_953 = tpu.vector_load %arg7[%get3A_951, %get3A_952] {strides = array<i32>} : memref<320x128xf32, #tpu.memory_space<vmem>>, vector<16xf32>,
        %add3A_954 = arith.constant 7 : i32
        %add3A_955 = arith.addi %add3A_149, %add3A_954 : i32
        %get3A_956 = arith.index_cast %add3A_955 : i32 to index
        %get3A_957 = arith.constant 80 : index
        %get3A_958 = tpu.vector_load %arg8[%get3A_956, %get3A_957] {strides = array<i32>} : memref<320x128xf32, #tpu.memory_space<vmem>>, vector<16xf32>,
        %mul3A_959 = arith.mulf %get3A_953, %get3A_958 : vector<16xf32>
        %add3A_960 = arith.addf %add3A_948, %mul3A_959 : vector<16xf32>
        %add3A_961 = arith.constant 7 : i32
        %add3A_962 = arith.addi %add3A_149, %add3A_961 : i32
        %get3A_963 = arith.index_cast %add3A_962 : i32 to index
        %get3A_964 = arith.constant 96 : index
        %get3A_965 = tpu.vector_load %arg7[%get3A_963, %get3A_964] {strides = array<i32>} : memref<320x128xf32, #tpu.memory_space<vmem>>, vector<16xf32>,
        %add3A_966 = arith.constant 7 : i32
        %add3A_967 = arith.addi %add3A_149, %add3A_966 : i32
        %get3A_968 = arith.index_cast %add3A_967 : i32 to index
        %get3A_969 = arith.constant 96 : index
        %get3A_970 = tpu.vector_load %arg8[%get3A_968, %get3A_969] {strides = array<i32>} : memref<320x128xf32, #tpu.memory_space<vmem>>, vector<16xf32>,
        %mul3A_971 = arith.mulf %get3A_965, %get3A_970 : vector<16xf32>
        %add3A_972 = arith.addf %add3A_960, %mul3A_971 : vector<16xf32>
        %add3A_973 = arith.constant 7 : i32
        %add3A_974 = arith.addi %add3A_149, %add3A_973 : i32
        %get3A_975 = arith.index_cast %add3A_974 : i32 to index
        %get3A_976 = arith.constant 112 : index
        %get3A_977 = tpu.vector_load %arg7[%get3A_975, %get3A_976] {strides = array<i32>} : memref<320x128xf32, #tpu.memory_space<vmem>>, vector<16xf32>,
        %add3A_978 = arith.constant 7 : i32
        %add3A_979 = arith.addi %add3A_149, %add3A_978 : i32
        %get3A_980 = arith.index_cast %add3A_979 : i32 to index
        %get3A_981 = arith.constant 112 : index
        %get3A_982 = tpu.vector_load %arg8[%get3A_980, %get3A_981] {strides = array<i32>} : memref<320x128xf32, #tpu.memory_space<vmem>>, vector<16xf32>,
        %mul3A_983 = arith.mulf %get3A_977, %get3A_982 : vector<16xf32>
        %add3A_984 = arith.addf %add3A_972, %mul3A_983 : vector<16xf32>
        %broadcast_in_dim3A_985 = arith.constant true
        %broadcast_in_dim3A_986 = vector.broadcast %broadcast_in_dim3A_985 : i1 to vector<16xi1>
        %masked_cumsum3A_987 = tpu.scan <sum>, %add3A_984 masked %broadcast_in_dim3A_986 : vector<16xf32>, vector<16xi1> -> vector<16xf32>
        %mul3A_988 = arith.constant 80 : i32
        %mul3A_989 = arith.muli %scan3A_103, %mul3A_988 : i32
        %mul3A_990 = arith.constant 16 : i32
        %mul3A_991 = arith.muli %mul3A_990, %scan3A_145 : i32
        %add3A_992 = arith.addi %mul3A_989, %mul3A_991 : i32
        %add3A_993 = arith.constant 7 : i32
        %add3A_994 = arith.addi %add3A_992, %add3A_993 : i32
        %broadcast_in_dim3A_995 = vector.broadcast %add3A_994 : i32 to vector<16xi32>
        tpu.vector_store_idx %arg9[%broadcast_in_dim3A_995], %masked_cumsum3A_987 masked %eq3A_6 : memref<10000xf32, #tpu.memory_space<vmem>>[vector<16xi32>], vector<16xf32>, vector<16xi1>
        %add3A_996 = arith.constant 8 : i32
        %add3A_997 = arith.addi %add3A_149, %add3A_996 : i32
        %get3A_998 = arith.index_cast %add3A_997 : i32 to index
        %get3A_999 = arith.constant 0 : index
        %get3A_1000 = tpu.vector_load %arg7[%get3A_998, %get3A_999] {strides = array<i32>} : memref<320x128xf32, #tpu.memory_space<vmem>>, vector<16xf32>,
        %add3A_1001 = arith.constant 8 : i32
        %add3A_1002 = arith.addi %add3A_149, %add3A_1001 : i32
        %get3A_1003 = arith.index_cast %add3A_1002 : i32 to index
        %get3A_1004 = arith.constant 0 : index
        %get3A_1005 = tpu.vector_load %arg8[%get3A_1003, %get3A_1004] {strides = array<i32>} : memref<320x128xf32, #tpu.memory_space<vmem>>, vector<16xf32>,
        %mul3A_1006 = arith.mulf %get3A_1000, %get3A_1005 : vector<16xf32>
        %add3A_1007 = arith.constant 8 : i32
        %add3A_1008 = arith.addi %add3A_149, %add3A_1007 : i32
        %get3A_1009 = arith.index_cast %add3A_1008 : i32 to index
        %get3A_1010 = arith.constant 16 : index
        %get3A_1011 = tpu.vector_load %arg7[%get3A_1009, %get3A_1010] {strides = array<i32>} : memref<320x128xf32, #tpu.memory_space<vmem>>, vector<16xf32>,
        %add3A_1012 = arith.constant 8 : i32
        %add3A_1013 = arith.addi %add3A_149, %add3A_1012 : i32
        %get3A_1014 = arith.index_cast %add3A_1013 : i32 to index
        %get3A_1015 = arith.constant 16 : index
        %get3A_1016 = tpu.vector_load %arg8[%get3A_1014, %get3A_1015] {strides = array<i32>} : memref<320x128xf32, #tpu.memory_space<vmem>>, vector<16xf32>,
        %mul3A_1017 = arith.mulf %get3A_1011, %get3A_1016 : vector<16xf32>
        %add3A_1018 = arith.addf %mul3A_1006, %mul3A_1017 : vector<16xf32>
        %add3A_1019 = arith.constant 8 : i32
        %add3A_1020 = arith.addi %add3A_149, %add3A_1019 : i32
        %get3A_1021 = arith.index_cast %add3A_1020 : i32 to index
        %get3A_1022 = arith.constant 32 : index
        %get3A_1023 = tpu.vector_load %arg7[%get3A_1021, %get3A_1022] {strides = array<i32>} : memref<320x128xf32, #tpu.memory_space<vmem>>, vector<16xf32>,
        %add3A_1024 = arith.constant 8 : i32
        %add3A_1025 = arith.addi %add3A_149, %add3A_1024 : i32
        %get3A_1026 = arith.index_cast %add3A_1025 : i32 to index
        %get3A_1027 = arith.constant 32 : index
        %get3A_1028 = tpu.vector_load %arg8[%get3A_1026, %get3A_1027] {strides = array<i32>} : memref<320x128xf32, #tpu.memory_space<vmem>>, vector<16xf32>,
        %mul3A_1029 = arith.mulf %get3A_1023, %get3A_1028 : vector<16xf32>
        %add3A_1030 = arith.addf %add3A_1018, %mul3A_1029 : vector<16xf32>
        %add3A_1031 = arith.constant 8 : i32
        %add3A_1032 = arith.addi %add3A_149, %add3A_1031 : i32
        %get3A_1033 = arith.index_cast %add3A_1032 : i32 to index
        %get3A_1034 = arith.constant 48 : index
        %get3A_1035 = tpu.vector_load %arg7[%get3A_1033, %get3A_1034] {strides = array<i32>} : memref<320x128xf32, #tpu.memory_space<vmem>>, vector<16xf32>,
        %add3A_1036 = arith.constant 8 : i32
        %add3A_1037 = arith.addi %add3A_149, %add3A_1036 : i32
        %get3A_1038 = arith.index_cast %add3A_1037 : i32 to index
        %get3A_1039 = arith.constant 48 : index
        %get3A_1040 = tpu.vector_load %arg8[%get3A_1038, %get3A_1039] {strides = array<i32>} : memref<320x128xf32, #tpu.memory_space<vmem>>, vector<16xf32>,
        %mul3A_1041 = arith.mulf %get3A_1035, %get3A_1040 : vector<16xf32>
        %add3A_1042 = arith.addf %add3A_1030, %mul3A_1041 : vector<16xf32>
        %add3A_1043 = arith.constant 8 : i32
        %add3A_1044 = arith.addi %add3A_149, %add3A_1043 : i32
        %get3A_1045 = arith.index_cast %add3A_1044 : i32 to index
        %get3A_1046 = arith.constant 64 : index
        %get3A_1047 = tpu.vector_load %arg7[%get3A_1045, %get3A_1046] {strides = array<i32>} : memref<320x128xf32, #tpu.memory_space<vmem>>, vector<16xf32>,
        %add3A_1048 = arith.constant 8 : i32
        %add3A_1049 = arith.addi %add3A_149, %add3A_1048 : i32
        %get3A_1050 = arith.index_cast %add3A_1049 : i32 to index
        %get3A_1051 = arith.constant 64 : index
        %get3A_1052 = tpu.vector_load %arg8[%get3A_1050, %get3A_1051] {strides = array<i32>} : memref<320x128xf32, #tpu.memory_space<vmem>>, vector<16xf32>,
        %mul3A_1053 = arith.mulf %get3A_1047, %get3A_1052 : vector<16xf32>
        %add3A_1054 = arith.addf %add3A_1042, %mul3A_1053 : vector<16xf32>
        %add3A_1055 = arith.constant 8 : i32
        %add3A_1056 = arith.addi %add3A_149, %add3A_1055 : i32
        %get3A_1057 = arith.index_cast %add3A_1056 : i32 to index
        %get3A_1058 = arith.constant 80 : index
        %get3A_1059 = tpu.vector_load %arg7[%get3A_1057, %get3A_1058] {strides = array<i32>} : memref<320x128xf32, #tpu.memory_space<vmem>>, vector<16xf32>,
        %add3A_1060 = arith.constant 8 : i32
        %add3A_1061 = arith.addi %add3A_149, %add3A_1060 : i32
        %get3A_1062 = arith.index_cast %add3A_1061 : i32 to index
        %get3A_1063 = arith.constant 80 : index
        %get3A_1064 = tpu.vector_load %arg8[%get3A_1062, %get3A_1063] {strides = array<i32>} : memref<320x128xf32, #tpu.memory_space<vmem>>, vector<16xf32>,
        %mul3A_1065 = arith.mulf %get3A_1059, %get3A_1064 : vector<16xf32>
        %add3A_1066 = arith.addf %add3A_1054, %mul3A_1065 : vector<16xf32>
        %add3A_1067 = arith.constant 8 : i32
        %add3A_1068 = arith.addi %add3A_149, %add3A_1067 : i32
        %get3A_1069 = arith.index_cast %add3A_1068 : i32 to index
        %get3A_1070 = arith.constant 96 : index
        %get3A_1071 = tpu.vector_load %arg7[%get3A_1069, %get3A_1070] {strides = array<i32>} : memref<320x128xf32, #tpu.memory_space<vmem>>, vector<16xf32>,
        %add3A_1072 = arith.constant 8 : i32
        %add3A_1073 = arith.addi %add3A_149, %add3A_1072 : i32
        %get3A_1074 = arith.index_cast %add3A_1073 : i32 to index
        %get3A_1075 = arith.constant 96 : index
        %get3A_1076 = tpu.vector_load %arg8[%get3A_1074, %get3A_1075] {strides = array<i32>} : memref<320x128xf32, #tpu.memory_space<vmem>>, vector<16xf32>,
        %mul3A_1077 = arith.mulf %get3A_1071, %get3A_1076 : vector<16xf32>
        %add3A_1078 = arith.addf %add3A_1066, %mul3A_1077 : vector<16xf32>
        %add3A_1079 = arith.constant 8 : i32
        %add3A_1080 = arith.addi %add3A_149, %add3A_1079 : i32
        %get3A_1081 = arith.index_cast %add3A_1080 : i32 to index
        %get3A_1082 = arith.constant 112 : index
        %get3A_1083 = tpu.vector_load %arg7[%get3A_1081, %get3A_1082] {strides = array<i32>} : memref<320x128xf32, #tpu.memory_space<vmem>>, vector<16xf32>,
        %add3A_1084 = arith.constant 8 : i32
        %add3A_1085 = arith.addi %add3A_149, %add3A_1084 : i32
        %get3A_1086 = arith.index_cast %add3A_1085 : i32 to index
        %get3A_1087 = arith.constant 112 : index
        %get3A_1088 = tpu.vector_load %arg8[%get3A_1086, %get3A_1087] {strides = array<i32>} : memref<320x128xf32, #tpu.memory_space<vmem>>, vector<16xf32>,
        %mul3A_1089 = arith.mulf %get3A_1083, %get3A_1088 : vector<16xf32>
        %add3A_1090 = arith.addf %add3A_1078, %mul3A_1089 : vector<16xf32>
        %broadcast_in_dim3A_1091 = arith.constant true
        %broadcast_in_dim3A_1092 = vector.broadcast %broadcast_in_dim3A_1091 : i1 to vector<16xi1>
        %masked_cumsum3A_1093 = tpu.scan <sum>, %add3A_1090 masked %broadcast_in_dim3A_1092 : vector<16xf32>, vector<16xi1> -> vector<16xf32>
        %mul3A_1094 = arith.constant 80 : i32
        %mul3A_1095 = arith.muli %scan3A_103, %mul3A_1094 : i32
        %mul3A_1096 = arith.constant 16 : i32
        %mul3A_1097 = arith.muli %mul3A_1096, %scan3A_145 : i32
        %add3A_1098 = arith.addi %mul3A_1095, %mul3A_1097 : i32
        %add3A_1099 = arith.constant 8 : i32
        %add3A_1100 = arith.addi %add3A_1098, %add3A_1099 : i32
        %broadcast_in_dim3A_1101 = vector.broadcast %add3A_1100 : i32 to vector<16xi32>
        tpu.vector_store_idx %arg9[%broadcast_in_dim3A_1101], %masked_cumsum3A_1093 masked %eq3A_6 : memref<10000xf32, #tpu.memory_space<vmem>>[vector<16xi32>], vector<16xf32>, vector<16xi1>
        %add3A_1102 = arith.constant 9 : i32
        %add3A_1103 = arith.addi %add3A_149, %add3A_1102 : i32
        %get3A_1104 = arith.index_cast %add3A_1103 : i32 to index
        %get3A_1105 = arith.constant 0 : index
        %get3A_1106 = tpu.vector_load %arg7[%get3A_1104, %get3A_1105] {strides = array<i32>} : memref<320x128xf32, #tpu.memory_space<vmem>>, vector<16xf32>,
        %add3A_1107 = arith.constant 9 : i32
        %add3A_1108 = arith.addi %add3A_149, %add3A_1107 : i32
        %get3A_1109 = arith.index_cast %add3A_1108 : i32 to index
        %get3A_1110 = arith.constant 0 : index
        %get3A_1111 = tpu.vector_load %arg8[%get3A_1109, %get3A_1110] {strides = array<i32>} : memref<320x128xf32, #tpu.memory_space<vmem>>, vector<16xf32>,
        %mul3A_1112 = arith.mulf %get3A_1106, %get3A_1111 : vector<16xf32>
        %add3A_1113 = arith.constant 9 : i32
        %add3A_1114 = arith.addi %add3A_149, %add3A_1113 : i32
        %get3A_1115 = arith.index_cast %add3A_1114 : i32 to index
        %get3A_1116 = arith.constant 16 : index
        %get3A_1117 = tpu.vector_load %arg7[%get3A_1115, %get3A_1116] {strides = array<i32>} : memref<320x128xf32, #tpu.memory_space<vmem>>, vector<16xf32>,
        %add3A_1118 = arith.constant 9 : i32
        %add3A_1119 = arith.addi %add3A_149, %add3A_1118 : i32
        %get3A_1120 = arith.index_cast %add3A_1119 : i32 to index
        %get3A_1121 = arith.constant 16 : index
        %get3A_1122 = tpu.vector_load %arg8[%get3A_1120, %get3A_1121] {strides = array<i32>} : memref<320x128xf32, #tpu.memory_space<vmem>>, vector<16xf32>,
        %mul3A_1123 = arith.mulf %get3A_1117, %get3A_1122 : vector<16xf32>
        %add3A_1124 = arith.addf %mul3A_1112, %mul3A_1123 : vector<16xf32>
        %add3A_1125 = arith.constant 9 : i32
        %add3A_1126 = arith.addi %add3A_149, %add3A_1125 : i32
        %get3A_1127 = arith.index_cast %add3A_1126 : i32 to index
        %get3A_1128 = arith.constant 32 : index
        %get3A_1129 = tpu.vector_load %arg7[%get3A_1127, %get3A_1128] {strides = array<i32>} : memref<320x128xf32, #tpu.memory_space<vmem>>, vector<16xf32>,
        %add3A_1130 = arith.constant 9 : i32
        %add3A_1131 = arith.addi %add3A_149, %add3A_1130 : i32
        %get3A_1132 = arith.index_cast %add3A_1131 : i32 to index
        %get3A_1133 = arith.constant 32 : index
        %get3A_1134 = tpu.vector_load %arg8[%get3A_1132, %get3A_1133] {strides = array<i32>} : memref<320x128xf32, #tpu.memory_space<vmem>>, vector<16xf32>,
        %mul3A_1135 = arith.mulf %get3A_1129, %get3A_1134 : vector<16xf32>
        %add3A_1136 = arith.addf %add3A_1124, %mul3A_1135 : vector<16xf32>
        %add3A_1137 = arith.constant 9 : i32
        %add3A_1138 = arith.addi %add3A_149, %add3A_1137 : i32
        %get3A_1139 = arith.index_cast %add3A_1138 : i32 to index
        %get3A_1140 = arith.constant 48 : index
        %get3A_1141 = tpu.vector_load %arg7[%get3A_1139, %get3A_1140] {strides = array<i32>} : memref<320x128xf32, #tpu.memory_space<vmem>>, vector<16xf32>,
        %add3A_1142 = arith.constant 9 : i32
        %add3A_1143 = arith.addi %add3A_149, %add3A_1142 : i32
        %get3A_1144 = arith.index_cast %add3A_1143 : i32 to index
        %get3A_1145 = arith.constant 48 : index
        %get3A_1146 = tpu.vector_load %arg8[%get3A_1144, %get3A_1145] {strides = array<i32>} : memref<320x128xf32, #tpu.memory_space<vmem>>, vector<16xf32>,
        %mul3A_1147 = arith.mulf %get3A_1141, %get3A_1146 : vector<16xf32>
        %add3A_1148 = arith.addf %add3A_1136, %mul3A_1147 : vector<16xf32>
        %add3A_1149 = arith.constant 9 : i32
        %add3A_1150 = arith.addi %add3A_149, %add3A_1149 : i32
        %get3A_1151 = arith.index_cast %add3A_1150 : i32 to index
        %get3A_1152 = arith.constant 64 : index
        %get3A_1153 = tpu.vector_load %arg7[%get3A_1151, %get3A_1152] {strides = array<i32>} : memref<320x128xf32, #tpu.memory_space<vmem>>, vector<16xf32>,
        %add3A_1154 = arith.constant 9 : i32
        %add3A_1155 = arith.addi %add3A_149, %add3A_1154 : i32
        %get3A_1156 = arith.index_cast %add3A_1155 : i32 to index
        %get3A_1157 = arith.constant 64 : index
        %get3A_1158 = tpu.vector_load %arg8[%get3A_1156, %get3A_1157] {strides = array<i32>} : memref<320x128xf32, #tpu.memory_space<vmem>>, vector<16xf32>,
        %mul3A_1159 = arith.mulf %get3A_1153, %get3A_1158 : vector<16xf32>
        %add3A_1160 = arith.addf %add3A_1148, %mul3A_1159 : vector<16xf32>
        %add3A_1161 = arith.constant 9 : i32
        %add3A_1162 = arith.addi %add3A_149, %add3A_1161 : i32
        %get3A_1163 = arith.index_cast %add3A_1162 : i32 to index
        %get3A_1164 = arith.constant 80 : index
        %get3A_1165 = tpu.vector_load %arg7[%get3A_1163, %get3A_1164] {strides = array<i32>} : memref<320x128xf32, #tpu.memory_space<vmem>>, vector<16xf32>,
        %add3A_1166 = arith.constant 9 : i32
        %add3A_1167 = arith.addi %add3A_149, %add3A_1166 : i32
        %get3A_1168 = arith.index_cast %add3A_1167 : i32 to index
        %get3A_1169 = arith.constant 80 : index
        %get3A_1170 = tpu.vector_load %arg8[%get3A_1168, %get3A_1169] {strides = array<i32>} : memref<320x128xf32, #tpu.memory_space<vmem>>, vector<16xf32>,
        %mul3A_1171 = arith.mulf %get3A_1165, %get3A_1170 : vector<16xf32>
        %add3A_1172 = arith.addf %add3A_1160, %mul3A_1171 : vector<16xf32>
        %add3A_1173 = arith.constant 9 : i32
        %add3A_1174 = arith.addi %add3A_149, %add3A_1173 : i32
        %get3A_1175 = arith.index_cast %add3A_1174 : i32 to index
        %get3A_1176 = arith.constant 96 : index
        %get3A_1177 = tpu.vector_load %arg7[%get3A_1175, %get3A_1176] {strides = array<i32>} : memref<320x128xf32, #tpu.memory_space<vmem>>, vector<16xf32>,
        %add3A_1178 = arith.constant 9 : i32
        %add3A_1179 = arith.addi %add3A_149, %add3A_1178 : i32
        %get3A_1180 = arith.index_cast %add3A_1179 : i32 to index
        %get3A_1181 = arith.constant 96 : index
        %get3A_1182 = tpu.vector_load %arg8[%get3A_1180, %get3A_1181] {strides = array<i32>} : memref<320x128xf32, #tpu.memory_space<vmem>>, vector<16xf32>,
        %mul3A_1183 = arith.mulf %get3A_1177, %get3A_1182 : vector<16xf32>
        %add3A_1184 = arith.addf %add3A_1172, %mul3A_1183 : vector<16xf32>
        %add3A_1185 = arith.constant 9 : i32
        %add3A_1186 = arith.addi %add3A_149, %add3A_1185 : i32
        %get3A_1187 = arith.index_cast %add3A_1186 : i32 to index
        %get3A_1188 = arith.constant 112 : index
        %get3A_1189 = tpu.vector_load %arg7[%get3A_1187, %get3A_1188] {strides = array<i32>} : memref<320x128xf32, #tpu.memory_space<vmem>>, vector<16xf32>,
        %add3A_1190 = arith.constant 9 : i32
        %add3A_1191 = arith.addi %add3A_149, %add3A_1190 : i32
        %get3A_1192 = arith.index_cast %add3A_1191 : i32 to index
        %get3A_1193 = arith.constant 112 : index
        %get3A_1194 = tpu.vector_load %arg8[%get3A_1192, %get3A_1193] {strides = array<i32>} : memref<320x128xf32, #tpu.memory_space<vmem>>, vector<16xf32>,
        %mul3A_1195 = arith.mulf %get3A_1189, %get3A_1194 : vector<16xf32>
        %add3A_1196 = arith.addf %add3A_1184, %mul3A_1195 : vector<16xf32>
        %broadcast_in_dim3A_1197 = arith.constant true
        %broadcast_in_dim3A_1198 = vector.broadcast %broadcast_in_dim3A_1197 : i1 to vector<16xi1>
        %masked_cumsum3A_1199 = tpu.scan <sum>, %add3A_1196 masked %broadcast_in_dim3A_1198 : vector<16xf32>, vector<16xi1> -> vector<16xf32>
        %mul3A_1200 = arith.constant 80 : i32
        %mul3A_1201 = arith.muli %scan3A_103, %mul3A_1200 : i32
        %mul3A_1202 = arith.constant 16 : i32
        %mul3A_1203 = arith.muli %mul3A_1202, %scan3A_145 : i32
        %add3A_1204 = arith.addi %mul3A_1201, %mul3A_1203 : i32
        %add3A_1205 = arith.constant 9 : i32
        %add3A_1206 = arith.addi %add3A_1204, %add3A_1205 : i32
        %broadcast_in_dim3A_1207 = vector.broadcast %add3A_1206 : i32 to vector<16xi32>
        tpu.vector_store_idx %arg9[%broadcast_in_dim3A_1207], %masked_cumsum3A_1199 masked %eq3A_6 : memref<10000xf32, #tpu.memory_space<vmem>>[vector<16xi32>], vector<16xf32>, vector<16xi1>
        %add3A_1208 = arith.constant 10 : i32
        %add3A_1209 = arith.addi %add3A_149, %add3A_1208 : i32
        %get3A_1210 = arith.index_cast %add3A_1209 : i32 to index
        %get3A_1211 = arith.constant 0 : index
        %get3A_1212 = tpu.vector_load %arg7[%get3A_1210, %get3A_1211] {strides = array<i32>} : memref<320x128xf32, #tpu.memory_space<vmem>>, vector<16xf32>,
        %add3A_1213 = arith.constant 10 : i32
        %add3A_1214 = arith.addi %add3A_149, %add3A_1213 : i32
        %get3A_1215 = arith.index_cast %add3A_1214 : i32 to index
        %get3A_1216 = arith.constant 0 : index
        %get3A_1217 = tpu.vector_load %arg8[%get3A_1215, %get3A_1216] {strides = array<i32>} : memref<320x128xf32, #tpu.memory_space<vmem>>, vector<16xf32>,
        %mul3A_1218 = arith.mulf %get3A_1212, %get3A_1217 : vector<16xf32>
        %add3A_1219 = arith.constant 10 : i32
        %add3A_1220 = arith.addi %add3A_149, %add3A_1219 : i32
        %get3A_1221 = arith.index_cast %add3A_1220 : i32 to index
        %get3A_1222 = arith.constant 16 : index
        %get3A_1223 = tpu.vector_load %arg7[%get3A_1221, %get3A_1222] {strides = array<i32>} : memref<320x128xf32, #tpu.memory_space<vmem>>, vector<16xf32>,
        %add3A_1224 = arith.constant 10 : i32
        %add3A_1225 = arith.addi %add3A_149, %add3A_1224 : i32
        %get3A_1226 = arith.index_cast %add3A_1225 : i32 to index
        %get3A_1227 = arith.constant 16 : index
        %get3A_1228 = tpu.vector_load %arg8[%get3A_1226, %get3A_1227] {strides = array<i32>} : memref<320x128xf32, #tpu.memory_space<vmem>>, vector<16xf32>,
        %mul3A_1229 = arith.mulf %get3A_1223, %get3A_1228 : vector<16xf32>
        %add3A_1230 = arith.addf %mul3A_1218, %mul3A_1229 : vector<16xf32>
        %add3A_1231 = arith.constant 10 : i32
        %add3A_1232 = arith.addi %add3A_149, %add3A_1231 : i32
        %get3A_1233 = arith.index_cast %add3A_1232 : i32 to index
        %get3A_1234 = arith.constant 32 : index
        %get3A_1235 = tpu.vector_load %arg7[%get3A_1233, %get3A_1234] {strides = array<i32>} : memref<320x128xf32, #tpu.memory_space<vmem>>, vector<16xf32>,
        %add3A_1236 = arith.constant 10 : i32
        %add3A_1237 = arith.addi %add3A_149, %add3A_1236 : i32
        %get3A_1238 = arith.index_cast %add3A_1237 : i32 to index
        %get3A_1239 = arith.constant 32 : index
        %get3A_1240 = tpu.vector_load %arg8[%get3A_1238, %get3A_1239] {strides = array<i32>} : memref<320x128xf32, #tpu.memory_space<vmem>>, vector<16xf32>,
        %mul3A_1241 = arith.mulf %get3A_1235, %get3A_1240 : vector<16xf32>
        %add3A_1242 = arith.addf %add3A_1230, %mul3A_1241 : vector<16xf32>
        %add3A_1243 = arith.constant 10 : i32
        %add3A_1244 = arith.addi %add3A_149, %add3A_1243 : i32
        %get3A_1245 = arith.index_cast %add3A_1244 : i32 to index
        %get3A_1246 = arith.constant 48 : index
        %get3A_1247 = tpu.vector_load %arg7[%get3A_1245, %get3A_1246] {strides = array<i32>} : memref<320x128xf32, #tpu.memory_space<vmem>>, vector<16xf32>,
        %add3A_1248 = arith.constant 10 : i32
        %add3A_1249 = arith.addi %add3A_149, %add3A_1248 : i32
        %get3A_1250 = arith.index_cast %add3A_1249 : i32 to index
        %get3A_1251 = arith.constant 48 : index
        %get3A_1252 = tpu.vector_load %arg8[%get3A_1250, %get3A_1251] {strides = array<i32>} : memref<320x128xf32, #tpu.memory_space<vmem>>, vector<16xf32>,
        %mul3A_1253 = arith.mulf %get3A_1247, %get3A_1252 : vector<16xf32>
        %add3A_1254 = arith.addf %add3A_1242, %mul3A_1253 : vector<16xf32>
        %add3A_1255 = arith.constant 10 : i32
        %add3A_1256 = arith.addi %add3A_149, %add3A_1255 : i32
        %get3A_1257 = arith.index_cast %add3A_1256 : i32 to index
        %get3A_1258 = arith.constant 64 : index
        %get3A_1259 = tpu.vector_load %arg7[%get3A_1257, %get3A_1258] {strides = array<i32>} : memref<320x128xf32, #tpu.memory_space<vmem>>, vector<16xf32>,
        %add3A_1260 = arith.constant 10 : i32
        %add3A_1261 = arith.addi %add3A_149, %add3A_1260 : i32
        %get3A_1262 = arith.index_cast %add3A_1261 : i32 to index
        %get3A_1263 = arith.constant 64 : index
        %get3A_1264 = tpu.vector_load %arg8[%get3A_1262, %get3A_1263] {strides = array<i32>} : memref<320x128xf32, #tpu.memory_space<vmem>>, vector<16xf32>,
        %mul3A_1265 = arith.mulf %get3A_1259, %get3A_1264 : vector<16xf32>
        %add3A_1266 = arith.addf %add3A_1254, %mul3A_1265 : vector<16xf32>
        %add3A_1267 = arith.constant 10 : i32
        %add3A_1268 = arith.addi %add3A_149, %add3A_1267 : i32
        %get3A_1269 = arith.index_cast %add3A_1268 : i32 to index
        %get3A_1270 = arith.constant 80 : index
        %get3A_1271 = tpu.vector_load %arg7[%get3A_1269, %get3A_1270] {strides = array<i32>} : memref<320x128xf32, #tpu.memory_space<vmem>>, vector<16xf32>,
        %add3A_1272 = arith.constant 10 : i32
        %add3A_1273 = arith.addi %add3A_149, %add3A_1272 : i32
        %get3A_1274 = arith.index_cast %add3A_1273 : i32 to index
        %get3A_1275 = arith.constant 80 : index
        %get3A_1276 = tpu.vector_load %arg8[%get3A_1274, %get3A_1275] {strides = array<i32>} : memref<320x128xf32, #tpu.memory_space<vmem>>, vector<16xf32>,
        %mul3A_1277 = arith.mulf %get3A_1271, %get3A_1276 : vector<16xf32>
        %add3A_1278 = arith.addf %add3A_1266, %mul3A_1277 : vector<16xf32>
        %add3A_1279 = arith.constant 10 : i32
        %add3A_1280 = arith.addi %add3A_149, %add3A_1279 : i32
        %get3A_1281 = arith.index_cast %add3A_1280 : i32 to index
        %get3A_1282 = arith.constant 96 : index
        %get3A_1283 = tpu.vector_load %arg7[%get3A_1281, %get3A_1282] {strides = array<i32>} : memref<320x128xf32, #tpu.memory_space<vmem>>, vector<16xf32>,
        %add3A_1284 = arith.constant 10 : i32
        %add3A_1285 = arith.addi %add3A_149, %add3A_1284 : i32
        %get3A_1286 = arith.index_cast %add3A_1285 : i32 to index
        %get3A_1287 = arith.constant 96 : index
        %get3A_1288 = tpu.vector_load %arg8[%get3A_1286, %get3A_1287] {strides = array<i32>} : memref<320x128xf32, #tpu.memory_space<vmem>>, vector<16xf32>,
        %mul3A_1289 = arith.mulf %get3A_1283, %get3A_1288 : vector<16xf32>
        %add3A_1290 = arith.addf %add3A_1278, %mul3A_1289 : vector<16xf32>
        %add3A_1291 = arith.constant 10 : i32
        %add3A_1292 = arith.addi %add3A_149, %add3A_1291 : i32
        %get3A_1293 = arith.index_cast %add3A_1292 : i32 to index
        %get3A_1294 = arith.constant 112 : index
        %get3A_1295 = tpu.vector_load %arg7[%get3A_1293, %get3A_1294] {strides = array<i32>} : memref<320x128xf32, #tpu.memory_space<vmem>>, vector<16xf32>,
        %add3A_1296 = arith.constant 10 : i32
        %add3A_1297 = arith.addi %add3A_149, %add3A_1296 : i32
        %get3A_1298 = arith.index_cast %add3A_1297 : i32 to index
        %get3A_1299 = arith.constant 112 : index
        %get3A_1300 = tpu.vector_load %arg8[%get3A_1298, %get3A_1299] {strides = array<i32>} : memref<320x128xf32, #tpu.memory_space<vmem>>, vector<16xf32>,
        %mul3A_1301 = arith.mulf %get3A_1295, %get3A_1300 : vector<16xf32>
        %add3A_1302 = arith.addf %add3A_1290, %mul3A_1301 : vector<16xf32>
        %broadcast_in_dim3A_1303 = arith.constant true
        %broadcast_in_dim3A_1304 = vector.broadcast %broadcast_in_dim3A_1303 : i1 to vector<16xi1>
        %masked_cumsum3A_1305 = tpu.scan <sum>, %add3A_1302 masked %broadcast_in_dim3A_1304 : vector<16xf32>, vector<16xi1> -> vector<16xf32>
        %mul3A_1306 = arith.constant 80 : i32
        %mul3A_1307 = arith.muli %scan3A_103, %mul3A_1306 : i32
        %mul3A_1308 = arith.constant 16 : i32
        %mul3A_1309 = arith.muli %mul3A_1308, %scan3A_145 : i32
        %add3A_1310 = arith.addi %mul3A_1307, %mul3A_1309 : i32
        %add3A_1311 = arith.constant 10 : i32
        %add3A_1312 = arith.addi %add3A_1310, %add3A_1311 : i32
        %broadcast_in_dim3A_1313 = vector.broadcast %add3A_1312 : i32 to vector<16xi32>
        tpu.vector_store_idx %arg9[%broadcast_in_dim3A_1313], %masked_cumsum3A_1305 masked %eq3A_6 : memref<10000xf32, #tpu.memory_space<vmem>>[vector<16xi32>], vector<16xf32>, vector<16xi1>
        %add3A_1314 = arith.constant 11 : i32
        %add3A_1315 = arith.addi %add3A_149, %add3A_1314 : i32
        %get3A_1316 = arith.index_cast %add3A_1315 : i32 to index
        %get3A_1317 = arith.constant 0 : index
        %get3A_1318 = tpu.vector_load %arg7[%get3A_1316, %get3A_1317] {strides = array<i32>} : memref<320x128xf32, #tpu.memory_space<vmem>>, vector<16xf32>,
        %add3A_1319 = arith.constant 11 : i32
        %add3A_1320 = arith.addi %add3A_149, %add3A_1319 : i32
        %get3A_1321 = arith.index_cast %add3A_1320 : i32 to index
        %get3A_1322 = arith.constant 0 : index
        %get3A_1323 = tpu.vector_load %arg8[%get3A_1321, %get3A_1322] {strides = array<i32>} : memref<320x128xf32, #tpu.memory_space<vmem>>, vector<16xf32>,
        %mul3A_1324 = arith.mulf %get3A_1318, %get3A_1323 : vector<16xf32>
        %add3A_1325 = arith.constant 11 : i32
        %add3A_1326 = arith.addi %add3A_149, %add3A_1325 : i32
        %get3A_1327 = arith.index_cast %add3A_1326 : i32 to index
        %get3A_1328 = arith.constant 16 : index
        %get3A_1329 = tpu.vector_load %arg7[%get3A_1327, %get3A_1328] {strides = array<i32>} : memref<320x128xf32, #tpu.memory_space<vmem>>, vector<16xf32>,
        %add3A_1330 = arith.constant 11 : i32
        %add3A_1331 = arith.addi %add3A_149, %add3A_1330 : i32
        %get3A_1332 = arith.index_cast %add3A_1331 : i32 to index
        %get3A_1333 = arith.constant 16 : index
        %get3A_1334 = tpu.vector_load %arg8[%get3A_1332, %get3A_1333] {strides = array<i32>} : memref<320x128xf32, #tpu.memory_space<vmem>>, vector<16xf32>,
        %mul3A_1335 = arith.mulf %get3A_1329, %get3A_1334 : vector<16xf32>
        %add3A_1336 = arith.addf %mul3A_1324, %mul3A_1335 : vector<16xf32>
        %add3A_1337 = arith.constant 11 : i32
        %add3A_1338 = arith.addi %add3A_149, %add3A_1337 : i32
        %get3A_1339 = arith.index_cast %add3A_1338 : i32 to index
        %get3A_1340 = arith.constant 32 : index
        %get3A_1341 = tpu.vector_load %arg7[%get3A_1339, %get3A_1340] {strides = array<i32>} : memref<320x128xf32, #tpu.memory_space<vmem>>, vector<16xf32>,
        %add3A_1342 = arith.constant 11 : i32
        %add3A_1343 = arith.addi %add3A_149, %add3A_1342 : i32
        %get3A_1344 = arith.index_cast %add3A_1343 : i32 to index
        %get3A_1345 = arith.constant 32 : index
        %get3A_1346 = tpu.vector_load %arg8[%get3A_1344, %get3A_1345] {strides = array<i32>} : memref<320x128xf32, #tpu.memory_space<vmem>>, vector<16xf32>,
        %mul3A_1347 = arith.mulf %get3A_1341, %get3A_1346 : vector<16xf32>
        %add3A_1348 = arith.addf %add3A_1336, %mul3A_1347 : vector<16xf32>
        %add3A_1349 = arith.constant 11 : i32
        %add3A_1350 = arith.addi %add3A_149, %add3A_1349 : i32
        %get3A_1351 = arith.index_cast %add3A_1350 : i32 to index
        %get3A_1352 = arith.constant 48 : index
        %get3A_1353 = tpu.vector_load %arg7[%get3A_1351, %get3A_1352] {strides = array<i32>} : memref<320x128xf32, #tpu.memory_space<vmem>>, vector<16xf32>,
        %add3A_1354 = arith.constant 11 : i32
        %add3A_1355 = arith.addi %add3A_149, %add3A_1354 : i32
        %get3A_1356 = arith.index_cast %add3A_1355 : i32 to index
        %get3A_1357 = arith.constant 48 : index
        %get3A_1358 = tpu.vector_load %arg8[%get3A_1356, %get3A_1357] {strides = array<i32>} : memref<320x128xf32, #tpu.memory_space<vmem>>, vector<16xf32>,
        %mul3A_1359 = arith.mulf %get3A_1353, %get3A_1358 : vector<16xf32>
        %add3A_1360 = arith.addf %add3A_1348, %mul3A_1359 : vector<16xf32>
        %add3A_1361 = arith.constant 11 : i32
        %add3A_1362 = arith.addi %add3A_149, %add3A_1361 : i32
        %get3A_1363 = arith.index_cast %add3A_1362 : i32 to index
        %get3A_1364 = arith.constant 64 : index
        %get3A_1365 = tpu.vector_load %arg7[%get3A_1363, %get3A_1364] {strides = array<i32>} : memref<320x128xf32, #tpu.memory_space<vmem>>, vector<16xf32>,
        %add3A_1366 = arith.constant 11 : i32
        %add3A_1367 = arith.addi %add3A_149, %add3A_1366 : i32
        %get3A_1368 = arith.index_cast %add3A_1367 : i32 to index
        %get3A_1369 = arith.constant 64 : index
        %get3A_1370 = tpu.vector_load %arg8[%get3A_1368, %get3A_1369] {strides = array<i32>} : memref<320x128xf32, #tpu.memory_space<vmem>>, vector<16xf32>,
        %mul3A_1371 = arith.mulf %get3A_1365, %get3A_1370 : vector<16xf32>
        %add3A_1372 = arith.addf %add3A_1360, %mul3A_1371 : vector<16xf32>
        %add3A_1373 = arith.constant 11 : i32
        %add3A_1374 = arith.addi %add3A_149, %add3A_1373 : i32
        %get3A_1375 = arith.index_cast %add3A_1374 : i32 to index
        %get3A_1376 = arith.constant 80 : index
        %get3A_1377 = tpu.vector_load %arg7[%get3A_1375, %get3A_1376] {strides = array<i32>} : memref<320x128xf32, #tpu.memory_space<vmem>>, vector<16xf32>,
        %add3A_1378 = arith.constant 11 : i32
        %add3A_1379 = arith.addi %add3A_149, %add3A_1378 : i32
        %get3A_1380 = arith.index_cast %add3A_1379 : i32 to index
        %get3A_1381 = arith.constant 80 : index
        %get3A_1382 = tpu.vector_load %arg8[%get3A_1380, %get3A_1381] {strides = array<i32>} : memref<320x128xf32, #tpu.memory_space<vmem>>, vector<16xf32>,
        %mul3A_1383 = arith.mulf %get3A_1377, %get3A_1382 : vector<16xf32>
        %add3A_1384 = arith.addf %add3A_1372, %mul3A_1383 : vector<16xf32>
        %add3A_1385 = arith.constant 11 : i32
        %add3A_1386 = arith.addi %add3A_149, %add3A_1385 : i32
        %get3A_1387 = arith.index_cast %add3A_1386 : i32 to index
        %get3A_1388 = arith.constant 96 : index
        %get3A_1389 = tpu.vector_load %arg7[%get3A_1387, %get3A_1388] {strides = array<i32>} : memref<320x128xf32, #tpu.memory_space<vmem>>, vector<16xf32>,
        %add3A_1390 = arith.constant 11 : i32
        %add3A_1391 = arith.addi %add3A_149, %add3A_1390 : i32
        %get3A_1392 = arith.index_cast %add3A_1391 : i32 to index
        %get3A_1393 = arith.constant 96 : index
        %get3A_1394 = tpu.vector_load %arg8[%get3A_1392, %get3A_1393] {strides = array<i32>} : memref<320x128xf32, #tpu.memory_space<vmem>>, vector<16xf32>,
        %mul3A_1395 = arith.mulf %get3A_1389, %get3A_1394 : vector<16xf32>
        %add3A_1396 = arith.addf %add3A_1384, %mul3A_1395 : vector<16xf32>
        %add3A_1397 = arith.constant 11 : i32
        %add3A_1398 = arith.addi %add3A_149, %add3A_1397 : i32
        %get3A_1399 = arith.index_cast %add3A_1398 : i32 to index
        %get3A_1400 = arith.constant 112 : index
        %get3A_1401 = tpu.vector_load %arg7[%get3A_1399, %get3A_1400] {strides = array<i32>} : memref<320x128xf32, #tpu.memory_space<vmem>>, vector<16xf32>,
        %add3A_1402 = arith.constant 11 : i32
        %add3A_1403 = arith.addi %add3A_149, %add3A_1402 : i32
        %get3A_1404 = arith.index_cast %add3A_1403 : i32 to index
        %get3A_1405 = arith.constant 112 : index
        %get3A_1406 = tpu.vector_load %arg8[%get3A_1404, %get3A_1405] {strides = array<i32>} : memref<320x128xf32, #tpu.memory_space<vmem>>, vector<16xf32>,
        %mul3A_1407 = arith.mulf %get3A_1401, %get3A_1406 : vector<16xf32>
        %add3A_1408 = arith.addf %add3A_1396, %mul3A_1407 : vector<16xf32>
        %broadcast_in_dim3A_1409 = arith.constant true
        %broadcast_in_dim3A_1410 = vector.broadcast %broadcast_in_dim3A_1409 : i1 to vector<16xi1>
        %masked_cumsum3A_1411 = tpu.scan <sum>, %add3A_1408 masked %broadcast_in_dim3A_1410 : vector<16xf32>, vector<16xi1> -> vector<16xf32>
        %mul3A_1412 = arith.constant 80 : i32
        %mul3A_1413 = arith.muli %scan3A_103, %mul3A_1412 : i32
        %mul3A_1414 = arith.constant 16 : i32
        %mul3A_1415 = arith.muli %mul3A_1414, %scan3A_145 : i32
        %add3A_1416 = arith.addi %mul3A_1413, %mul3A_1415 : i32
        %add3A_1417 = arith.constant 11 : i32
        %add3A_1418 = arith.addi %add3A_1416, %add3A_1417 : i32
        %broadcast_in_dim3A_1419 = vector.broadcast %add3A_1418 : i32 to vector<16xi32>
        tpu.vector_store_idx %arg9[%broadcast_in_dim3A_1419], %masked_cumsum3A_1411 masked %eq3A_6 : memref<10000xf32, #tpu.memory_space<vmem>>[vector<16xi32>], vector<16xf32>, vector<16xi1>
        %add3A_1420 = arith.constant 12 : i32
        %add3A_1421 = arith.addi %add3A_149, %add3A_1420 : i32
        %get3A_1422 = arith.index_cast %add3A_1421 : i32 to index
        %get3A_1423 = arith.constant 0 : index
        %get3A_1424 = tpu.vector_load %arg7[%get3A_1422, %get3A_1423] {strides = array<i32>} : memref<320x128xf32, #tpu.memory_space<vmem>>, vector<16xf32>,
        %add3A_1425 = arith.constant 12 : i32
        %add3A_1426 = arith.addi %add3A_149, %add3A_1425 : i32
        %get3A_1427 = arith.index_cast %add3A_1426 : i32 to index
        %get3A_1428 = arith.constant 0 : index
        %get3A_1429 = tpu.vector_load %arg8[%get3A_1427, %get3A_1428] {strides = array<i32>} : memref<320x128xf32, #tpu.memory_space<vmem>>, vector<16xf32>,
        %mul3A_1430 = arith.mulf %get3A_1424, %get3A_1429 : vector<16xf32>
        %add3A_1431 = arith.constant 12 : i32
        %add3A_1432 = arith.addi %add3A_149, %add3A_1431 : i32
        %get3A_1433 = arith.index_cast %add3A_1432 : i32 to index
        %get3A_1434 = arith.constant 16 : index
        %get3A_1435 = tpu.vector_load %arg7[%get3A_1433, %get3A_1434] {strides = array<i32>} : memref<320x128xf32, #tpu.memory_space<vmem>>, vector<16xf32>,
        %add3A_1436 = arith.constant 12 : i32
        %add3A_1437 = arith.addi %add3A_149, %add3A_1436 : i32
        %get3A_1438 = arith.index_cast %add3A_1437 : i32 to index
        %get3A_1439 = arith.constant 16 : index
        %get3A_1440 = tpu.vector_load %arg8[%get3A_1438, %get3A_1439] {strides = array<i32>} : memref<320x128xf32, #tpu.memory_space<vmem>>, vector<16xf32>,
        %mul3A_1441 = arith.mulf %get3A_1435, %get3A_1440 : vector<16xf32>
        %add3A_1442 = arith.addf %mul3A_1430, %mul3A_1441 : vector<16xf32>
        %add3A_1443 = arith.constant 12 : i32
        %add3A_1444 = arith.addi %add3A_149, %add3A_1443 : i32
        %get3A_1445 = arith.index_cast %add3A_1444 : i32 to index
        %get3A_1446 = arith.constant 32 : index
        %get3A_1447 = tpu.vector_load %arg7[%get3A_1445, %get3A_1446] {strides = array<i32>} : memref<320x128xf32, #tpu.memory_space<vmem>>, vector<16xf32>,
        %add3A_1448 = arith.constant 12 : i32
        %add3A_1449 = arith.addi %add3A_149, %add3A_1448 : i32
        %get3A_1450 = arith.index_cast %add3A_1449 : i32 to index
        %get3A_1451 = arith.constant 32 : index
        %get3A_1452 = tpu.vector_load %arg8[%get3A_1450, %get3A_1451] {strides = array<i32>} : memref<320x128xf32, #tpu.memory_space<vmem>>, vector<16xf32>,
        %mul3A_1453 = arith.mulf %get3A_1447, %get3A_1452 : vector<16xf32>
        %add3A_1454 = arith.addf %add3A_1442, %mul3A_1453 : vector<16xf32>
        %add3A_1455 = arith.constant 12 : i32
        %add3A_1456 = arith.addi %add3A_149, %add3A_1455 : i32
        %get3A_1457 = arith.index_cast %add3A_1456 : i32 to index
        %get3A_1458 = arith.constant 48 : index
        %get3A_1459 = tpu.vector_load %arg7[%get3A_1457, %get3A_1458] {strides = array<i32>} : memref<320x128xf32, #tpu.memory_space<vmem>>, vector<16xf32>,
        %add3A_1460 = arith.constant 12 : i32
        %add3A_1461 = arith.addi %add3A_149, %add3A_1460 : i32
        %get3A_1462 = arith.index_cast %add3A_1461 : i32 to index
        %get3A_1463 = arith.constant 48 : index
        %get3A_1464 = tpu.vector_load %arg8[%get3A_1462, %get3A_1463] {strides = array<i32>} : memref<320x128xf32, #tpu.memory_space<vmem>>, vector<16xf32>,
        %mul3A_1465 = arith.mulf %get3A_1459, %get3A_1464 : vector<16xf32>
        %add3A_1466 = arith.addf %add3A_1454, %mul3A_1465 : vector<16xf32>
        %add3A_1467 = arith.constant 12 : i32
        %add3A_1468 = arith.addi %add3A_149, %add3A_1467 : i32
        %get3A_1469 = arith.index_cast %add3A_1468 : i32 to index
        %get3A_1470 = arith.constant 64 : index
        %get3A_1471 = tpu.vector_load %arg7[%get3A_1469, %get3A_1470] {strides = array<i32>} : memref<320x128xf32, #tpu.memory_space<vmem>>, vector<16xf32>,
        %add3A_1472 = arith.constant 12 : i32
        %add3A_1473 = arith.addi %add3A_149, %add3A_1472 : i32
        %get3A_1474 = arith.index_cast %add3A_1473 : i32 to index
        %get3A_1475 = arith.constant 64 : index
        %get3A_1476 = tpu.vector_load %arg8[%get3A_1474, %get3A_1475] {strides = array<i32>} : memref<320x128xf32, #tpu.memory_space<vmem>>, vector<16xf32>,
        %mul3A_1477 = arith.mulf %get3A_1471, %get3A_1476 : vector<16xf32>
        %add3A_1478 = arith.addf %add3A_1466, %mul3A_1477 : vector<16xf32>
        %add3A_1479 = arith.constant 12 : i32
        %add3A_1480 = arith.addi %add3A_149, %add3A_1479 : i32
        %get3A_1481 = arith.index_cast %add3A_1480 : i32 to index
        %get3A_1482 = arith.constant 80 : index
        %get3A_1483 = tpu.vector_load %arg7[%get3A_1481, %get3A_1482] {strides = array<i32>} : memref<320x128xf32, #tpu.memory_space<vmem>>, vector<16xf32>,
        %add3A_1484 = arith.constant 12 : i32
        %add3A_1485 = arith.addi %add3A_149, %add3A_1484 : i32
        %get3A_1486 = arith.index_cast %add3A_1485 : i32 to index
        %get3A_1487 = arith.constant 80 : index
        %get3A_1488 = tpu.vector_load %arg8[%get3A_1486, %get3A_1487] {strides = array<i32>} : memref<320x128xf32, #tpu.memory_space<vmem>>, vector<16xf32>,
        %mul3A_1489 = arith.mulf %get3A_1483, %get3A_1488 : vector<16xf32>
        %add3A_1490 = arith.addf %add3A_1478, %mul3A_1489 : vector<16xf32>
        %add3A_1491 = arith.constant 12 : i32
        %add3A_1492 = arith.addi %add3A_149, %add3A_1491 : i32
        %get3A_1493 = arith.index_cast %add3A_1492 : i32 to index
        %get3A_1494 = arith.constant 96 : index
        %get3A_1495 = tpu.vector_load %arg7[%get3A_1493, %get3A_1494] {strides = array<i32>} : memref<320x128xf32, #tpu.memory_space<vmem>>, vector<16xf32>,
        %add3A_1496 = arith.constant 12 : i32
        %add3A_1497 = arith.addi %add3A_149, %add3A_1496 : i32
        %get3A_1498 = arith.index_cast %add3A_1497 : i32 to index
        %get3A_1499 = arith.constant 96 : index
        %get3A_1500 = tpu.vector_load %arg8[%get3A_1498, %get3A_1499] {strides = array<i32>} : memref<320x128xf32, #tpu.memory_space<vmem>>, vector<16xf32>,
        %mul3A_1501 = arith.mulf %get3A_1495, %get3A_1500 : vector<16xf32>
        %add3A_1502 = arith.addf %add3A_1490, %mul3A_1501 : vector<16xf32>
        %add3A_1503 = arith.constant 12 : i32
        %add3A_1504 = arith.addi %add3A_149, %add3A_1503 : i32
        %get3A_1505 = arith.index_cast %add3A_1504 : i32 to index
        %get3A_1506 = arith.constant 112 : index
        %get3A_1507 = tpu.vector_load %arg7[%get3A_1505, %get3A_1506] {strides = array<i32>} : memref<320x128xf32, #tpu.memory_space<vmem>>, vector<16xf32>,
        %add3A_1508 = arith.constant 12 : i32
        %add3A_1509 = arith.addi %add3A_149, %add3A_1508 : i32
        %get3A_1510 = arith.index_cast %add3A_1509 : i32 to index
        %get3A_1511 = arith.constant 112 : index
        %get3A_1512 = tpu.vector_load %arg8[%get3A_1510, %get3A_1511] {strides = array<i32>} : memref<320x128xf32, #tpu.memory_space<vmem>>, vector<16xf32>,
        %mul3A_1513 = arith.mulf %get3A_1507, %get3A_1512 : vector<16xf32>
        %add3A_1514 = arith.addf %add3A_1502, %mul3A_1513 : vector<16xf32>
        %broadcast_in_dim3A_1515 = arith.constant true
        %broadcast_in_dim3A_1516 = vector.broadcast %broadcast_in_dim3A_1515 : i1 to vector<16xi1>
        %masked_cumsum3A_1517 = tpu.scan <sum>, %add3A_1514 masked %broadcast_in_dim3A_1516 : vector<16xf32>, vector<16xi1> -> vector<16xf32>
        %mul3A_1518 = arith.constant 80 : i32
        %mul3A_1519 = arith.muli %scan3A_103, %mul3A_1518 : i32
        %mul3A_1520 = arith.constant 16 : i32
        %mul3A_1521 = arith.muli %mul3A_1520, %scan3A_145 : i32
        %add3A_1522 = arith.addi %mul3A_1519, %mul3A_1521 : i32
        %add3A_1523 = arith.constant 12 : i32
        %add3A_1524 = arith.addi %add3A_1522, %add3A_1523 : i32
        %broadcast_in_dim3A_1525 = vector.broadcast %add3A_1524 : i32 to vector<16xi32>
        tpu.vector_store_idx %arg9[%broadcast_in_dim3A_1525], %masked_cumsum3A_1517 masked %eq3A_6 : memref<10000xf32, #tpu.memory_space<vmem>>[vector<16xi32>], vector<16xf32>, vector<16xi1>
        %add3A_1526 = arith.constant 13 : i32
        %add3A_1527 = arith.addi %add3A_149, %add3A_1526 : i32
        %get3A_1528 = arith.index_cast %add3A_1527 : i32 to index
        %get3A_1529 = arith.constant 0 : index
        %get3A_1530 = tpu.vector_load %arg7[%get3A_1528, %get3A_1529] {strides = array<i32>} : memref<320x128xf32, #tpu.memory_space<vmem>>, vector<16xf32>,
        %add3A_1531 = arith.constant 13 : i32
        %add3A_1532 = arith.addi %add3A_149, %add3A_1531 : i32
        %get3A_1533 = arith.index_cast %add3A_1532 : i32 to index
        %get3A_1534 = arith.constant 0 : index
        %get3A_1535 = tpu.vector_load %arg8[%get3A_1533, %get3A_1534] {strides = array<i32>} : memref<320x128xf32, #tpu.memory_space<vmem>>, vector<16xf32>,
        %mul3A_1536 = arith.mulf %get3A_1530, %get3A_1535 : vector<16xf32>
        %add3A_1537 = arith.constant 13 : i32
        %add3A_1538 = arith.addi %add3A_149, %add3A_1537 : i32
        %get3A_1539 = arith.index_cast %add3A_1538 : i32 to index
        %get3A_1540 = arith.constant 16 : index
        %get3A_1541 = tpu.vector_load %arg7[%get3A_1539, %get3A_1540] {strides = array<i32>} : memref<320x128xf32, #tpu.memory_space<vmem>>, vector<16xf32>,
        %add3A_1542 = arith.constant 13 : i32
        %add3A_1543 = arith.addi %add3A_149, %add3A_1542 : i32
        %get3A_1544 = arith.index_cast %add3A_1543 : i32 to index
        %get3A_1545 = arith.constant 16 : index
        %get3A_1546 = tpu.vector_load %arg8[%get3A_1544, %get3A_1545] {strides = array<i32>} : memref<320x128xf32, #tpu.memory_space<vmem>>, vector<16xf32>,
        %mul3A_1547 = arith.mulf %get3A_1541, %get3A_1546 : vector<16xf32>
        %add3A_1548 = arith.addf %mul3A_1536, %mul3A_1547 : vector<16xf32>
        %add3A_1549 = arith.constant 13 : i32
        %add3A_1550 = arith.addi %add3A_149, %add3A_1549 : i32
        %get3A_1551 = arith.index_cast %add3A_1550 : i32 to index
        %get3A_1552 = arith.constant 32 : index
        %get3A_1553 = tpu.vector_load %arg7[%get3A_1551, %get3A_1552] {strides = array<i32>} : memref<320x128xf32, #tpu.memory_space<vmem>>, vector<16xf32>,
        %add3A_1554 = arith.constant 13 : i32
        %add3A_1555 = arith.addi %add3A_149, %add3A_1554 : i32
        %get3A_1556 = arith.index_cast %add3A_1555 : i32 to index
        %get3A_1557 = arith.constant 32 : index
        %get3A_1558 = tpu.vector_load %arg8[%get3A_1556, %get3A_1557] {strides = array<i32>} : memref<320x128xf32, #tpu.memory_space<vmem>>, vector<16xf32>,
        %mul3A_1559 = arith.mulf %get3A_1553, %get3A_1558 : vector<16xf32>
        %add3A_1560 = arith.addf %add3A_1548, %mul3A_1559 : vector<16xf32>
        %add3A_1561 = arith.constant 13 : i32
        %add3A_1562 = arith.addi %add3A_149, %add3A_1561 : i32
        %get3A_1563 = arith.index_cast %add3A_1562 : i32 to index
        %get3A_1564 = arith.constant 48 : index
        %get3A_1565 = tpu.vector_load %arg7[%get3A_1563, %get3A_1564] {strides = array<i32>} : memref<320x128xf32, #tpu.memory_space<vmem>>, vector<16xf32>,
        %add3A_1566 = arith.constant 13 : i32
        %add3A_1567 = arith.addi %add3A_149, %add3A_1566 : i32
        %get3A_1568 = arith.index_cast %add3A_1567 : i32 to index
        %get3A_1569 = arith.constant 48 : index
        %get3A_1570 = tpu.vector_load %arg8[%get3A_1568, %get3A_1569] {strides = array<i32>} : memref<320x128xf32, #tpu.memory_space<vmem>>, vector<16xf32>,
        %mul3A_1571 = arith.mulf %get3A_1565, %get3A_1570 : vector<16xf32>
        %add3A_1572 = arith.addf %add3A_1560, %mul3A_1571 : vector<16xf32>
        %add3A_1573 = arith.constant 13 : i32
        %add3A_1574 = arith.addi %add3A_149, %add3A_1573 : i32
        %get3A_1575 = arith.index_cast %add3A_1574 : i32 to index
        %get3A_1576 = arith.constant 64 : index
        %get3A_1577 = tpu.vector_load %arg7[%get3A_1575, %get3A_1576] {strides = array<i32>} : memref<320x128xf32, #tpu.memory_space<vmem>>, vector<16xf32>,
        %add3A_1578 = arith.constant 13 : i32
        %add3A_1579 = arith.addi %add3A_149, %add3A_1578 : i32
        %get3A_1580 = arith.index_cast %add3A_1579 : i32 to index
        %get3A_1581 = arith.constant 64 : index
        %get3A_1582 = tpu.vector_load %arg8[%get3A_1580, %get3A_1581] {strides = array<i32>} : memref<320x128xf32, #tpu.memory_space<vmem>>, vector<16xf32>,
        %mul3A_1583 = arith.mulf %get3A_1577, %get3A_1582 : vector<16xf32>
        %add3A_1584 = arith.addf %add3A_1572, %mul3A_1583 : vector<16xf32>
        %add3A_1585 = arith.constant 13 : i32
        %add3A_1586 = arith.addi %add3A_149, %add3A_1585 : i32
        %get3A_1587 = arith.index_cast %add3A_1586 : i32 to index
        %get3A_1588 = arith.constant 80 : index
        %get3A_1589 = tpu.vector_load %arg7[%get3A_1587, %get3A_1588] {strides = array<i32>} : memref<320x128xf32, #tpu.memory_space<vmem>>, vector<16xf32>,
        %add3A_1590 = arith.constant 13 : i32
        %add3A_1591 = arith.addi %add3A_149, %add3A_1590 : i32
        %get3A_1592 = arith.index_cast %add3A_1591 : i32 to index
        %get3A_1593 = arith.constant 80 : index
        %get3A_1594 = tpu.vector_load %arg8[%get3A_1592, %get3A_1593] {strides = array<i32>} : memref<320x128xf32, #tpu.memory_space<vmem>>, vector<16xf32>,
        %mul3A_1595 = arith.mulf %get3A_1589, %get3A_1594 : vector<16xf32>
        %add3A_1596 = arith.addf %add3A_1584, %mul3A_1595 : vector<16xf32>
        %add3A_1597 = arith.constant 13 : i32
        %add3A_1598 = arith.addi %add3A_149, %add3A_1597 : i32
        %get3A_1599 = arith.index_cast %add3A_1598 : i32 to index
        %get3A_1600 = arith.constant 96 : index
        %get3A_1601 = tpu.vector_load %arg7[%get3A_1599, %get3A_1600] {strides = array<i32>} : memref<320x128xf32, #tpu.memory_space<vmem>>, vector<16xf32>,
        %add3A_1602 = arith.constant 13 : i32
        %add3A_1603 = arith.addi %add3A_149, %add3A_1602 : i32
        %get3A_1604 = arith.index_cast %add3A_1603 : i32 to index
        %get3A_1605 = arith.constant 96 : index
        %get3A_1606 = tpu.vector_load %arg8[%get3A_1604, %get3A_1605] {strides = array<i32>} : memref<320x128xf32, #tpu.memory_space<vmem>>, vector<16xf32>,
        %mul3A_1607 = arith.mulf %get3A_1601, %get3A_1606 : vector<16xf32>
        %add3A_1608 = arith.addf %add3A_1596, %mul3A_1607 : vector<16xf32>
        %add3A_1609 = arith.constant 13 : i32
        %add3A_1610 = arith.addi %add3A_149, %add3A_1609 : i32
        %get3A_1611 = arith.index_cast %add3A_1610 : i32 to index
        %get3A_1612 = arith.constant 112 : index
        %get3A_1613 = tpu.vector_load %arg7[%get3A_1611, %get3A_1612] {strides = array<i32>} : memref<320x128xf32, #tpu.memory_space<vmem>>, vector<16xf32>,
        %add3A_1614 = arith.constant 13 : i32
        %add3A_1615 = arith.addi %add3A_149, %add3A_1614 : i32
        %get3A_1616 = arith.index_cast %add3A_1615 : i32 to index
        %get3A_1617 = arith.constant 112 : index
        %get3A_1618 = tpu.vector_load %arg8[%get3A_1616, %get3A_1617] {strides = array<i32>} : memref<320x128xf32, #tpu.memory_space<vmem>>, vector<16xf32>,
        %mul3A_1619 = arith.mulf %get3A_1613, %get3A_1618 : vector<16xf32>
        %add3A_1620 = arith.addf %add3A_1608, %mul3A_1619 : vector<16xf32>
        %broadcast_in_dim3A_1621 = arith.constant true
        %broadcast_in_dim3A_1622 = vector.broadcast %broadcast_in_dim3A_1621 : i1 to vector<16xi1>
        %masked_cumsum3A_1623 = tpu.scan <sum>, %add3A_1620 masked %broadcast_in_dim3A_1622 : vector<16xf32>, vector<16xi1> -> vector<16xf32>
        %mul3A_1624 = arith.constant 80 : i32
        %mul3A_1625 = arith.muli %scan3A_103, %mul3A_1624 : i32
        %mul3A_1626 = arith.constant 16 : i32
        %mul3A_1627 = arith.muli %mul3A_1626, %scan3A_145 : i32
        %add3A_1628 = arith.addi %mul3A_1625, %mul3A_1627 : i32
        %add3A_1629 = arith.constant 13 : i32
        %add3A_1630 = arith.addi %add3A_1628, %add3A_1629 : i32
        %broadcast_in_dim3A_1631 = vector.broadcast %add3A_1630 : i32 to vector<16xi32>
        tpu.vector_store_idx %arg9[%broadcast_in_dim3A_1631], %masked_cumsum3A_1623 masked %eq3A_6 : memref<10000xf32, #tpu.memory_space<vmem>>[vector<16xi32>], vector<16xf32>, vector<16xi1>
        %add3A_1632 = arith.constant 14 : i32
        %add3A_1633 = arith.addi %add3A_149, %add3A_1632 : i32
        %get3A_1634 = arith.index_cast %add3A_1633 : i32 to index
        %get3A_1635 = arith.constant 0 : index
        %get3A_1636 = tpu.vector_load %arg7[%get3A_1634, %get3A_1635] {strides = array<i32>} : memref<320x128xf32, #tpu.memory_space<vmem>>, vector<16xf32>,
        %add3A_1637 = arith.constant 14 : i32
        %add3A_1638 = arith.addi %add3A_149, %add3A_1637 : i32
        %get3A_1639 = arith.index_cast %add3A_1638 : i32 to index
        %get3A_1640 = arith.constant 0 : index
        %get3A_1641 = tpu.vector_load %arg8[%get3A_1639, %get3A_1640] {strides = array<i32>} : memref<320x128xf32, #tpu.memory_space<vmem>>, vector<16xf32>,
        %mul3A_1642 = arith.mulf %get3A_1636, %get3A_1641 : vector<16xf32>
        %add3A_1643 = arith.constant 14 : i32
        %add3A_1644 = arith.addi %add3A_149, %add3A_1643 : i32
        %get3A_1645 = arith.index_cast %add3A_1644 : i32 to index
        %get3A_1646 = arith.constant 16 : index
        %get3A_1647 = tpu.vector_load %arg7[%get3A_1645, %get3A_1646] {strides = array<i32>} : memref<320x128xf32, #tpu.memory_space<vmem>>, vector<16xf32>,
        %add3A_1648 = arith.constant 14 : i32
        %add3A_1649 = arith.addi %add3A_149, %add3A_1648 : i32
        %get3A_1650 = arith.index_cast %add3A_1649 : i32 to index
        %get3A_1651 = arith.constant 16 : index
        %get3A_1652 = tpu.vector_load %arg8[%get3A_1650, %get3A_1651] {strides = array<i32>} : memref<320x128xf32, #tpu.memory_space<vmem>>, vector<16xf32>,
        %mul3A_1653 = arith.mulf %get3A_1647, %get3A_1652 : vector<16xf32>
        %add3A_1654 = arith.addf %mul3A_1642, %mul3A_1653 : vector<16xf32>
        %add3A_1655 = arith.constant 14 : i32
        %add3A_1656 = arith.addi %add3A_149, %add3A_1655 : i32
        %get3A_1657 = arith.index_cast %add3A_1656 : i32 to index
        %get3A_1658 = arith.constant 32 : index
        %get3A_1659 = tpu.vector_load %arg7[%get3A_1657, %get3A_1658] {strides = array<i32>} : memref<320x128xf32, #tpu.memory_space<vmem>>, vector<16xf32>,
        %add3A_1660 = arith.constant 14 : i32
        %add3A_1661 = arith.addi %add3A_149, %add3A_1660 : i32
        %get3A_1662 = arith.index_cast %add3A_1661 : i32 to index
        %get3A_1663 = arith.constant 32 : index
        %get3A_1664 = tpu.vector_load %arg8[%get3A_1662, %get3A_1663] {strides = array<i32>} : memref<320x128xf32, #tpu.memory_space<vmem>>, vector<16xf32>,
        %mul3A_1665 = arith.mulf %get3A_1659, %get3A_1664 : vector<16xf32>
        %add3A_1666 = arith.addf %add3A_1654, %mul3A_1665 : vector<16xf32>
        %add3A_1667 = arith.constant 14 : i32
        %add3A_1668 = arith.addi %add3A_149, %add3A_1667 : i32
        %get3A_1669 = arith.index_cast %add3A_1668 : i32 to index
        %get3A_1670 = arith.constant 48 : index
        %get3A_1671 = tpu.vector_load %arg7[%get3A_1669, %get3A_1670] {strides = array<i32>} : memref<320x128xf32, #tpu.memory_space<vmem>>, vector<16xf32>,
        %add3A_1672 = arith.constant 14 : i32
        %add3A_1673 = arith.addi %add3A_149, %add3A_1672 : i32
        %get3A_1674 = arith.index_cast %add3A_1673 : i32 to index
        %get3A_1675 = arith.constant 48 : index
        %get3A_1676 = tpu.vector_load %arg8[%get3A_1674, %get3A_1675] {strides = array<i32>} : memref<320x128xf32, #tpu.memory_space<vmem>>, vector<16xf32>,
        %mul3A_1677 = arith.mulf %get3A_1671, %get3A_1676 : vector<16xf32>
        %add3A_1678 = arith.addf %add3A_1666, %mul3A_1677 : vector<16xf32>
        %add3A_1679 = arith.constant 14 : i32
        %add3A_1680 = arith.addi %add3A_149, %add3A_1679 : i32
        %get3A_1681 = arith.index_cast %add3A_1680 : i32 to index
        %get3A_1682 = arith.constant 64 : index
        %get3A_1683 = tpu.vector_load %arg7[%get3A_1681, %get3A_1682] {strides = array<i32>} : memref<320x128xf32, #tpu.memory_space<vmem>>, vector<16xf32>,
        %add3A_1684 = arith.constant 14 : i32
        %add3A_1685 = arith.addi %add3A_149, %add3A_1684 : i32
        %get3A_1686 = arith.index_cast %add3A_1685 : i32 to index
        %get3A_1687 = arith.constant 64 : index
        %get3A_1688 = tpu.vector_load %arg8[%get3A_1686, %get3A_1687] {strides = array<i32>} : memref<320x128xf32, #tpu.memory_space<vmem>>, vector<16xf32>,
        %mul3A_1689 = arith.mulf %get3A_1683, %get3A_1688 : vector<16xf32>
        %add3A_1690 = arith.addf %add3A_1678, %mul3A_1689 : vector<16xf32>
        %add3A_1691 = arith.constant 14 : i32
        %add3A_1692 = arith.addi %add3A_149, %add3A_1691 : i32
        %get3A_1693 = arith.index_cast %add3A_1692 : i32 to index
        %get3A_1694 = arith.constant 80 : index
        %get3A_1695 = tpu.vector_load %arg7[%get3A_1693, %get3A_1694] {strides = array<i32>} : memref<320x128xf32, #tpu.memory_space<vmem>>, vector<16xf32>,
        %add3A_1696 = arith.constant 14 : i32
        %add3A_1697 = arith.addi %add3A_149, %add3A_1696 : i32
        %get3A_1698 = arith.index_cast %add3A_1697 : i32 to index
        %get3A_1699 = arith.constant 80 : index
        %get3A_1700 = tpu.vector_load %arg8[%get3A_1698, %get3A_1699] {strides = array<i32>} : memref<320x128xf32, #tpu.memory_space<vmem>>, vector<16xf32>,
        %mul3A_1701 = arith.mulf %get3A_1695, %get3A_1700 : vector<16xf32>
        %add3A_1702 = arith.addf %add3A_1690, %mul3A_1701 : vector<16xf32>
        %add3A_1703 = arith.constant 14 : i32
        %add3A_1704 = arith.addi %add3A_149, %add3A_1703 : i32
        %get3A_1705 = arith.index_cast %add3A_1704 : i32 to index
        %get3A_1706 = arith.constant 96 : index
        %get3A_1707 = tpu.vector_load %arg7[%get3A_1705, %get3A_1706] {strides = array<i32>} : memref<320x128xf32, #tpu.memory_space<vmem>>, vector<16xf32>,
        %add3A_1708 = arith.constant 14 : i32
        %add3A_1709 = arith.addi %add3A_149, %add3A_1708 : i32
        %get3A_1710 = arith.index_cast %add3A_1709 : i32 to index
        %get3A_1711 = arith.constant 96 : index
        %get3A_1712 = tpu.vector_load %arg8[%get3A_1710, %get3A_1711] {strides = array<i32>} : memref<320x128xf32, #tpu.memory_space<vmem>>, vector<16xf32>,
        %mul3A_1713 = arith.mulf %get3A_1707, %get3A_1712 : vector<16xf32>
        %add3A_1714 = arith.addf %add3A_1702, %mul3A_1713 : vector<16xf32>
        %add3A_1715 = arith.constant 14 : i32
        %add3A_1716 = arith.addi %add3A_149, %add3A_1715 : i32
        %get3A_1717 = arith.index_cast %add3A_1716 : i32 to index
        %get3A_1718 = arith.constant 112 : index
        %get3A_1719 = tpu.vector_load %arg7[%get3A_1717, %get3A_1718] {strides = array<i32>} : memref<320x128xf32, #tpu.memory_space<vmem>>, vector<16xf32>,
        %add3A_1720 = arith.constant 14 : i32
        %add3A_1721 = arith.addi %add3A_149, %add3A_1720 : i32
        %get3A_1722 = arith.index_cast %add3A_1721 : i32 to index
        %get3A_1723 = arith.constant 112 : index
        %get3A_1724 = tpu.vector_load %arg8[%get3A_1722, %get3A_1723] {strides = array<i32>} : memref<320x128xf32, #tpu.memory_space<vmem>>, vector<16xf32>,
        %mul3A_1725 = arith.mulf %get3A_1719, %get3A_1724 : vector<16xf32>
        %add3A_1726 = arith.addf %add3A_1714, %mul3A_1725 : vector<16xf32>
        %broadcast_in_dim3A_1727 = arith.constant true
        %broadcast_in_dim3A_1728 = vector.broadcast %broadcast_in_dim3A_1727 : i1 to vector<16xi1>
        %masked_cumsum3A_1729 = tpu.scan <sum>, %add3A_1726 masked %broadcast_in_dim3A_1728 : vector<16xf32>, vector<16xi1> -> vector<16xf32>
        %mul3A_1730 = arith.constant 80 : i32
        %mul3A_1731 = arith.muli %scan3A_103, %mul3A_1730 : i32
        %mul3A_1732 = arith.constant 16 : i32
        %mul3A_1733 = arith.muli %mul3A_1732, %scan3A_145 : i32
        %add3A_1734 = arith.addi %mul3A_1731, %mul3A_1733 : i32
        %add3A_1735 = arith.constant 14 : i32
        %add3A_1736 = arith.addi %add3A_1734, %add3A_1735 : i32
        %broadcast_in_dim3A_1737 = vector.broadcast %add3A_1736 : i32 to vector<16xi32>
        tpu.vector_store_idx %arg9[%broadcast_in_dim3A_1737], %masked_cumsum3A_1729 masked %eq3A_6 : memref<10000xf32, #tpu.memory_space<vmem>>[vector<16xi32>], vector<16xf32>, vector<16xi1>
        %add3A_1738 = arith.constant 15 : i32
        %add3A_1739 = arith.addi %add3A_149, %add3A_1738 : i32
        %get3A_1740 = arith.index_cast %add3A_1739 : i32 to index
        %get3A_1741 = arith.constant 0 : index
        %get3A_1742 = tpu.vector_load %arg7[%get3A_1740, %get3A_1741] {strides = array<i32>} : memref<320x128xf32, #tpu.memory_space<vmem>>, vector<16xf32>,
        %add3A_1743 = arith.constant 15 : i32
        %add3A_1744 = arith.addi %add3A_149, %add3A_1743 : i32
        %get3A_1745 = arith.index_cast %add3A_1744 : i32 to index
        %get3A_1746 = arith.constant 0 : index
        %get3A_1747 = tpu.vector_load %arg8[%get3A_1745, %get3A_1746] {strides = array<i32>} : memref<320x128xf32, #tpu.memory_space<vmem>>, vector<16xf32>,
        %mul3A_1748 = arith.mulf %get3A_1742, %get3A_1747 : vector<16xf32>
        %add3A_1749 = arith.constant 15 : i32
        %add3A_1750 = arith.addi %add3A_149, %add3A_1749 : i32
        %get3A_1751 = arith.index_cast %add3A_1750 : i32 to index
        %get3A_1752 = arith.constant 16 : index
        %get3A_1753 = tpu.vector_load %arg7[%get3A_1751, %get3A_1752] {strides = array<i32>} : memref<320x128xf32, #tpu.memory_space<vmem>>, vector<16xf32>,
        %add3A_1754 = arith.constant 15 : i32
        %add3A_1755 = arith.addi %add3A_149, %add3A_1754 : i32
        %get3A_1756 = arith.index_cast %add3A_1755 : i32 to index
        %get3A_1757 = arith.constant 16 : index
        %get3A_1758 = tpu.vector_load %arg8[%get3A_1756, %get3A_1757] {strides = array<i32>} : memref<320x128xf32, #tpu.memory_space<vmem>>, vector<16xf32>,
        %mul3A_1759 = arith.mulf %get3A_1753, %get3A_1758 : vector<16xf32>
        %add3A_1760 = arith.addf %mul3A_1748, %mul3A_1759 : vector<16xf32>
        %add3A_1761 = arith.constant 15 : i32
        %add3A_1762 = arith.addi %add3A_149, %add3A_1761 : i32
        %get3A_1763 = arith.index_cast %add3A_1762 : i32 to index
        %get3A_1764 = arith.constant 32 : index
        %get3A_1765 = tpu.vector_load %arg7[%get3A_1763, %get3A_1764] {strides = array<i32>} : memref<320x128xf32, #tpu.memory_space<vmem>>, vector<16xf32>,
        %add3A_1766 = arith.constant 15 : i32
        %add3A_1767 = arith.addi %add3A_149, %add3A_1766 : i32
        %get3A_1768 = arith.index_cast %add3A_1767 : i32 to index
        %get3A_1769 = arith.constant 32 : index
        %get3A_1770 = tpu.vector_load %arg8[%get3A_1768, %get3A_1769] {strides = array<i32>} : memref<320x128xf32, #tpu.memory_space<vmem>>, vector<16xf32>,
        %mul3A_1771 = arith.mulf %get3A_1765, %get3A_1770 : vector<16xf32>
        %add3A_1772 = arith.addf %add3A_1760, %mul3A_1771 : vector<16xf32>
        %add3A_1773 = arith.constant 15 : i32
        %add3A_1774 = arith.addi %add3A_149, %add3A_1773 : i32
        %get3A_1775 = arith.index_cast %add3A_1774 : i32 to index
        %get3A_1776 = arith.constant 48 : index
        %get3A_1777 = tpu.vector_load %arg7[%get3A_1775, %get3A_1776] {strides = array<i32>} : memref<320x128xf32, #tpu.memory_space<vmem>>, vector<16xf32>,
        %add3A_1778 = arith.constant 15 : i32
        %add3A_1779 = arith.addi %add3A_149, %add3A_1778 : i32
        %get3A_1780 = arith.index_cast %add3A_1779 : i32 to index
        %get3A_1781 = arith.constant 48 : index
        %get3A_1782 = tpu.vector_load %arg8[%get3A_1780, %get3A_1781] {strides = array<i32>} : memref<320x128xf32, #tpu.memory_space<vmem>>, vector<16xf32>,
        %mul3A_1783 = arith.mulf %get3A_1777, %get3A_1782 : vector<16xf32>
        %add3A_1784 = arith.addf %add3A_1772, %mul3A_1783 : vector<16xf32>
        %add3A_1785 = arith.constant 15 : i32
        %add3A_1786 = arith.addi %add3A_149, %add3A_1785 : i32
        %get3A_1787 = arith.index_cast %add3A_1786 : i32 to index
        %get3A_1788 = arith.constant 64 : index
        %get3A_1789 = tpu.vector_load %arg7[%get3A_1787, %get3A_1788] {strides = array<i32>} : memref<320x128xf32, #tpu.memory_space<vmem>>, vector<16xf32>,
        %add3A_1790 = arith.constant 15 : i32
        %add3A_1791 = arith.addi %add3A_149, %add3A_1790 : i32
        %get3A_1792 = arith.index_cast %add3A_1791 : i32 to index
        %get3A_1793 = arith.constant 64 : index
        %get3A_1794 = tpu.vector_load %arg8[%get3A_1792, %get3A_1793] {strides = array<i32>} : memref<320x128xf32, #tpu.memory_space<vmem>>, vector<16xf32>,
        %mul3A_1795 = arith.mulf %get3A_1789, %get3A_1794 : vector<16xf32>
        %add3A_1796 = arith.addf %add3A_1784, %mul3A_1795 : vector<16xf32>
        %add3A_1797 = arith.constant 15 : i32
        %add3A_1798 = arith.addi %add3A_149, %add3A_1797 : i32
        %get3A_1799 = arith.index_cast %add3A_1798 : i32 to index
        %get3A_1800 = arith.constant 80 : index
        %get3A_1801 = tpu.vector_load %arg7[%get3A_1799, %get3A_1800] {strides = array<i32>} : memref<320x128xf32, #tpu.memory_space<vmem>>, vector<16xf32>,
        %add3A_1802 = arith.constant 15 : i32
        %add3A_1803 = arith.addi %add3A_149, %add3A_1802 : i32
        %get3A_1804 = arith.index_cast %add3A_1803 : i32 to index
        %get3A_1805 = arith.constant 80 : index
        %get3A_1806 = tpu.vector_load %arg8[%get3A_1804, %get3A_1805] {strides = array<i32>} : memref<320x128xf32, #tpu.memory_space<vmem>>, vector<16xf32>,
        %mul3A_1807 = arith.mulf %get3A_1801, %get3A_1806 : vector<16xf32>
        %add3A_1808 = arith.addf %add3A_1796, %mul3A_1807 : vector<16xf32>
        %add3A_1809 = arith.constant 15 : i32
        %add3A_1810 = arith.addi %add3A_149, %add3A_1809 : i32
        %get3A_1811 = arith.index_cast %add3A_1810 : i32 to index
        %get3A_1812 = arith.constant 96 : index
        %get3A_1813 = tpu.vector_load %arg7[%get3A_1811, %get3A_1812] {strides = array<i32>} : memref<320x128xf32, #tpu.memory_space<vmem>>, vector<16xf32>,
        %add3A_1814 = arith.constant 15 : i32
        %add3A_1815 = arith.addi %add3A_149, %add3A_1814 : i32
        %get3A_1816 = arith.index_cast %add3A_1815 : i32 to index
        %get3A_1817 = arith.constant 96 : index
        %get3A_1818 = tpu.vector_load %arg8[%get3A_1816, %get3A_1817] {strides = array<i32>} : memref<320x128xf32, #tpu.memory_space<vmem>>, vector<16xf32>,
        %mul3A_1819 = arith.mulf %get3A_1813, %get3A_1818 : vector<16xf32>
        %add3A_1820 = arith.addf %add3A_1808, %mul3A_1819 : vector<16xf32>
        %add3A_1821 = arith.constant 15 : i32
        %add3A_1822 = arith.addi %add3A_149, %add3A_1821 : i32
        %get3A_1823 = arith.index_cast %add3A_1822 : i32 to index
        %get3A_1824 = arith.constant 112 : index
        %get3A_1825 = tpu.vector_load %arg7[%get3A_1823, %get3A_1824] {strides = array<i32>} : memref<320x128xf32, #tpu.memory_space<vmem>>, vector<16xf32>,
        %add3A_1826 = arith.constant 15 : i32
        %add3A_1827 = arith.addi %add3A_149, %add3A_1826 : i32
        %get3A_1828 = arith.index_cast %add3A_1827 : i32 to index
        %get3A_1829 = arith.constant 112 : index
        %get3A_1830 = tpu.vector_load %arg8[%get3A_1828, %get3A_1829] {strides = array<i32>} : memref<320x128xf32, #tpu.memory_space<vmem>>, vector<16xf32>,
        %mul3A_1831 = arith.mulf %get3A_1825, %get3A_1830 : vector<16xf32>
        %add3A_1832 = arith.addf %add3A_1820, %mul3A_1831 : vector<16xf32>
        %broadcast_in_dim3A_1833 = arith.constant true
        %broadcast_in_dim3A_1834 = vector.broadcast %broadcast_in_dim3A_1833 : i1 to vector<16xi1>
        %masked_cumsum3A_1835 = tpu.scan <sum>, %add3A_1832 masked %broadcast_in_dim3A_1834 : vector<16xf32>, vector<16xi1> -> vector<16xf32>
        %mul3A_1836 = arith.constant 80 : i32
        %mul3A_1837 = arith.muli %scan3A_103, %mul3A_1836 : i32
        %mul3A_1838 = arith.constant 16 : i32
        %mul3A_1839 = arith.muli %mul3A_1838, %scan3A_145 : i32
        %add3A_1840 = arith.addi %mul3A_1837, %mul3A_1839 : i32
        %add3A_1841 = arith.constant 15 : i32
        %add3A_1842 = arith.addi %add3A_1840, %add3A_1841 : i32
        %broadcast_in_dim3A_1843 = vector.broadcast %add3A_1842 : i32 to vector<16xi32>
        tpu.vector_store_idx %arg9[%broadcast_in_dim3A_1843], %masked_cumsum3A_1835 masked %eq3A_6 : memref<10000xf32, #tpu.memory_space<vmem>>[vector<16xi32>], vector<16xf32>, vector<16xi1>
        %scan3A_1844 = arith.constant 0 : i32
        scf.yield %scan3A_1844 : i32
      }
      %scan3A_143 = arith.constant 5 : i32
      %scan3A_144 = arith.constant 0 : i32
      scf.yield %scan3A_144 : i32
    }
    %scan3A_79 = arith.constant 125 : i32
    %scan3A_80 = arith.constant 0 : i32
    %scan3A_81 = arith.constant 0 : i32
    %scan3A_82 = arith.constant 624 : i32
    %scan3A_83 = arith.addi %scan3A_81, %scan3A_82 : i32
    %scan3A_84 = arith.constant 8 : i32
    %scan3A_85 = scf.for %scan3A_103 = %scan3A_81 to %scan3A_83 step %scan3A_84 iter_args(%scan3A_104 = %scan3A_80) -> (i32)  : i32 {
      %mul3A_105 = arith.constant 16 : i32
      %mul3A_106 = arith.muli %mul3A_105, %scan3A_103 : i32
      %get3A_107 = arith.index_cast %mul3A_106 : i32 to index
      %get3A_108 = tpu.vector_load %arg9[%get3A_107] {strides = array<i32>} : memref<10000xf32, #tpu.memory_space<vmem>>, vector<16xf32>,
      %neg3A_109 = arith.constant 0.000000e+00 : f32
      %neg3A_110 = vector.broadcast %neg3A_109 : f32 to vector<16xf32>
      %neg3A_111 = arith.subf %neg3A_110, %get3A_108 : vector<16xf32>
      %exp3A_112 = math.exp %neg3A_111 : vector<16xf32>
      %add3A_113 = arith.constant 1.000000e+00 : f32
      %add3A_114 = vector.broadcast %add3A_113 : f32 to vector<16xf32>
      %add3A_115 = arith.addf %add3A_114, %exp3A_112 : vector<16xf32>
      %div3A_116 = arith.constant 1.000000e+00 : f32
      %div3A_117 = vector.broadcast %div3A_116 : f32 to vector<16xf32>
      %div3A_118 = arith.divf %div3A_117, %add3A_115 : vector<16xf32>
      %mul3A_119 = arith.constant 16 : i32
      %mul3A_120 = arith.muli %mul3A_119, %scan3A_103 : i32
      %swap3A_121 = arith.index_cast %mul3A_120 : i32 to index
      %swap3A_122 = tpu.vector_load %arg9[%swap3A_121] {strides = array<i32>} : memref<10000xf32, #tpu.memory_space<vmem>>, vector<16xf32>,
      tpu.vector_store %arg9[%swap3A_121], %div3A_118 {strides = array<i32>} : memref<10000xf32, #tpu.memory_space<vmem>>, vector<16xf32>,
      %scan3A_123 = arith.constant 0 : i32
      %scan3A_124 = arith.constant 1 : i32
      %scan3A_125 = arith.addi %scan3A_103, %scan3A_124 : i32
      %mul3A_126 = arith.constant 16 : i32
      %mul3A_127 = arith.muli %mul3A_126, %scan3A_125 : i32
      %get3A_128 = arith.index_cast %mul3A_127 : i32 to index
      %get3A_129 = tpu.vector_load %arg9[%get3A_128] {strides = array<i32>} : memref<10000xf32, #tpu.memory_space<vmem>>, vector<16xf32>,
      %neg3A_130 = arith.constant 0.000000e+00 : f32
      %neg3A_131 = vector.broadcast %neg3A_130 : f32 to vector<16xf32>
      %neg3A_132 = arith.subf %neg3A_131, %get3A_129 : vector<16xf32>
      %exp3A_133 = math.exp %neg3A_132 : vector<16xf32>
      %add3A_134 = arith.constant 1.000000e+00 : f32
      %add3A_135 = vector.broadcast %add3A_134 : f32 to vector<16xf32>
      %add3A_136 = arith.addf %add3A_135, %exp3A_133 : vector<16xf32>
      %div3A_137 = arith.constant 1.000000e+00 : f32
      %div3A_138 = vector.broadcast %div3A_137 : f32 to vector<16xf32>
      %div3A_139 = arith.divf %div3A_138, %add3A_136 : vector<16xf32>
      %mul3A_140 = arith.constant 16 : i32
      %mul3A_141 = arith.muli %mul3A_140, %scan3A_125 : i32
      %swap3A_142 = arith.index_cast %mul3A_141 : i32 to index
      %swap3A_143 = tpu.vector_load %arg9[%swap3A_142] {strides = array<i32>} : memref<10000xf32, #tpu.memory_space<vmem>>, vector<16xf32>,
      tpu.vector_store %arg9[%swap3A_142], %div3A_139 {strides = array<i32>} : memref<10000xf32, #tpu.memory_space<vmem>>, vector<16xf32>,
      %scan3A_144 = arith.constant 0 : i32
      %scan3A_145 = arith.constant 2 : i32
      %scan3A_146 = arith.addi %scan3A_103, %scan3A_145 : i32
      %mul3A_147 = arith.constant 16 : i32
      %mul3A_148 = arith.muli %mul3A_147, %scan3A_146 : i32
      %get3A_149 = arith.index_cast %mul3A_148 : i32 to index
      %get3A_150 = tpu.vector_load %arg9[%get3A_149] {strides = array<i32>} : memref<10000xf32, #tpu.memory_space<vmem>>, vector<16xf32>,
      %neg3A_151 = arith.constant 0.000000e+00 : f32
      %neg3A_152 = vector.broadcast %neg3A_151 : f32 to vector<16xf32>
      %neg3A_153 = arith.subf %neg3A_152, %get3A_150 : vector<16xf32>
      %exp3A_154 = math.exp %neg3A_153 : vector<16xf32>
      %add3A_155 = arith.constant 1.000000e+00 : f32
      %add3A_156 = vector.broadcast %add3A_155 : f32 to vector<16xf32>
      %add3A_157 = arith.addf %add3A_156, %exp3A_154 : vector<16xf32>
      %div3A_158 = arith.constant 1.000000e+00 : f32
      %div3A_159 = vector.broadcast %div3A_158 : f32 to vector<16xf32>
      %div3A_160 = arith.divf %div3A_159, %add3A_157 : vector<16xf32>
      %mul3A_161 = arith.constant 16 : i32
      %mul3A_162 = arith.muli %mul3A_161, %scan3A_146 : i32
      %swap3A_163 = arith.index_cast %mul3A_162 : i32 to index
      %swap3A_164 = tpu.vector_load %arg9[%swap3A_163] {strides = array<i32>} : memref<10000xf32, #tpu.memory_space<vmem>>, vector<16xf32>,
      tpu.vector_store %arg9[%swap3A_163], %div3A_160 {strides = array<i32>} : memref<10000xf32, #tpu.memory_space<vmem>>, vector<16xf32>,
      %scan3A_165 = arith.constant 0 : i32
      %scan3A_166 = arith.constant 3 : i32
      %scan3A_167 = arith.addi %scan3A_103, %scan3A_166 : i32
      %mul3A_168 = arith.constant 16 : i32
      %mul3A_169 = arith.muli %mul3A_168, %scan3A_167 : i32
      %get3A_170 = arith.index_cast %mul3A_169 : i32 to index
      %get3A_171 = tpu.vector_load %arg9[%get3A_170] {strides = array<i32>} : memref<10000xf32, #tpu.memory_space<vmem>>, vector<16xf32>,
      %neg3A_172 = arith.constant 0.000000e+00 : f32
      %neg3A_173 = vector.broadcast %neg3A_172 : f32 to vector<16xf32>
      %neg3A_174 = arith.subf %neg3A_173, %get3A_171 : vector<16xf32>
      %exp3A_175 = math.exp %neg3A_174 : vector<16xf32>
      %add3A_176 = arith.constant 1.000000e+00 : f32
      %add3A_177 = vector.broadcast %add3A_176 : f32 to vector<16xf32>
      %add3A_178 = arith.addf %add3A_177, %exp3A_175 : vector<16xf32>
      %div3A_179 = arith.constant 1.000000e+00 : f32
      %div3A_180 = vector.broadcast %div3A_179 : f32 to vector<16xf32>
      %div3A_181 = arith.divf %div3A_180, %add3A_178 : vector<16xf32>
      %mul3A_182 = arith.constant 16 : i32
      %mul3A_183 = arith.muli %mul3A_182, %scan3A_167 : i32
      %swap3A_184 = arith.index_cast %mul3A_183 : i32 to index
      %swap3A_185 = tpu.vector_load %arg9[%swap3A_184] {strides = array<i32>} : memref<10000xf32, #tpu.memory_space<vmem>>, vector<16xf32>,
      tpu.vector_store %arg9[%swap3A_184], %div3A_181 {strides = array<i32>} : memref<10000xf32, #tpu.memory_space<vmem>>, vector<16xf32>,
      %scan3A_186 = arith.constant 0 : i32
      %scan3A_187 = arith.constant 4 : i32
      %scan3A_188 = arith.addi %scan3A_103, %scan3A_187 : i32
      %mul3A_189 = arith.constant 16 : i32
      %mul3A_190 = arith.muli %mul3A_189, %scan3A_188 : i32
      %get3A_191 = arith.index_cast %mul3A_190 : i32 to index
      %get3A_192 = tpu.vector_load %arg9[%get3A_191] {strides = array<i32>} : memref<10000xf32, #tpu.memory_space<vmem>>, vector<16xf32>,
      %neg3A_193 = arith.constant 0.000000e+00 : f32
      %neg3A_194 = vector.broadcast %neg3A_193 : f32 to vector<16xf32>
      %neg3A_195 = arith.subf %neg3A_194, %get3A_192 : vector<16xf32>
      %exp3A_196 = math.exp %neg3A_195 : vector<16xf32>
      %add3A_197 = arith.constant 1.000000e+00 : f32
      %add3A_198 = vector.broadcast %add3A_197 : f32 to vector<16xf32>
      %add3A_199 = arith.addf %add3A_198, %exp3A_196 : vector<16xf32>
      %div3A_200 = arith.constant 1.000000e+00 : f32
      %div3A_201 = vector.broadcast %div3A_200 : f32 to vector<16xf32>
      %div3A_202 = arith.divf %div3A_201, %add3A_199 : vector<16xf32>
      %mul3A_203 = arith.constant 16 : i32
      %mul3A_204 = arith.muli %mul3A_203, %scan3A_188 : i32
      %swap3A_205 = arith.index_cast %mul3A_204 : i32 to index
      %swap3A_206 = tpu.vector_load %arg9[%swap3A_205] {strides = array<i32>} : memref<10000xf32, #tpu.memory_space<vmem>>, vector<16xf32>,
      tpu.vector_store %arg9[%swap3A_205], %div3A_202 {strides = array<i32>} : memref<10000xf32, #tpu.memory_space<vmem>>, vector<16xf32>,
      %scan3A_207 = arith.constant 0 : i32
      %scan3A_208 = arith.constant 5 : i32
      %scan3A_209 = arith.addi %scan3A_103, %scan3A_208 : i32
      %mul3A_210 = arith.constant 16 : i32
      %mul3A_211 = arith.muli %mul3A_210, %scan3A_209 : i32
      %get3A_212 = arith.index_cast %mul3A_211 : i32 to index
      %get3A_213 = tpu.vector_load %arg9[%get3A_212] {strides = array<i32>} : memref<10000xf32, #tpu.memory_space<vmem>>, vector<16xf32>,
      %neg3A_214 = arith.constant 0.000000e+00 : f32
      %neg3A_215 = vector.broadcast %neg3A_214 : f32 to vector<16xf32>
      %neg3A_216 = arith.subf %neg3A_215, %get3A_213 : vector<16xf32>
      %exp3A_217 = math.exp %neg3A_216 : vector<16xf32>
      %add3A_218 = arith.constant 1.000000e+00 : f32
      %add3A_219 = vector.broadcast %add3A_218 : f32 to vector<16xf32>
      %add3A_220 = arith.addf %add3A_219, %exp3A_217 : vector<16xf32>
      %div3A_221 = arith.constant 1.000000e+00 : f32
      %div3A_222 = vector.broadcast %div3A_221 : f32 to vector<16xf32>
      %div3A_223 = arith.divf %div3A_222, %add3A_220 : vector<16xf32>
      %mul3A_224 = arith.constant 16 : i32
      %mul3A_225 = arith.muli %mul3A_224, %scan3A_209 : i32
      %swap3A_226 = arith.index_cast %mul3A_225 : i32 to index
      %swap3A_227 = tpu.vector_load %arg9[%swap3A_226] {strides = array<i32>} : memref<10000xf32, #tpu.memory_space<vmem>>, vector<16xf32>,
      tpu.vector_store %arg9[%swap3A_226], %div3A_223 {strides = array<i32>} : memref<10000xf32, #tpu.memory_space<vmem>>, vector<16xf32>,
      %scan3A_228 = arith.constant 0 : i32
      %scan3A_229 = arith.constant 6 : i32
      %scan3A_230 = arith.addi %scan3A_103, %scan3A_229 : i32
      %mul3A_231 = arith.constant 16 : i32
      %mul3A_232 = arith.muli %mul3A_231, %scan3A_230 : i32
      %get3A_233 = arith.index_cast %mul3A_232 : i32 to index
      %get3A_234 = tpu.vector_load %arg9[%get3A_233] {strides = array<i32>} : memref<10000xf32, #tpu.memory_space<vmem>>, vector<16xf32>,
      %neg3A_235 = arith.constant 0.000000e+00 : f32
      %neg3A_236 = vector.broadcast %neg3A_235 : f32 to vector<16xf32>
      %neg3A_237 = arith.subf %neg3A_236, %get3A_234 : vector<16xf32>
      %exp3A_238 = math.exp %neg3A_237 : vector<16xf32>
      %add3A_239 = arith.constant 1.000000e+00 : f32
      %add3A_240 = vector.broadcast %add3A_239 : f32 to vector<16xf32>
      %add3A_241 = arith.addf %add3A_240, %exp3A_238 : vector<16xf32>
      %div3A_242 = arith.constant 1.000000e+00 : f32
      %div3A_243 = vector.broadcast %div3A_242 : f32 to vector<16xf32>
      %div3A_244 = arith.divf %div3A_243, %add3A_241 : vector<16xf32>
      %mul3A_245 = arith.constant 16 : i32
      %mul3A_246 = arith.muli %mul3A_245, %scan3A_230 : i32
      %swap3A_247 = arith.index_cast %mul3A_246 : i32 to index
      %swap3A_248 = tpu.vector_load %arg9[%swap3A_247] {strides = array<i32>} : memref<10000xf32, #tpu.memory_space<vmem>>, vector<16xf32>,
      tpu.vector_store %arg9[%swap3A_247], %div3A_244 {strides = array<i32>} : memref<10000xf32, #tpu.memory_space<vmem>>, vector<16xf32>,
      %scan3A_249 = arith.constant 0 : i32
      %scan3A_250 = arith.constant 7 : i32
      %scan3A_251 = arith.addi %scan3A_103, %scan3A_250 : i32
      %mul3A_252 = arith.constant 16 : i32
      %mul3A_253 = arith.muli %mul3A_252, %scan3A_251 : i32
      %get3A_254 = arith.index_cast %mul3A_253 : i32 to index
      %get3A_255 = tpu.vector_load %arg9[%get3A_254] {strides = array<i32>} : memref<10000xf32, #tpu.memory_space<vmem>>, vector<16xf32>,
      %neg3A_256 = arith.constant 0.000000e+00 : f32
      %neg3A_257 = vector.broadcast %neg3A_256 : f32 to vector<16xf32>
      %neg3A_258 = arith.subf %neg3A_257, %get3A_255 : vector<16xf32>
      %exp3A_259 = math.exp %neg3A_258 : vector<16xf32>
      %add3A_260 = arith.constant 1.000000e+00 : f32
      %add3A_261 = vector.broadcast %add3A_260 : f32 to vector<16xf32>
      %add3A_262 = arith.addf %add3A_261, %exp3A_259 : vector<16xf32>
      %div3A_263 = arith.constant 1.000000e+00 : f32
      %div3A_264 = vector.broadcast %div3A_263 : f32 to vector<16xf32>
      %div3A_265 = arith.divf %div3A_264, %add3A_262 : vector<16xf32>
      %mul3A_266 = arith.constant 16 : i32
      %mul3A_267 = arith.muli %mul3A_266, %scan3A_251 : i32
      %swap3A_268 = arith.index_cast %mul3A_267 : i32 to index
      %swap3A_269 = tpu.vector_load %arg9[%swap3A_268] {strides = array<i32>} : memref<10000xf32, #tpu.memory_space<vmem>>, vector<16xf32>,
      tpu.vector_store %arg9[%swap3A_268], %div3A_265 {strides = array<i32>} : memref<10000xf32, #tpu.memory_space<vmem>>, vector<16xf32>,
      %scan3A_270 = arith.constant 0 : i32
      scf.yield %scan3A_270 : i32
    }
    %scan3A_86 = arith.constant 624 : i32
    %scan3A_87 = arith.addi %scan3A_81, %scan3A_86 : i32
    %mul3A_88 = arith.constant 16 : i32
    %mul3A_89 = arith.muli %mul3A_88, %scan3A_87 : i32
    %get3A = arith.index_cast %mul3A_89 : i32 to index
    %get3A_90 = tpu.vector_load %arg9[%get3A] {strides = array<i32>} : memref<10000xf32, #tpu.memory_space<vmem>>, vector<16xf32>,
    %neg3A = arith.constant 0.000000e+00 : f32
    %neg3A_91 = vector.broadcast %neg3A : f32 to vector<16xf32>
    %neg3A_92 = arith.subf %neg3A_91, %get3A_90 : vector<16xf32>
    %exp3A = math.exp %neg3A_92 : vector<16xf32>
    %add3A_93 = arith.constant 1.000000e+00 : f32
    %add3A_94 = vector.broadcast %add3A_93 : f32 to vector<16xf32>
    %add3A_95 = arith.addf %add3A_94, %exp3A : vector<16xf32>
    %div3A = arith.constant 1.000000e+00 : f32
    %div3A_96 = vector.broadcast %div3A : f32 to vector<16xf32>
    %div3A_97 = arith.divf %div3A_96, %add3A_95 : vector<16xf32>
    %mul3A_98 = arith.constant 16 : i32
    %mul3A_99 = arith.muli %mul3A_98, %scan3A_87 : i32
    %swap3A = arith.index_cast %mul3A_99 : i32 to index
    %swap3A_100 = tpu.vector_load %arg9[%swap3A] {strides = array<i32>} : memref<10000xf32, #tpu.memory_space<vmem>>, vector<16xf32>,
    tpu.vector_store %arg9[%swap3A], %div3A_97 {strides = array<i32>} : memref<10000xf32, #tpu.memory_space<vmem>>, vector<16xf32>,
    %scan3A_101 = arith.constant 0 : i32
    %scan3A_102 = arith.constant 625 : i32
    "tpu.region"() ({
      %run_scoped3A = tpu.sem_alloc : memref<!tpu.dma_semaphore, #tpu.memory_space<semaphore_mem>>
      %dma_start3A_103 = tpu.memref_slice %arg4[%mul3A_2] : memref<320000xf32, #tpu.memory_space<hbm>> -> memref<10000xf32, #tpu.memory_space<hbm>>
      %dma_start3A_104 = tpu.memref_slice %arg4[%mul3A_2] : memref<320000xf32, #tpu.memory_space<hbm>> -> memref<10000xf32, #tpu.memory_space<hbm>>
      tpu.enqueue_dma source(%arg9 : memref<10000xf32, #tpu.memory_space<vmem>>) target(%dma_start3A_104 : memref<10000xf32, #tpu.memory_space<hbm>>) target_semaphore(%run_scoped3A : memref<!tpu.dma_semaphore, #tpu.memory_space<semaphore_mem>>)
      %dma_wait3A = tpu.memref_slice %arg4[%mul3A_2] : memref<320000xf32, #tpu.memory_space<hbm>> -> memref<10000xf32, #tpu.memory_space<hbm>>
      %dma_wait3A_105 = tpu.memref_slice %arg4[%mul3A_2] : memref<320000xf32, #tpu.memory_space<hbm>> -> memref<10000xf32, #tpu.memory_space<hbm>>
      tpu.wait_dma2 semaphore(%run_scoped3A : memref<!tpu.dma_semaphore, #tpu.memory_space<semaphore_mem>>) src(%arg9 : memref<10000xf32, #tpu.memory_space<vmem>>) dst(%dma_wait3A_105 : memref<10000xf32, #tpu.memory_space<hbm>>)
      tpu.yield
    }) : () -> ()
    return
  }
}

</mosaic_0001>

<sc_bundles>
// kernel: kernel.3.cloned.1.call-start
scs
__scs_entry_jumppad:
0x0: {  	(pc) =	sbr.rel $0x88, $3  }
0x1: {  	(tag) =	ssettag $0x0;
	lr =	simm.s32 $0x1  }
0x2: {  	[smem:$0x3F9F] =	sst lr;
	_ =	strace $0xD0000000  }
0x3: {  	_ = 	snop  }
0x4: {  	_ = 	snop  }
0x5: {  	_ = 	snop  }
0x6: {  	_ = 	snop  }
0x7: {  	_ = 	snop  }
__scs_overlays_trampoline_lowered:
0x8: {  	[smem:$0x3FAE] =	sst s0  }
0x9: {  	[smem:$0x3FAF] =	sst s1  }
0xa: {  	[smem:$0x3FB0] =	sst s2  }
0xb: {  	[smem:$0x3FB1] =	sst s3  }
0xc: {  	[smem:$0x3FB2] =	sst s4  }
0xd: {  	[smem:$0x3FB3] =	sst s5  }
0xe: {  	[smem:$0x3FB4] =	sst s6  }
0xf: {  	[smem:$0x3FB5] =	sst s7  }
0x10: {  	[smem:$0x3FB6] =	sst s8  }
0x11: {  	[smem:$0x3FB7] =	sst s9;
	s0 =	simm.s32 @!p0 $0x0  }
0x12: {  	s1 =	sld [smem:$0x3F9D];
	s0 =	simm.s32 @p0 $0x1  }
0x13: {  	[smem:$0x3FB8] =	sst s0;
	s0 =	simm.s32 @!p1 $0x0  }
0x14: {  	s2 =	sld [smem:$0x3F9C];
	s0 =	simm.s32 @p1 $0x1  }
0x15: {  	[smem:$0x3FB9] =	sst s0;
	s0 =	simm.s32 @!p2 $0x0  }
0x16: {  	s3 =	sld [smem:$0x3FDB];
	s0 =	simm.s32 @p2 $0x1  }
0x17: {  	s4 =	simm.s32 $0x1BF5;
	[smem:$0x3FBB] =	sst s0  }
0x18: {  	s0 =	sld [smem:$0x3F9E];
	_ =	swait.ge [sflag:s4], $0x0  }
0x19: {  	s7 =	sld [smem:$0x3F9F]  }
0x1a: {  	s8 =	sadd.s32 $0xFFFFE003, lr  }
0x1b: {  	s9 =	sadd.s32 $0xFFFFFEF7, lr;
	s5 =	simm.s32 $0xFFFFFFFF;
	p2 =	slt.u32 s8, $0xFFFFF086  }
0x1c: {  	p1 =	slt.u32 s9, $0xF7A;
	s5 =	simm.s32 @!p2 $0x0  }
0x1d: {  	s5 =	simm.s32 @p1 $0x1;
	p0 =	seq.s32 s7, s2  }
0x1e: {  	s7 =	smul.u32 @!p0 $0xF7A, s2;
	p2 =	seq.s32 @!p0 s5, $0x0  }
0x1f: {  	s9 =	smul.u32 $0xF7A, s1;
	s8 =	simm.s32 @!p0 $0x1BF5;
	p2 =	por !p2, p0  }
0x20: {  	[sflag:s8] =	ssyncset.s32 @!p0 $0xFFFFF086;
	s6 =	sadd.s32 @!p0 s3, s7;
	s7 =	simm.s32 @!p0 $0x108  }
0x21: {  	s3 =	sadd.s32 s3, s9;
	s6 =	sadd.s32 @!p0 $0x88, s6;
	s7 =	simm.s32 @p2 $0x1082  }
0x22: {  	[simem:s7], [sflag:s8] =	dma.local @!p0 [hbm:s6], $0xF7A  }
0x23: {  	s9 =	sor.u32 $0xD0000000, s2;
	s6 =	simm.s32 $0x108;
	_ =	swait.ge @!p0 [sflag:s8], $0x0  }
0x24: {  	s3 =	sadd.s32 $0x88, s3;
	s6 =	simm.s32 @!p1 $0x1082;
	[sflag:s4] =	ssyncset.s32 $0xFFFFF086  }
0x25: {  	[simem:s6], [sflag:s4] =	dma.local [hbm:s3], $0xF7A  }
0x26: {  	[smem:$0x3F9F] =	sst s1;
	(tag) =	ssettag s2;
	_ =	strace s9  }
0x27: {  	s1 =	sld [smem:$0x3FAF]  }
0x28: {  	s2 =	sld [smem:$0x3FB0]  }
0x29: {  	s4 =	sld [smem:$0x3FB2]  }
0x2a: {  	p0 =	seq.s32 s5, $0x0;
	s5 =	sld [smem:$0x3FB3]  }
0x2b: {  	s6 =	sld [smem:$0x3FB4]  }
0x2c: {  	s7 =	sld [smem:$0x3FB5]  }
0x2d: {  	s3 =	simm.s32 $0x108;
	s8 =	sld [smem:$0x3FB6]  }
0x2e: {  	s3 =	simm.s32 @!p0 $0x1082;
	s9 =	sld [smem:$0x3FB7]  }
0x2f: {  	lr =	sadd.s32 s0, s3;
	s0 =	sld [smem:$0x3FAE]  }
0x30: {  	s3 =	sld [smem:$0x3FB1]  }
0x31: {  	[smem:$0x3FBA] =	sst s10  }
0x32: {  	s10 =	sld [smem:$0x3FB8];
	_ =	sdelay $0x3  }
0x33: {  	p0 =	seq.s32 s10, $0x1;
	s10 =	sld [smem:$0x3FBA];
	_ =	sdelay $0x3  }
0x34: {  	[smem:$0x3FBA] =	sst s10  }
0x35: {  	s10 =	sld [smem:$0x3FB9];
	_ =	sdelay $0x3  }
0x36: {  	p1 =	seq.s32 s10, $0x1;
	s10 =	sld [smem:$0x3FBA];
	_ =	sdelay $0x3  }
0x37: {  	[smem:$0x3FBA] =	sst s10  }
0x38: {  	s10 =	sld [smem:$0x3FBB]  }
0x39: {  	_ = 	snop;
	(pc) =	sbr.ind lr, $3  }
0x3a: {  	_ = 	snop  }
0x3b: {  	_ = 	snop  }
0x3c: {  	p2 =	seq.s32 s10, $0x1;
	s10 =	sld [smem:$0x3FBA]  }
0x3d: {  	_ =	shalt  }
0x3e: {  	_ =	shalt  }
0x3f: {  	_ =	shalt  }
0x40: {  	_ =	shalt  }
0x41: {  	_ =	shalt  }
0x42: {  	_ =	shalt  }
0x43: {  	_ =	shalt  }
0x44: {  	_ =	shalt  }
0x45: {  	_ =	shalt  }
0x46: {  	_ =	shalt  }
0x47: {  	_ =	shalt  }
0x48: {  	_ =	shalt  }
0x49: {  	_ =	shalt  }
0x4a: {  	_ =	shalt  }
0x4b: {  	_ =	shalt  }
0x4c: {  	_ =	shalt  }
0x4d: {  	_ =	shalt  }
0x4e: {  	_ =	shalt  }
0x4f: {  	_ =	shalt  }
0x50: {  	_ =	shalt  }
0x51: {  	_ =	shalt  }
0x52: {  	_ =	shalt  }
0x53: {  	_ =	shalt  }
0x54: {  	_ =	shalt  }
0x55: {  	_ =	shalt  }
0x56: {  	_ =	shalt  }
0x57: {  	_ =	shalt  }
0x58: {  	_ =	shalt  }
0x59: {  	_ =	shalt  }
0x5a: {  	_ =	shalt  }
0x5b: {  	_ =	shalt  }
0x5c: {  	_ =	shalt  }
0x5d: {  	_ =	shalt  }
0x5e: {  	_ =	shalt  }
0x5f: {  	_ =	shalt  }
0x60: {  	_ =	shalt  }
0x61: {  	_ =	shalt  }
0x62: {  	_ =	shalt  }
0x63: {  	_ =	shalt  }
0x64: {  	_ =	shalt  }
0x65: {  	_ =	shalt  }
0x66: {  	_ =	shalt  }
0x67: {  	_ =	shalt  }
0x68: {  	_ =	shalt  }
0x69: {  	_ =	shalt  }
0x6a: {  	_ =	shalt  }
0x6b: {  	_ =	shalt  }
0x6c: {  	_ =	shalt  }
0x6d: {  	_ =	shalt  }
0x6e: {  	_ =	shalt  }
0x6f: {  	_ =	shalt  }
0x70: {  	_ =	shalt  }
0x71: {  	_ =	shalt  }
0x72: {  	_ =	shalt  }
0x73: {  	_ =	shalt  }
0x74: {  	_ =	shalt  }
0x75: {  	_ =	shalt  }
0x76: {  	_ =	shalt  }
0x77: {  	_ =	shalt  }
0x78: {  	_ =	shalt  }
0x79: {  	_ =	shalt  }
0x7a: {  	_ =	shalt  }
0x7b: {  	_ =	shalt  }
0x7c: {  	_ =	shalt  }
0x7d: {  	_ =	shalt  }
0x7e: {  	_ =	shalt  }
0x7f: {  	_ =	shalt  }
0x80: {  	_ =	shalt  }
0x81: {  	_ =	shalt  }
0x82: {  	_ =	shalt  }
0x83: {  	_ =	shalt  }
0x84: {  	_ =	shalt  }
0x85: {  	_ =	shalt  }
0x86: {  	_ =	shalt  }
0x87: {  	_ =	shalt  }
.Lfunc_end0:
.L_simem_size_0:
called_computation_lowered:
.L_overlay_start_0:
0x88: {  	s2 =	sld [smem:$0x3FD9]  }
0x89: {  	s3 =	sld [smem:$0x3FFE];
	_ =	sdelay $0x1  }
0x8a: {  	s1 =	srdreg.scid  }
0x8b: {  	s0 =	sand.u32 $0x1, s1  }
0x8c: {  	s17 =	sshll.u32 s0, $0xA;
	s2 =	sadd.s32 s3, s2  }
0x8d: {  	s2 =	sadd.s32 s2, s17  }
0x8e: {  	[smem:$0x3FC6] =	sst s2  }
0x8f: {  	_ = 	snop  }
0x90: {  	s2 =	sld [smem:$0x3FC9]  }
0x91: {  	s18 =	sld [smem:$0x3FD0];
	(tm) =	ssettm $0x1  }
0x92: {  	s4 =	sld [smem:$0x3FFB];
	_ =	sdelay $0x3  }
0x93: {  	_ =	strace s4  }
0x94: {  	s4 =	sld [smem:$0x3FFC];
	_ =	sdelay $0x3  }
0x95: {  	_ =	strace s4  }
0x96: {  	s4 =	sld [smem:$0x3FFD];
	_ =	sdelay $0x3  }
0x97: {  	_ =	strace s4  }
0x98: {  	_ =	strace $0x8FFFFFFF  }
0x99: {  	s19 =	sld [smem:$0x3FDB];
	_ =	sdelay $0x1  }
0x9a: {  	s5 =	simm.s32 $_scs_section_size  }
0x9b: {  	s6 =	simm.s32 $_size__tile_overlayer_lowered;
	s7 =	simm.s32 $_tile_overlayer_lowered  }
0x9c: {  	s22 =	simm.s32 $0x1BFF;
	s21 =	sshll.u32 s7, $0x1;
	s4 =	sadd.s32 s5, s19  }
0x9d: {  	s8 =	simm.s32 $0x0;
	s20 =	sshll.u32 s6, $0x1;
	s6 =	sadd.s32 s21, s4  }
0x9e: {  	[timem:s8], [sflag:s22] =	dma.local [hbm:s6], s20  }
0x9f: {  	_ =	swait.ge [sflag:s22], s20  }
0xa0: {  	s5 =	ssub.s32 $0x0, s20;
	[sflag:s22] =	ssyncset.done $0x0  }
0xa1: {  	[sflag:s22] =	ssyncadd.s32 s5;
	_ =	sdelay $0x1  }
0xa2: {  	s23 =	simm.s32 $0x1B8B  }
0xa3: {  	_ =	swait.ge [sflag:s23], $0x1  }
0xa4: {  	[sflag:s23] =	ssyncset.done $0x0  }
0xa5: {  	s25 =	simm.s32 $0x1B8E;
	s24 =	sld [smem:$0x3FFE];
	[sflag:s23] =	ssyncadd.s32 $0xFFFFFFFF  }
0xa6: {  	s26 =	simm.s32 $execute0_lowered;
	[smem:$0x3FD2] =	sst s25  }
0xa7: {  	s6 =	sshll.u32 s26, $0x1;
	_ =	strace $0x80000046;
	[dreg:$0x1] =	wrdreg $0xFFFFFFFF  }
0xa8: {  	s28 =	simm.s32 $_size_execute0_lowered;
	s4 =	sadd.s32 s4, s6;
	[dreg:$0x0] =	wrdreg $0x0  }
0xa9: {  	s6 =	sshll.u32 s28, $0x1;
	[dreg:$0x2] =	wrdreg s4  }
0xaa: {  	[dreg:$0x3] =	wrdreg s6  }
0xab: {  	[dreg:$0x4] =	wrdreg $0xC0  }
0xac: {  	_ =	task [dreg:s8], $0x5FFFF  }
0xad: {  	[dreg:$0x1] =	wrdreg $0xFFFFFFFF  }
0xae: {  	[dreg:$0x0] =	wrdreg $0x60  }
0xaf: {  	[dreg:$0x2] =	wrdreg s2  }
0xb0: {  	[dreg:$0x3] =	wrdreg s24  }
0xb1: {  	[dreg:$0x4] =	wrdreg s18  }
0xb2: {  	[dreg:$0x5] =	wrdreg $0x9  }
0xb3: {  	_ =	task.clear_ibuf [dreg:s8], $0x6FFFF;
	_ =	strace $0x90000046  }
0xb4: {  	s29 =	simm.s32 $0x9;
	_ =	strace $0x80000048  }
0xb5: {  	_ =	swait.ge [sflag:s29], $0x1  }
0xb6: {  	[sflag:s29] =	ssyncadd.s32 $0xFFFFFFFF  }
0xb7: {  	_ =	strace $0x90000048  }
0xb8: {  	_ =	sfence  }
0xb9: {  	s30 =	sld [smem:$0x0];
	_ =	sdelay $0x2  }
0xba: {  	s31 =	sshll.u32 s1, $0xD;
	s1 =	sshrl.u32 s1, $0x2  }
0xbb: {  	s3 =	sand.u32 $0x4000, s31;
	s1 =	sadd.s32 s1, s30  }
0xbc: {  	s0 =	sor.u32 s3, s0;
	s1 =	sshll.u32 s1, $0x11  }
0xbd: {  	s0 =	sor.u32 s1, s0  }
0xbe: {  	s0 =	sadd.s32 $0x8F2B, s0  }
0xbf: {  	[sflag:s0] =	ssyncadd.remote.s32 $0x1  }
0xc0: {  	_ =	sfence.sel $0xFFFF  }
0xc1: {  	[dreg:$0x0] =	wrdreg $0xFFFFFFFF;
	(pc) =	sbr.abs _section_cstart, $3  }
0xc2: {  	[dreg:$0x1] =	wrdreg $0xFFFFFFFF  }
0xc3: {  	_ =	task.clear_ibuf [dreg:s8], $0x2FFFF;
	_ =	strace $0x9FFFFFFF  }
0xc4: {  	(tm) =	ssettm $0x7FFFFFFF  }
0xc5: {  	_ =	shalt  }
tec
execute0_lowered:
.L_overlay_start_1:
0x0: {  	(tag) =	ssettag $0x1  }
0x1: {  	s1 =	rddreg [dreg:$0x0]  }
0x2: {  	s2 =	srdreg.scid;
	s5 =	rddreg [dreg:$0x1]  }
0x3: {  	s0 =	stileid.u32;
	s6 =	rddreg [dreg:$0x2];
	s3 =	simm.s32 $0x0  }
0x4: {  	s9 =	simm.s32 $0x2780;
	s10 =	simm.s32 $0x50;
	s11 =	simm.s32 $0x4F00  }
0x5: {  	s12 =	simm.s32 $0xEF00;
	s13 =	simm.s32 $0x7700;
	s14 =	simm.s32 $0x27D0  }
0x6: {  	s15 =	simm.s32 $0x11700;
	s16 =	simm.s32 $0xA0;
	s17 =	simm.s32 $0x9F00  }
0x7: {  	s18 =	simm.s32 $0x2820;
	s4 =	sand.u32 $0x1, s2;
	s31 =	sshll.u32 s0, $0x1  }
0x8: {  	s19 =	simm.s32 $0x13F00;
	s20 =	simm.s32 $0x18F00;
	s2 =	sor.u32 s4, s31  }
0x9: {  	[smem:$0x7FF] =	sst s3;
	s4 =	ssub.s32 $0x2, s4;
	s7 =	smul.u32 $0x2710, s2  }
0xa: {  	s21 =	simm.s32 $0x0;
	s2 =	rddreg [dreg:$0x3];
	s8 =	sshrl.u32 s4, $0x1  }
0xb: {  	_ =	strace $0x80000047;
	s8 =	ssub.s32 s4, s8;
	s7 =	sshrl.u32 s7, $0x3  }
0xc: {  	s5 =	sadd.s32 s7, s5;
	s6 =	sadd.s32 s6, s7;
	s7 =	smax.u32 s8, $0x1  }
0xd: {  	vm0 =	vcmask $0x3F3C;
	s8 =	simm.s32 $0x5;
	s4 =	sadd.s32 $0x400, s5;
	s5 =	sadd.s32 $0xA040, s5  }
.LBB2_1:
0xe: {  	[tilespmem:s3], [sflag:$0x5] =	stream.linear.gather [hbm4b:s4+s3], $0x2710, $0x38;
	[tilespmem:$0x1B680] =	vst v63  }
0xf: {  	_ =	swait.ge [sflag:s8], $0x2710  }
0x10: {  	[sflag:s8] =	ssyncset.done $0x0  }
0x11: {  	[sflag:s8] =	ssyncadd.s32 $0xFFFFD8F0  }
0x12: {  	[tilespmem:s9], [sflag:$0x5] =	stream.linear.gather [hbm4b:s5+s3], $0x2710, $0x38;
	[tilespmem:$0x1B680] =	vst v63  }
0x13: {  	_ =	swait.ge [sflag:s8], $0x2710  }
0x14: {  	[sflag:s8] =	ssyncset.done $0x0  }
0x15: {  	[sflag:s8] =	ssyncadd.s32 $0xFFFFD8F0  }
0x16: {  	[tilespmem:s11], [sflag:$0x1] =	stream.indirect.gather [hbm4b:s1+s10], $0x80, s3, s10, $0xb8;
	[tilespmem:$0x1B680] =	vst v63  }
0x17: {  	_ = 	snop  }
0x18: {  	[tilespmem:s12], [sflag:$0x1] =	stream.indirect.gather [hbm4b:s1+s10], $0x80, s9, s10, $0xb8;
	[tilespmem:$0x1B680] =	vst v63  }
0x19: {  	_ = 	snop  }
0x1a: {  	[tilespmem:s13], [sflag:$0x2] =	stream.indirect.gather [hbm4b:s1+s10], $0x80, s10, s10, $0xb8;
	[tilespmem:$0x1B680] =	vst v63  }
0x1b: {  	_ = 	snop  }
0x1c: {  	[tilespmem:s15], [sflag:$0x2] =	stream.indirect.gather [hbm4b:s1+s10], $0x80, s14, s10, $0xb8;
	[tilespmem:$0x1B680] =	vst v63  }
0x1d: {  	_ = 	snop  }
0x1e: {  	[tilespmem:s17], [sflag:$0x3] =	stream.indirect.gather [hbm4b:s1+s10], $0x80, s16, s10, $0xb8;
	[tilespmem:$0x1B680] =	vst v63  }
0x1f: {  	s22 =	simm.s32 $0x0  }
0x20: {  	[tilespmem:s19], [sflag:$0x3] =	stream.indirect.gather [hbm4b:s1+s10], $0x80, s18, s10, $0xb8;
	[tilespmem:$0x1B680] =	vst v63  }
.LBB2_2:
0x21: {  	s23 =	sand.u32 $0x3, s22  }
0x22: {  	s24 =	sadd.s32 $0x1, s23  }
0x23: {  	_ =	swait.ge [sflag:s24], $0x2800  }
0x24: {  	p0 =	sgt.u32 s22, $0x79;
	[sflag:s24] =	ssyncset.done $0x0  }
0x25: {  	s25 =	sadd.s32 @!p0 $0x3, s22;
	[sflag:s24] =	ssyncadd.s32 $0xFFFFD800  }
0x26: {  	s26 =	sand.u32 @!p0 $0x3, s25;
	_ =	swait.ge [sflag:s24], $0x2800  }
0x27: {  	s28 =	smul.u32 @!p0 $0x2800, s26;
	[sflag:s24] =	ssyncset.done $0x0  }
0x28: {  	[sflag:s24] =	ssyncadd.s32 $0xFFFFD800;
	s24 =	smul.u32 @!p0 $0x50, s25  }
0x29: {  	s29 =	simm.s32 @!p0 $0x50;
	s26 =	sadd.s32 @!p0 $0x1, s26;
	s25 =	sadd.s32 @!p0 $0x4F00, s28  }
0x2a: {  	[tilespmem:s25], [sflag:s26] =	stream.indirect.gather @!p0 [hbm4b:s1+s29], $0x80, s24, s29, $0xb8;
	[tilespmem:$0x1B680] =	vst v63  }
0x2b: {  	s23 =	smul.u32 $0x50, s23;
	s25 =	sadd.s32 @!p0 $0xEF00, s28;
	s24 =	sadd.s32 @!p0 $0x2780, s24  }
0x2c: {  	[tilespmem:s25], [sflag:s26] =	stream.indirect.gather @!p0 [hbm4b:s1+s29], $0x80, s24, s29, $0xb8;
	[tilespmem:$0x1B680] =	vst v63  }
0x2d: {  	s24 =	smul.u32 $0x50, s22;
	s25 =	simm.s32 $0x0  }
.LBB2_3:
0x2e: {  	s28 =	sshll.u32 s25, $0x4  }
0x2f: {  	s26 =	sadd.s32 s23, s28  }
0x30: {  	s26 =	sshll.u32 s26, $0x7  }
0x31: {  	v0 =	vld [tilespmem:s26+$0x4F00]  }
0x32: {  	v1 =	vld [tilespmem:s26+$0xEF00]  }
0x33: {  	v2 =	vld [tilespmem:s26+$0x4F10]  }
0x34: {  	v3 =	vld [tilespmem:s26+$0xEF10]  }
0x35: {  	v4 =	vld [tilespmem:s26+$0x4F20]  }
0x36: {  	v5 =	vld [tilespmem:s26+$0xEF20]  }
0x37: {  	v6 =	vld [tilespmem:s26+$0x4F30]  }
0x38: {  	v7 =	vld [tilespmem:s26+$0xEF30]  }
0x39: {  	v39 =	vld [tilespmem:s26+$0x4F40];
	v0 =	vmul.f32 v1, v0;
	v38 =	vmul.f32 v3, v2  }
0x3a: {  	v40 =	vld [tilespmem:s26+$0xEF40]  }
0x3b: {  	v42 =	vld [tilespmem:s26+$0x4F50];
	v41 =	vmul.f32 v5, v4;
	v0 =	vadd.f32 v38, v0  }
0x3c: {  	v43 =	vld [tilespmem:s26+$0xEF50]  }
0x3d: {  	v45 =	vld [tilespmem:s26+$0x4F60];
	v44 =	vmul.f32 v7, v6;
	v0 =	vadd.f32 v41, v0  }
0x3e: {  	v46 =	vld [tilespmem:s26+$0xEF60]  }
0x3f: {  	v48 =	vld [tilespmem:s26+$0x4F70];
	v47 =	vmul.f32 v40, v39;
	v0 =	vadd.f32 v44, v0  }
0x40: {  	v49 =	vld [tilespmem:s26+$0xEF70]  }
0x41: {  	v50 =	vmul.f32 v43, v42;
	v0 =	vadd.f32 v47, v0;
	_ =	sdelay $0x1  }
0x42: {  	v51 =	vmul.f32 v46, v45;
	v0 =	vadd.f32 v50, v0;
	_ =	sdelay $0x1  }
0x43: {  	v52 =	vmul.f32 v49, v48;
	v0 =	vadd.f32 v51, v0;
	_ =	sdelay $0x1  }
0x44: {  	v0 =	vadd.f32 v52, v0;
	_ =	sdelay $0x1  }
0x45: {  	(xrf2) =	vadd.scan.msk.f32 $0xffff, v0;
	_ =	sdelay $0x1  }
0x46: {  	s28 =	sadd.s32 s24, s28  }
0x47: {  	v53 =	vmov s28  }
0x48: {  	v0 =	vand.u32 $0xFFFFFFF0, v53  }
0x49: {  	v0 =	vbroadcast v0, $0x0;
	_ =	sdelay $0x4  }
0x4a: {  	v54, _, _ =	vpop (xrf2)  }
0x4b: {  	[tilespmem:v0+s20+$0x0] =	vst.idx.msk vm0, v54  }
0x4c: {  	v0 =	vld [tilespmem:s26+$0x4F80]  }
0x4d: {  	v1 =	vld [tilespmem:s26+$0xEF80]  }
0x4e: {  	v55 =	vld [tilespmem:s26+$0x4F90]  }
0x4f: {  	v56 =	vld [tilespmem:s26+$0xEF90]  }
0x50: {  	v57 =	vld [tilespmem:s26+$0x4FA0]  }
0x51: {  	v58 =	vld [tilespmem:s26+$0xEFA0]  }
0x52: {  	v59 =	vld [tilespmem:s26+$0x4FB0]  }
0x53: {  	v60 =	vld [tilespmem:s26+$0xEFB0]  }
0x54: {  	v62 =	vld [tilespmem:s26+$0x4FC0];
	v0 =	vmul.f32 v1, v0;
	v61 =	vmul.f32 v56, v55  }
0x55: {  	v63 =	vld [tilespmem:s26+$0xEFC0]  }
0x56: {  	v10 =	vld [tilespmem:s26+$0x4FD0];
	v9 =	vmul.f32 v58, v57;
	v0 =	vadd.f32 v61, v0  }
0x57: {  	v11 =	vld [tilespmem:s26+$0xEFD0]  }
0x58: {  	v13 =	vld [tilespmem:s26+$0x4FE0];
	v12 =	vmul.f32 v60, v59;
	v0 =	vadd.f32 v9, v0  }
0x59: {  	v14 =	vld [tilespmem:s26+$0xEFE0]  }
0x5a: {  	v16 =	vld [tilespmem:s26+$0x4FF0];
	v15 =	vmul.f32 v63, v62;
	v0 =	vadd.f32 v12, v0  }
0x5b: {  	v17 =	vld [tilespmem:s26+$0xEFF0]  }
0x5c: {  	v18 =	vmul.f32 v11, v10;
	v0 =	vadd.f32 v15, v0;
	_ =	sdelay $0x1  }
0x5d: {  	v19 =	vmul.f32 v14, v13;
	v0 =	vadd.f32 v18, v0;
	_ =	sdelay $0x1  }
0x5e: {  	v20 =	vmul.f32 v17, v16;
	v0 =	vadd.f32 v19, v0;
	_ =	sdelay $0x1  }
0x5f: {  	v0 =	vadd.f32 v20, v0;
	_ =	sdelay $0x1  }
0x60: {  	(xrf2) =	vadd.scan.msk.f32 $0xffff, v0;
	_ =	sdelay $0x1  }
0x61: {  	s29 =	sor.u32 $0x1, s28  }
0x62: {  	v21 =	vmov s29  }
0x63: {  	v0 =	vand.u32 $0xFFFFFFF1, v21  }
0x64: {  	v0 =	vbroadcast v0, $0x0;
	_ =	sdelay $0x4  }
0x65: {  	v22, _, _ =	vpop (xrf2)  }
0x66: {  	[tilespmem:v0+s20+$0x0] =	vst.idx.msk vm0, v22  }
0x67: {  	v0 =	vld [tilespmem:s26+$0x5000]  }
0x68: {  	v1 =	vld [tilespmem:s26+$0xF000]  }
0x69: {  	v23 =	vld [tilespmem:s26+$0x5010]  }
0x6a: {  	v24 =	vld [tilespmem:s26+$0xF010]  }
0x6b: {  	v25 =	vld [tilespmem:s26+$0x5020]  }
0x6c: {  	v26 =	vld [tilespmem:s26+$0xF020]  }
0x6d: {  	v27 =	vld [tilespmem:s26+$0x5030]  }
0x6e: {  	v28 =	vld [tilespmem:s26+$0xF030]  }
0x6f: {  	v30 =	vld [tilespmem:s26+$0x5040];
	v0 =	vmul.f32 v1, v0;
	v29 =	vmul.f32 v24, v23  }
0x70: {  	v31 =	vld [tilespmem:s26+$0xF040]  }
0x71: {  	v33 =	vld [tilespmem:s26+$0x5050];
	v32 =	vmul.f32 v26, v25;
	v0 =	vadd.f32 v29, v0  }
0x72: {  	v34 =	vld [tilespmem:s26+$0xF050]  }
0x73: {  	v36 =	vld [tilespmem:s26+$0x5060];
	v35 =	vmul.f32 v28, v27;
	v0 =	vadd.f32 v32, v0  }
0x74: {  	v37 =	vld [tilespmem:s26+$0xF060]  }
0x75: {  	v39 =	vld [tilespmem:s26+$0x5070];
	v38 =	vmul.f32 v31, v30;
	v0 =	vadd.f32 v35, v0  }
0x76: {  	v40 =	vld [tilespmem:s26+$0xF070]  }
0x77: {  	v41 =	vmul.f32 v34, v33;
	v0 =	vadd.f32 v38, v0;
	_ =	sdelay $0x1  }
0x78: {  	v42 =	vmul.f32 v37, v36;
	v0 =	vadd.f32 v41, v0;
	_ =	sdelay $0x1  }
0x79: {  	v43 =	vmul.f32 v40, v39;
	v0 =	vadd.f32 v42, v0;
	_ =	sdelay $0x1  }
0x7a: {  	v0 =	vadd.f32 v43, v0;
	_ =	sdelay $0x1  }
0x7b: {  	(xrf2) =	vadd.scan.msk.f32 $0xffff, v0;
	_ =	sdelay $0x1  }
0x7c: {  	s30 =	sor.u32 $0x2, s28  }
0x7d: {  	v44 =	vmov s30  }
0x7e: {  	v0 =	vand.u32 $0xFFFFFFF2, v44  }
0x7f: {  	v0 =	vbroadcast v0, $0x0;
	_ =	sdelay $0x4  }
0x80: {  	v45, _, _ =	vpop (xrf2)  }
0x81: {  	[tilespmem:v0+s20+$0x0] =	vst.idx.msk vm0, v45  }
0x82: {  	v0 =	vld [tilespmem:s26+$0x5080]  }
0x83: {  	v1 =	vld [tilespmem:s26+$0xF080]  }
0x84: {  	v46 =	vld [tilespmem:s26+$0x5090]  }
0x85: {  	v47 =	vld [tilespmem:s26+$0xF090]  }
0x86: {  	v48 =	vld [tilespmem:s26+$0x50A0]  }
0x87: {  	v49 =	vld [tilespmem:s26+$0xF0A0]  }
0x88: {  	v50 =	vld [tilespmem:s26+$0x50B0]  }
0x89: {  	v51 =	vld [tilespmem:s26+$0xF0B0]  }
0x8a: {  	v53 =	vld [tilespmem:s26+$0x50C0];
	v0 =	vmul.f32 v1, v0;
	v52 =	vmul.f32 v47, v46  }
0x8b: {  	v54 =	vld [tilespmem:s26+$0xF0C0]  }
0x8c: {  	v56 =	vld [tilespmem:s26+$0x50D0];
	v55 =	vmul.f32 v49, v48;
	v0 =	vadd.f32 v52, v0  }
0x8d: {  	v57 =	vld [tilespmem:s26+$0xF0D0]  }
0x8e: {  	v59 =	vld [tilespmem:s26+$0x50E0];
	v58 =	vmul.f32 v51, v50;
	v0 =	vadd.f32 v55, v0  }
0x8f: {  	v60 =	vld [tilespmem:s26+$0xF0E0]  }
0x90: {  	v62 =	vld [tilespmem:s26+$0x50F0];
	v61 =	vmul.f32 v54, v53;
	v0 =	vadd.f32 v58, v0  }
0x91: {  	v63 =	vld [tilespmem:s26+$0xF0F0]  }
0x92: {  	v4 =	vmul.f32 v57, v56;
	v0 =	vadd.f32 v61, v0;
	_ =	sdelay $0x1  }
0x93: {  	v5 =	vmul.f32 v60, v59;
	v0 =	vadd.f32 v4, v0;
	_ =	sdelay $0x1  }
0x94: {  	v6 =	vmul.f32 v63, v62;
	v0 =	vadd.f32 v5, v0;
	_ =	sdelay $0x1  }
0x95: {  	v0 =	vadd.f32 v6, v0;
	_ =	sdelay $0x1  }
0x96: {  	(xrf2) =	vadd.scan.msk.f32 $0xffff, v0;
	_ =	sdelay $0x1  }
0x97: {  	s31 =	sor.u32 $0x3, s28  }
0x98: {  	v7 =	vmov s31  }
0x99: {  	v0 =	vand.u32 $0xFFFFFFF3, v7  }
0x9a: {  	v0 =	vbroadcast v0, $0x0;
	_ =	sdelay $0x4  }
0x9b: {  	v8, _, _ =	vpop (xrf2)  }
0x9c: {  	[tilespmem:v0+s20+$0x0] =	vst.idx.msk vm0, v8  }
0x9d: {  	v0 =	vld [tilespmem:s26+$0x5100]  }
0x9e: {  	v1 =	vld [tilespmem:s26+$0xF100]  }
0x9f: {  	v9 =	vld [tilespmem:s26+$0x5110]  }
0xa0: {  	v10 =	vld [tilespmem:s26+$0xF110]  }
0xa1: {  	v11 =	vld [tilespmem:s26+$0x5120]  }
0xa2: {  	v12 =	vld [tilespmem:s26+$0xF120]  }
0xa3: {  	v13 =	vld [tilespmem:s26+$0x5130]  }
0xa4: {  	v14 =	vld [tilespmem:s26+$0xF130]  }
0xa5: {  	v16 =	vld [tilespmem:s26+$0x5140];
	v0 =	vmul.f32 v1, v0;
	v15 =	vmul.f32 v10, v9  }
0xa6: {  	v17 =	vld [tilespmem:s26+$0xF140]  }
0xa7: {  	v19 =	vld [tilespmem:s26+$0x5150];
	v18 =	vmul.f32 v12, v11;
	v0 =	vadd.f32 v15, v0  }
0xa8: {  	v20 =	vld [tilespmem:s26+$0xF150]  }
0xa9: {  	v22 =	vld [tilespmem:s26+$0x5160];
	v21 =	vmul.f32 v14, v13;
	v0 =	vadd.f32 v18, v0  }
0xaa: {  	v23 =	vld [tilespmem:s26+$0xF160]  }
0xab: {  	v25 =	vld [tilespmem:s26+$0x5170];
	v24 =	vmul.f32 v17, v16;
	v0 =	vadd.f32 v21, v0  }
0xac: {  	v26 =	vld [tilespmem:s26+$0xF170]  }
0xad: {  	v27 =	vmul.f32 v20, v19;
	v0 =	vadd.f32 v24, v0;
	_ =	sdelay $0x1  }
0xae: {  	v28 =	vmul.f32 v23, v22;
	v0 =	vadd.f32 v27, v0;
	_ =	sdelay $0x1  }
0xaf: {  	v29 =	vmul.f32 v26, v25;
	v0 =	vadd.f32 v28, v0;
	_ =	sdelay $0x1  }
0xb0: {  	v0 =	vadd.f32 v29, v0;
	_ =	sdelay $0x1  }
0xb1: {  	(xrf2) =	vadd.scan.msk.f32 $0xffff, v0;
	_ =	sdelay $0x1  }
0xb2: {  	s30 =	sor.u32 $0x4, s28  }
0xb3: {  	v30 =	vmov s30  }
0xb4: {  	v0 =	vand.u32 $0xFFFFFFF4, v30  }
0xb5: {  	v0 =	vbroadcast v0, $0x0;
	_ =	sdelay $0x4  }
0xb6: {  	v31, _, _ =	vpop (xrf2)  }
0xb7: {  	[tilespmem:v0+s20+$0x0] =	vst.idx.msk vm0, v31  }
0xb8: {  	v0 =	vld [tilespmem:s26+$0x5180]  }
0xb9: {  	v1 =	vld [tilespmem:s26+$0xF180]  }
0xba: {  	v32 =	vld [tilespmem:s26+$0x5190]  }
0xbb: {  	v33 =	vld [tilespmem:s26+$0xF190]  }
0xbc: {  	v34 =	vld [tilespmem:s26+$0x51A0]  }
0xbd: {  	v35 =	vld [tilespmem:s26+$0xF1A0]  }
0xbe: {  	v36 =	vld [tilespmem:s26+$0x51B0]  }
0xbf: {  	v37 =	vld [tilespmem:s26+$0xF1B0]  }
0xc0: {  	v39 =	vld [tilespmem:s26+$0x51C0];
	v0 =	vmul.f32 v1, v0;
	v38 =	vmul.f32 v33, v32  }
0xc1: {  	v40 =	vld [tilespmem:s26+$0xF1C0]  }
0xc2: {  	v42 =	vld [tilespmem:s26+$0x51D0];
	v41 =	vmul.f32 v35, v34;
	v0 =	vadd.f32 v38, v0  }
0xc3: {  	v43 =	vld [tilespmem:s26+$0xF1D0]  }
0xc4: {  	v45 =	vld [tilespmem:s26+$0x51E0];
	v44 =	vmul.f32 v37, v36;
	v0 =	vadd.f32 v41, v0  }
0xc5: {  	v46 =	vld [tilespmem:s26+$0xF1E0]  }
0xc6: {  	v48 =	vld [tilespmem:s26+$0x51F0];
	v47 =	vmul.f32 v40, v39;
	v0 =	vadd.f32 v44, v0  }
0xc7: {  	v49 =	vld [tilespmem:s26+$0xF1F0]  }
0xc8: {  	v50 =	vmul.f32 v43, v42;
	v0 =	vadd.f32 v47, v0;
	_ =	sdelay $0x1  }
0xc9: {  	v51 =	vmul.f32 v46, v45;
	v0 =	vadd.f32 v50, v0;
	_ =	sdelay $0x1  }
0xca: {  	v52 =	vmul.f32 v49, v48;
	v0 =	vadd.f32 v51, v0;
	_ =	sdelay $0x1  }
0xcb: {  	v0 =	vadd.f32 v52, v0;
	_ =	sdelay $0x1  }
0xcc: {  	(xrf2) =	vadd.scan.msk.f32 $0xffff, v0;
	_ =	sdelay $0x1  }
0xcd: {  	s31 =	sor.u32 $0x5, s28  }
0xce: {  	v53 =	vmov s31  }
0xcf: {  	v0 =	vand.u32 $0xFFFFFFF5, v53  }
0xd0: {  	v0 =	vbroadcast v0, $0x0;
	_ =	sdelay $0x4  }
0xd1: {  	v54, _, _ =	vpop (xrf2)  }
0xd2: {  	[tilespmem:v0+s20+$0x0] =	vst.idx.msk vm0, v54  }
0xd3: {  	v0 =	vld [tilespmem:s26+$0x5200]  }
0xd4: {  	v1 =	vld [tilespmem:s26+$0xF200]  }
0xd5: {  	v55 =	vld [tilespmem:s26+$0x5210]  }
0xd6: {  	v56 =	vld [tilespmem:s26+$0xF210]  }
0xd7: {  	v57 =	vld [tilespmem:s26+$0x5220]  }
0xd8: {  	v58 =	vld [tilespmem:s26+$0xF220]  }
0xd9: {  	v59 =	vld [tilespmem:s26+$0x5230]  }
0xda: {  	v60 =	vld [tilespmem:s26+$0xF230]  }
0xdb: {  	v62 =	vld [tilespmem:s26+$0x5240];
	v0 =	vmul.f32 v1, v0;
	v61 =	vmul.f32 v56, v55  }
0xdc: {  	v63 =	vld [tilespmem:s26+$0xF240]  }
0xdd: {  	v10 =	vld [tilespmem:s26+$0x5250];
	v9 =	vmul.f32 v58, v57;
	v0 =	vadd.f32 v61, v0  }
0xde: {  	v11 =	vld [tilespmem:s26+$0xF250]  }
0xdf: {  	v13 =	vld [tilespmem:s26+$0x5260];
	v12 =	vmul.f32 v60, v59;
	v0 =	vadd.f32 v9, v0  }
0xe0: {  	v14 =	vld [tilespmem:s26+$0xF260]  }
0xe1: {  	v16 =	vld [tilespmem:s26+$0x5270];
	v15 =	vmul.f32 v63, v62;
	v0 =	vadd.f32 v12, v0  }
0xe2: {  	v17 =	vld [tilespmem:s26+$0xF270]  }
0xe3: {  	v18 =	vmul.f32 v11, v10;
	v0 =	vadd.f32 v15, v0;
	_ =	sdelay $0x1  }
0xe4: {  	v19 =	vmul.f32 v14, v13;
	v0 =	vadd.f32 v18, v0;
	_ =	sdelay $0x1  }
0xe5: {  	v20 =	vmul.f32 v17, v16;
	v0 =	vadd.f32 v19, v0;
	_ =	sdelay $0x1  }
0xe6: {  	v0 =	vadd.f32 v20, v0;
	_ =	sdelay $0x1  }
0xe7: {  	(xrf2) =	vadd.scan.msk.f32 $0xffff, v0;
	_ =	sdelay $0x1  }
0xe8: {  	s30 =	sor.u32 $0x6, s28  }
0xe9: {  	v21 =	vmov s30  }
0xea: {  	v0 =	vand.u32 $0xFFFFFFF6, v21  }
0xeb: {  	v0 =	vbroadcast v0, $0x0;
	_ =	sdelay $0x4  }
0xec: {  	v22, _, _ =	vpop (xrf2)  }
0xed: {  	[tilespmem:v0+s20+$0x0] =	vst.idx.msk vm0, v22  }
0xee: {  	v0 =	vld [tilespmem:s26+$0x5280]  }
0xef: {  	v1 =	vld [tilespmem:s26+$0xF280]  }
0xf0: {  	v23 =	vld [tilespmem:s26+$0x5290]  }
0xf1: {  	v24 =	vld [tilespmem:s26+$0xF290]  }
0xf2: {  	v25 =	vld [tilespmem:s26+$0x52A0]  }
0xf3: {  	v26 =	vld [tilespmem:s26+$0xF2A0]  }
0xf4: {  	v27 =	vld [tilespmem:s26+$0x52B0]  }
0xf5: {  	v28 =	vld [tilespmem:s26+$0xF2B0]  }
0xf6: {  	v30 =	vld [tilespmem:s26+$0x52C0];
	v0 =	vmul.f32 v1, v0;
	v29 =	vmul.f32 v24, v23  }
0xf7: {  	v31 =	vld [tilespmem:s26+$0xF2C0]  }
0xf8: {  	v33 =	vld [tilespmem:s26+$0x52D0];
	v32 =	vmul.f32 v26, v25;
	v0 =	vadd.f32 v29, v0  }
0xf9: {  	v34 =	vld [tilespmem:s26+$0xF2D0]  }
0xfa: {  	v36 =	vld [tilespmem:s26+$0x52E0];
	v35 =	vmul.f32 v28, v27;
	v0 =	vadd.f32 v32, v0  }
0xfb: {  	v37 =	vld [tilespmem:s26+$0xF2E0]  }
0xfc: {  	v39 =	vld [tilespmem:s26+$0x52F0];
	v38 =	vmul.f32 v31, v30;
	v0 =	vadd.f32 v35, v0  }
0xfd: {  	v40 =	vld [tilespmem:s26+$0xF2F0]  }
0xfe: {  	v41 =	vmul.f32 v34, v33;
	v0 =	vadd.f32 v38, v0;
	_ =	sdelay $0x1  }
0xff: {  	v42 =	vmul.f32 v37, v36;
	v0 =	vadd.f32 v41, v0;
	_ =	sdelay $0x1  }
0x100: {  	v43 =	vmul.f32 v40, v39;
	v0 =	vadd.f32 v42, v0;
	_ =	sdelay $0x1  }
0x101: {  	v0 =	vadd.f32 v43, v0;
	_ =	sdelay $0x1  }
0x102: {  	(xrf2) =	vadd.scan.msk.f32 $0xffff, v0;
	_ =	sdelay $0x1  }
0x103: {  	s31 =	sor.u32 $0x7, s28  }
0x104: {  	v44 =	vmov s31  }
0x105: {  	v0 =	vand.u32 $0xFFFFFFF7, v44  }
0x106: {  	v0 =	vbroadcast v0, $0x0;
	_ =	sdelay $0x4  }
0x107: {  	v45, _, _ =	vpop (xrf2)  }
0x108: {  	[tilespmem:v0+s20+$0x0] =	vst.idx.msk vm0, v45  }
0x109: {  	v0 =	vld [tilespmem:s26+$0x5300]  }
0x10a: {  	v1 =	vld [tilespmem:s26+$0xF300]  }
0x10b: {  	v46 =	vld [tilespmem:s26+$0x5310]  }
0x10c: {  	v47 =	vld [tilespmem:s26+$0xF310]  }
0x10d: {  	v48 =	vld [tilespmem:s26+$0x5320]  }
0x10e: {  	v49 =	vld [tilespmem:s26+$0xF320]  }
0x10f: {  	v50 =	vld [tilespmem:s26+$0x5330]  }
0x110: {  	v51 =	vld [tilespmem:s26+$0xF330]  }
0x111: {  	v53 =	vld [tilespmem:s26+$0x5340];
	v0 =	vmul.f32 v1, v0;
	v52 =	vmul.f32 v47, v46  }
0x112: {  	v54 =	vld [tilespmem:s26+$0xF340]  }
0x113: {  	v56 =	vld [tilespmem:s26+$0x5350];
	v55 =	vmul.f32 v49, v48;
	v0 =	vadd.f32 v52, v0  }
0x114: {  	v57 =	vld [tilespmem:s26+$0xF350]  }
0x115: {  	v59 =	vld [tilespmem:s26+$0x5360];
	v58 =	vmul.f32 v51, v50;
	v0 =	vadd.f32 v55, v0  }
0x116: {  	v60 =	vld [tilespmem:s26+$0xF360]  }
0x117: {  	v62 =	vld [tilespmem:s26+$0x5370];
	v61 =	vmul.f32 v54, v53;
	v0 =	vadd.f32 v58, v0  }
0x118: {  	v63 =	vld [tilespmem:s26+$0xF370]  }
0x119: {  	v8 =	vmul.f32 v57, v56;
	v0 =	vadd.f32 v61, v0;
	_ =	sdelay $0x1  }
0x11a: {  	v9 =	vmul.f32 v60, v59;
	v0 =	vadd.f32 v8, v0;
	_ =	sdelay $0x1  }
0x11b: {  	v10 =	vmul.f32 v63, v62;
	v0 =	vadd.f32 v9, v0;
	_ =	sdelay $0x1  }
0x11c: {  	v0 =	vadd.f32 v10, v0;
	_ =	sdelay $0x1  }
0x11d: {  	(xrf2) =	vadd.scan.msk.f32 $0xffff, v0;
	_ =	sdelay $0x1  }
0x11e: {  	s30 =	sor.u32 $0x8, s28  }
0x11f: {  	v11 =	vmov s30  }
0x120: {  	v0 =	vand.u32 $0xFFFFFFF8, v11  }
0x121: {  	v0 =	vbroadcast v0, $0x0;
	_ =	sdelay $0x4  }
0x122: {  	v12, _, _ =	vpop (xrf2)  }
0x123: {  	[tilespmem:v0+s20+$0x0] =	vst.idx.msk vm0, v12  }
0x124: {  	v0 =	vld [tilespmem:s26+$0x5380]  }
0x125: {  	v1 =	vld [tilespmem:s26+$0xF380]  }
0x126: {  	v13 =	vld [tilespmem:s26+$0x5390]  }
0x127: {  	v14 =	vld [tilespmem:s26+$0xF390]  }
0x128: {  	v15 =	vld [tilespmem:s26+$0x53A0]  }
0x129: {  	v16 =	vld [tilespmem:s26+$0xF3A0]  }
0x12a: {  	v17 =	vld [tilespmem:s26+$0x53B0]  }
0x12b: {  	v18 =	vld [tilespmem:s26+$0xF3B0]  }
0x12c: {  	v20 =	vld [tilespmem:s26+$0x53C0];
	v0 =	vmul.f32 v1, v0;
	v19 =	vmul.f32 v14, v13  }
0x12d: {  	v21 =	vld [tilespmem:s26+$0xF3C0]  }
0x12e: {  	v23 =	vld [tilespmem:s26+$0x53D0];
	v22 =	vmul.f32 v16, v15;
	v0 =	vadd.f32 v19, v0  }
0x12f: {  	v24 =	vld [tilespmem:s26+$0xF3D0]  }
0x130: {  	v26 =	vld [tilespmem:s26+$0x53E0];
	v25 =	vmul.f32 v18, v17;
	v0 =	vadd.f32 v22, v0  }
0x131: {  	v27 =	vld [tilespmem:s26+$0xF3E0]  }
0x132: {  	v29 =	vld [tilespmem:s26+$0x53F0];
	v28 =	vmul.f32 v21, v20;
	v0 =	vadd.f32 v25, v0  }
0x133: {  	v30 =	vld [tilespmem:s26+$0xF3F0]  }
0x134: {  	v31 =	vmul.f32 v24, v23;
	v0 =	vadd.f32 v28, v0;
	_ =	sdelay $0x1  }
0x135: {  	v32 =	vmul.f32 v27, v26;
	v0 =	vadd.f32 v31, v0;
	_ =	sdelay $0x1  }
0x136: {  	v33 =	vmul.f32 v30, v29;
	v0 =	vadd.f32 v32, v0;
	_ =	sdelay $0x1  }
0x137: {  	v0 =	vadd.f32 v33, v0;
	_ =	sdelay $0x1  }
0x138: {  	(xrf2) =	vadd.scan.msk.f32 $0xffff, v0;
	_ =	sdelay $0x1  }
0x139: {  	s31 =	sor.u32 $0x9, s28  }
0x13a: {  	v34 =	vmov s31  }
0x13b: {  	v0 =	vand.u32 $0xFFFFFFF9, v34  }
0x13c: {  	v0 =	vbroadcast v0, $0x0;
	_ =	sdelay $0x4  }
0x13d: {  	v35, _, _ =	vpop (xrf2)  }
0x13e: {  	[tilespmem:v0+s20+$0x0] =	vst.idx.msk vm0, v35  }
0x13f: {  	v0 =	vld [tilespmem:s26+$0x5400]  }
0x140: {  	v1 =	vld [tilespmem:s26+$0xF400]  }
0x141: {  	v36 =	vld [tilespmem:s26+$0x5410]  }
0x142: {  	v37 =	vld [tilespmem:s26+$0xF410]  }
0x143: {  	v38 =	vld [tilespmem:s26+$0x5420]  }
0x144: {  	v39 =	vld [tilespmem:s26+$0xF420]  }
0x145: {  	v40 =	vld [tilespmem:s26+$0x5430]  }
0x146: {  	v41 =	vld [tilespmem:s26+$0xF430]  }
0x147: {  	v43 =	vld [tilespmem:s26+$0x5440];
	v0 =	vmul.f32 v1, v0;
	v42 =	vmul.f32 v37, v36  }
0x148: {  	v44 =	vld [tilespmem:s26+$0xF440]  }
0x149: {  	v46 =	vld [tilespmem:s26+$0x5450];
	v45 =	vmul.f32 v39, v38;
	v0 =	vadd.f32 v42, v0  }
0x14a: {  	v47 =	vld [tilespmem:s26+$0xF450]  }
0x14b: {  	v49 =	vld [tilespmem:s26+$0x5460];
	v48 =	vmul.f32 v41, v40;
	v0 =	vadd.f32 v45, v0  }
0x14c: {  	v50 =	vld [tilespmem:s26+$0xF460]  }
0x14d: {  	v52 =	vld [tilespmem:s26+$0x5470];
	v51 =	vmul.f32 v44, v43;
	v0 =	vadd.f32 v48, v0  }
0x14e: {  	v53 =	vld [tilespmem:s26+$0xF470]  }
0x14f: {  	v54 =	vmul.f32 v47, v46;
	v0 =	vadd.f32 v51, v0;
	_ =	sdelay $0x1  }
0x150: {  	v55 =	vmul.f32 v50, v49;
	v0 =	vadd.f32 v54, v0;
	_ =	sdelay $0x1  }
0x151: {  	v56 =	vmul.f32 v53, v52;
	v0 =	vadd.f32 v55, v0;
	_ =	sdelay $0x1  }
0x152: {  	v0 =	vadd.f32 v56, v0;
	_ =	sdelay $0x1  }
0x153: {  	(xrf2) =	vadd.scan.msk.f32 $0xffff, v0;
	_ =	sdelay $0x1  }
0x154: {  	s30 =	sor.u32 $0xA, s28  }
0x155: {  	v57 =	vmov s30  }
0x156: {  	v0 =	vand.u32 $0xFFFFFFFA, v57  }
0x157: {  	v0 =	vbroadcast v0, $0x0;
	_ =	sdelay $0x4  }
0x158: {  	v58, _, _ =	vpop (xrf2)  }
0x159: {  	[tilespmem:v0+s20+$0x0] =	vst.idx.msk vm0, v58  }
0x15a: {  	v0 =	vld [tilespmem:s26+$0x5480]  }
0x15b: {  	v1 =	vld [tilespmem:s26+$0xF480]  }
0x15c: {  	v59 =	vld [tilespmem:s26+$0x5490]  }
0x15d: {  	v60 =	vld [tilespmem:s26+$0xF490]  }
0x15e: {  	v61 =	vld [tilespmem:s26+$0x54A0]  }
0x15f: {  	v62 =	vld [tilespmem:s26+$0xF4A0]  }
0x160: {  	v63 =	vld [tilespmem:s26+$0x54B0]  }
0x161: {  	v9 =	vld [tilespmem:s26+$0xF4B0]  }
0x162: {  	v11 =	vld [tilespmem:s26+$0x54C0];
	v0 =	vmul.f32 v1, v0;
	v10 =	vmul.f32 v60, v59  }
0x163: {  	v12 =	vld [tilespmem:s26+$0xF4C0]  }
0x164: {  	v14 =	vld [tilespmem:s26+$0x54D0];
	v13 =	vmul.f32 v62, v61;
	v0 =	vadd.f32 v10, v0  }
0x165: {  	v15 =	vld [tilespmem:s26+$0xF4D0]  }
0x166: {  	v17 =	vld [tilespmem:s26+$0x54E0];
	v16 =	vmul.f32 v9, v63;
	v0 =	vadd.f32 v13, v0  }
0x167: {  	v18 =	vld [tilespmem:s26+$0xF4E0]  }
0x168: {  	v20 =	vld [tilespmem:s26+$0x54F0];
	v19 =	vmul.f32 v12, v11;
	v0 =	vadd.f32 v16, v0  }
0x169: {  	v21 =	vld [tilespmem:s26+$0xF4F0]  }
0x16a: {  	v22 =	vmul.f32 v15, v14;
	v0 =	vadd.f32 v19, v0;
	_ =	sdelay $0x1  }
0x16b: {  	v23 =	vmul.f32 v18, v17;
	v0 =	vadd.f32 v22, v0;
	_ =	sdelay $0x1  }
0x16c: {  	v24 =	vmul.f32 v21, v20;
	v0 =	vadd.f32 v23, v0;
	_ =	sdelay $0x1  }
0x16d: {  	v0 =	vadd.f32 v24, v0;
	_ =	sdelay $0x1  }
0x16e: {  	(xrf2) =	vadd.scan.msk.f32 $0xffff, v0;
	_ =	sdelay $0x1  }
0x16f: {  	s31 =	sor.u32 $0xB, s28  }
0x170: {  	v25 =	vmov s31  }
0x171: {  	v0 =	vand.u32 $0xFFFFFFFB, v25  }
0x172: {  	v0 =	vbroadcast v0, $0x0;
	_ =	sdelay $0x4  }
0x173: {  	v26, _, _ =	vpop (xrf2)  }
0x174: {  	[tilespmem:v0+s20+$0x0] =	vst.idx.msk vm0, v26  }
0x175: {  	v0 =	vld [tilespmem:s26+$0x5500]  }
0x176: {  	v1 =	vld [tilespmem:s26+$0xF500]  }
0x177: {  	v27 =	vld [tilespmem:s26+$0x5510]  }
0x178: {  	v28 =	vld [tilespmem:s26+$0xF510]  }
0x179: {  	v29 =	vld [tilespmem:s26+$0x5520]  }
0x17a: {  	v30 =	vld [tilespmem:s26+$0xF520]  }
0x17b: {  	v31 =	vld [tilespmem:s26+$0x5530]  }
0x17c: {  	v32 =	vld [tilespmem:s26+$0xF530]  }
0x17d: {  	v34 =	vld [tilespmem:s26+$0x5540];
	v0 =	vmul.f32 v1, v0;
	v33 =	vmul.f32 v28, v27  }
0x17e: {  	v35 =	vld [tilespmem:s26+$0xF540]  }
0x17f: {  	v37 =	vld [tilespmem:s26+$0x5550];
	v36 =	vmul.f32 v30, v29;
	v0 =	vadd.f32 v33, v0  }
0x180: {  	v38 =	vld [tilespmem:s26+$0xF550]  }
0x181: {  	v40 =	vld [tilespmem:s26+$0x5560];
	v39 =	vmul.f32 v32, v31;
	v0 =	vadd.f32 v36, v0  }
0x182: {  	v41 =	vld [tilespmem:s26+$0xF560]  }
0x183: {  	v43 =	vld [tilespmem:s26+$0x5570];
	v42 =	vmul.f32 v35, v34;
	v0 =	vadd.f32 v39, v0  }
0x184: {  	v44 =	vld [tilespmem:s26+$0xF570]  }
0x185: {  	v45 =	vmul.f32 v38, v37;
	v0 =	vadd.f32 v42, v0;
	_ =	sdelay $0x1  }
0x186: {  	v46 =	vmul.f32 v41, v40;
	v0 =	vadd.f32 v45, v0;
	_ =	sdelay $0x1  }
0x187: {  	v47 =	vmul.f32 v44, v43;
	v0 =	vadd.f32 v46, v0;
	_ =	sdelay $0x1  }
0x188: {  	v0 =	vadd.f32 v47, v0;
	_ =	sdelay $0x1  }
0x189: {  	(xrf2) =	vadd.scan.msk.f32 $0xffff, v0;
	_ =	sdelay $0x1  }
0x18a: {  	s30 =	sor.u32 $0xC, s28  }
0x18b: {  	v48 =	vmov s30  }
0x18c: {  	v0 =	vand.u32 $0xFFFFFFFC, v48  }
0x18d: {  	v0 =	vbroadcast v0, $0x0;
	_ =	sdelay $0x4  }
0x18e: {  	v49, _, _ =	vpop (xrf2)  }
0x18f: {  	[tilespmem:v0+s20+$0x0] =	vst.idx.msk vm0, v49  }
0x190: {  	v0 =	vld [tilespmem:s26+$0x5580]  }
0x191: {  	v1 =	vld [tilespmem:s26+$0xF580]  }
0x192: {  	v50 =	vld [tilespmem:s26+$0x5590]  }
0x193: {  	v51 =	vld [tilespmem:s26+$0xF590]  }
0x194: {  	v52 =	vld [tilespmem:s26+$0x55A0]  }
0x195: {  	v53 =	vld [tilespmem:s26+$0xF5A0]  }
0x196: {  	v54 =	vld [tilespmem:s26+$0x55B0]  }
0x197: {  	v55 =	vld [tilespmem:s26+$0xF5B0]  }
0x198: {  	v57 =	vld [tilespmem:s26+$0x55C0];
	v0 =	vmul.f32 v1, v0;
	v56 =	vmul.f32 v51, v50  }
0x199: {  	v58 =	vld [tilespmem:s26+$0xF5C0]  }
0x19a: {  	v60 =	vld [tilespmem:s26+$0x55D0];
	v59 =	vmul.f32 v53, v52;
	v0 =	vadd.f32 v56, v0  }
0x19b: {  	v61 =	vld [tilespmem:s26+$0xF5D0]  }
0x19c: {  	v63 =	vld [tilespmem:s26+$0x55E0];
	v62 =	vmul.f32 v55, v54;
	v0 =	vadd.f32 v59, v0  }
0x19d: {  	v9 =	vld [tilespmem:s26+$0xF5E0]  }
0x19e: {  	v11 =	vld [tilespmem:s26+$0x55F0];
	v10 =	vmul.f32 v58, v57;
	v0 =	vadd.f32 v62, v0  }
0x19f: {  	v12 =	vld [tilespmem:s26+$0xF5F0]  }
0x1a0: {  	v13 =	vmul.f32 v61, v60;
	v0 =	vadd.f32 v10, v0;
	_ =	sdelay $0x1  }
0x1a1: {  	v14 =	vmul.f32 v9, v63;
	v0 =	vadd.f32 v13, v0;
	_ =	sdelay $0x1  }
0x1a2: {  	v15 =	vmul.f32 v12, v11;
	v0 =	vadd.f32 v14, v0;
	_ =	sdelay $0x1  }
0x1a3: {  	v0 =	vadd.f32 v15, v0;
	_ =	sdelay $0x1  }
0x1a4: {  	(xrf2) =	vadd.scan.msk.f32 $0xffff, v0;
	_ =	sdelay $0x1  }
0x1a5: {  	s31 =	sor.u32 $0xD, s28  }
0x1a6: {  	v16 =	vmov s31  }
0x1a7: {  	v0 =	vand.u32 $0xFFFFFFFD, v16  }
0x1a8: {  	v0 =	vbroadcast v0, $0x0;
	_ =	sdelay $0x4  }
0x1a9: {  	v17, _, _ =	vpop (xrf2)  }
0x1aa: {  	[tilespmem:v0+s20+$0x0] =	vst.idx.msk vm0, v17  }
0x1ab: {  	v0 =	vld [tilespmem:s26+$0x5600]  }
0x1ac: {  	v1 =	vld [tilespmem:s26+$0xF600]  }
0x1ad: {  	v18 =	vld [tilespmem:s26+$0x5610]  }
0x1ae: {  	v19 =	vld [tilespmem:s26+$0xF610]  }
0x1af: {  	v20 =	vld [tilespmem:s26+$0x5620]  }
0x1b0: {  	v21 =	vld [tilespmem:s26+$0xF620]  }
0x1b1: {  	v22 =	vld [tilespmem:s26+$0x5630]  }
0x1b2: {  	v23 =	vld [tilespmem:s26+$0xF630]  }
0x1b3: {  	v25 =	vld [tilespmem:s26+$0x5640];
	v0 =	vmul.f32 v1, v0;
	v24 =	vmul.f32 v19, v18  }
0x1b4: {  	v26 =	vld [tilespmem:s26+$0xF640]  }
0x1b5: {  	v28 =	vld [tilespmem:s26+$0x5650];
	v27 =	vmul.f32 v21, v20;
	v0 =	vadd.f32 v24, v0  }
0x1b6: {  	v29 =	vld [tilespmem:s26+$0xF650]  }
0x1b7: {  	v31 =	vld [tilespmem:s26+$0x5660];
	v30 =	vmul.f32 v23, v22;
	v0 =	vadd.f32 v27, v0  }
0x1b8: {  	v32 =	vld [tilespmem:s26+$0xF660]  }
0x1b9: {  	v34 =	vld [tilespmem:s26+$0x5670];
	v33 =	vmul.f32 v26, v25;
	v0 =	vadd.f32 v30, v0  }
0x1ba: {  	v35 =	vld [tilespmem:s26+$0xF670]  }
0x1bb: {  	v36 =	vmul.f32 v29, v28;
	v0 =	vadd.f32 v33, v0;
	_ =	sdelay $0x1  }
0x1bc: {  	v37 =	vmul.f32 v32, v31;
	v0 =	vadd.f32 v36, v0;
	_ =	sdelay $0x1  }
0x1bd: {  	v38 =	vmul.f32 v35, v34;
	v0 =	vadd.f32 v37, v0;
	_ =	sdelay $0x1  }
0x1be: {  	v0 =	vadd.f32 v38, v0;
	_ =	sdelay $0x1  }
0x1bf: {  	(xrf2) =	vadd.scan.msk.f32 $0xffff, v0;
	_ =	sdelay $0x1  }
0x1c0: {  	s30 =	sor.u32 $0xE, s28  }
0x1c1: {  	v39 =	vmov s30  }
0x1c2: {  	v0 =	vand.u32 $0xFFFFFFFE, v39  }
0x1c3: {  	v0 =	vbroadcast v0, $0x0;
	_ =	sdelay $0x4  }
0x1c4: {  	v40, _, _ =	vpop (xrf2)  }
0x1c5: {  	[tilespmem:v0+s20+$0x0] =	vst.idx.msk vm0, v40  }
0x1c6: {  	v0 =	vld [tilespmem:s26+$0x5680]  }
0x1c7: {  	v1 =	vld [tilespmem:s26+$0xF680]  }
0x1c8: {  	v41 =	vld [tilespmem:s26+$0x5690]  }
0x1c9: {  	v42 =	vld [tilespmem:s26+$0xF690]  }
0x1ca: {  	v43 =	vld [tilespmem:s26+$0x56A0]  }
0x1cb: {  	v44 =	vld [tilespmem:s26+$0xF6A0]  }
0x1cc: {  	v45 =	vld [tilespmem:s26+$0x56B0]  }
0x1cd: {  	v46 =	vld [tilespmem:s26+$0xF6B0]  }
0x1ce: {  	v48 =	vld [tilespmem:s26+$0x56C0];
	v0 =	vmul.f32 v1, v0;
	v47 =	vmul.f32 v42, v41  }
0x1cf: {  	v49 =	vld [tilespmem:s26+$0xF6C0]  }
0x1d0: {  	v51 =	vld [tilespmem:s26+$0x56D0];
	v50 =	vmul.f32 v44, v43;
	v0 =	vadd.f32 v47, v0  }
0x1d1: {  	v52 =	vld [tilespmem:s26+$0xF6D0]  }
0x1d2: {  	v54 =	vld [tilespmem:s26+$0x56E0];
	v53 =	vmul.f32 v46, v45;
	v0 =	vadd.f32 v50, v0  }
0x1d3: {  	v55 =	vld [tilespmem:s26+$0xF6E0]  }
0x1d4: {  	v57 =	vld [tilespmem:s26+$0x56F0];
	v56 =	vmul.f32 v49, v48;
	v0 =	vadd.f32 v53, v0  }
0x1d5: {  	v58 =	vld [tilespmem:s26+$0xF6F0]  }
0x1d6: {  	v59 =	vmul.f32 v52, v51;
	v0 =	vadd.f32 v56, v0;
	_ =	sdelay $0x1  }
0x1d7: {  	v60 =	vmul.f32 v55, v54;
	v0 =	vadd.f32 v59, v0;
	_ =	sdelay $0x1  }
0x1d8: {  	v61 =	vmul.f32 v58, v57;
	v0 =	vadd.f32 v60, v0;
	_ =	sdelay $0x1  }
0x1d9: {  	v0 =	vadd.f32 v61, v0;
	_ =	sdelay $0x1  }
0x1da: {  	(xrf2) =	vadd.scan.msk.f32 $0xffff, v0;
	_ =	sdelay $0x4  }
0x1db: {  	s31 =	sor.u32 $0xF, s28  }
0x1dc: {  	p0 =	sne.s32 s25, $0x4;
	v62 =	vmov s31  }
.Ltmp0:
0x1dd: {  	_ = 	snop;
	(pc) =	sbr.rel @p0 .LBB2_3-.Ltmp0, $3  }
0x1de: {  	_ =	sdelay $0x1  }
0x1df: {  	v63, _, _ =	vpop (xrf2)  }
0x1e0: {  	s25 =	sadd.s32 $0x1, s25;
	[tilespmem:v62+s20+$0x0] =	vst.idx.msk vm0, v63  }
0x1e1: {  	s22 =	sadd.s32 $0x1, s22  }
0x1e2: {  	p0 =	sne.s32 s22, $0x7D  }
.Ltmp1:
0x1e3: {  	_ = 	snop;
	(pc) =	sbr.rel @p0 .LBB2_2-.Ltmp1, $1  }
0x1e4: {  	_ =	sdelay $0x3  }
0x1e5: {  	s22 =	simm.s32 $0x18F40  }
0x1e6: {  	v0 =	vld [tilespmem:s22+$0xFFFFFFC0]  }
0x1e7: {  	v1 =	vld [tilespmem:s22+$0xFFFFFFD0];
	_ =	sdelay $0x2  }
0x1e8: {  	v2 =	vld [tilespmem:s22+$0xFFFFFFE0]  }
0x1e9: {  	v3 =	vld [tilespmem:s22+$0x0];
	v0 =	vsub.f32 $0.0e+00, v0  }
0x1ea: {  	v4 =	vld [tilespmem:s22+$0x10];
	v1 =	vsub.f32 $0.0e+00, v1  }
0x1eb: {  	v6 =	vld [tilespmem:s22+$0x30];
	v0 =	vmul.f32 $1.442695020e+00, v0  }
0x1ec: {  	v5 =	vld [tilespmem:s22+$0x20];
	v1 =	vmul.f32 $1.442695020e+00, v1  }
0x1ed: {  	(erf) = vpow2.f32 v0;
	v0 =	vsub.f32 $0.0e+00, v2  }
0x1ee: {  	v2 =	vld [tilespmem:s22+$0xFFFFFFF0];
	(erf) = vpow2.f32 v1;
	v1 =	vsub.f32 $0.0e+00, v3  }
0x1ef: {  	v3 =	vsub.f32 $0.0e+00, v4;
	v0 =	vmul.f32 $1.442695020e+00, v0  }
0x1f0: {  	v63 =	vsub.f32 $0.0e+00, v6;
	v1 =	vmul.f32 $1.442695020e+00, v1  }
0x1f1: {  	v62 =	vsub.f32 $0.0e+00, v5;
	v3 =	vmul.f32 $1.442695020e+00, v3;
	(erf) = vpow2.f32 v0  }
0x1f2: {  	(erf) = vpow2.f32 v1;
	v1 =	vmul.f32 $1.442695020e+00, v63  }
0x1f3: {  	v0 =	vsub.f32 $0.0e+00, v2;
	v2 =	vmul.f32 $1.442695020e+00, v62  }
0x1f4: {  	(erf) = vpow2.f32 v3  }
0x1f5: {  	v0 =	vmul.f32 $1.442695020e+00, v0;
	(erf) = vpow2.f32 v2  }
0x1f6: {  	(erf) = vpow2.f32 v1;
	v1 =	vpop (erf)  }
0x1f7: {  	(erf) = vpow2.f32 v0;
	v0 =	vadd.f32 $1.000000000e+00, v1;
	v1 =	vpop (erf)  }
0x1f8: {  	v1 =	vadd.f32 $1.000000000e+00, v1;
	_ =	sdelay $0x2  }
0x1f9: {  	(erf) = vrcp.f32 v0;
	v0 =	vpop (erf)  }
0x1fa: {  	(erf) = vrcp.f32 v1;
	v0 =	vadd.f32 $1.000000000e+00, v0;
	v1 =	vpop (erf)  }
0x1fb: {  	v1 =	vadd.f32 $1.000000000e+00, v1;
	_ =	sdelay $0x1  }
0x1fc: {  	v2 =	vpop (erf)  }
0x1fd: {  	v2 =	vadd.f32 $1.000000000e+00, v2;
	(erf) = vrcp.f32 v0;
	v0 =	vpop (erf)  }
0x1fe: {  	(erf) = vrcp.f32 v1;
	v0 =	vadd.f32 $1.000000000e+00, v0;
	v1 =	vpop (erf)  }
0x1ff: {  	(erf) = vrcp.f32 v2;
	v1 =	vadd.f32 $1.000000000e+00, v1;
	v3 =	vpop (erf)  }
0x200: {  	v2 =	vadd.f32 $1.000000000e+00, v3;
	(erf) = vrcp.f32 v0  }
0x201: {  	(erf) = vrcp.f32 v1  }
0x202: {  	(erf) = vrcp.f32 v2;
	_ =	sdelay $0x1  }
0x203: {  	v0 =	vpop (erf)  }
0x204: {  	s23 =	simm.s32 $0x0;
	s24 =	simm.s32 $0x18FC0;
	[tilespmem:s22+$0xFFFFFFC0] =	vst v0;
	v0 =	vpop (erf)  }
.LBB2_6:
0x205: {  	v1 =	vld [tilespmem:s24+$0xFFFFFFC0];
	[tilespmem:s22+$0xFFFFFFD0] =	vst v0;
	v0 =	vpop (erf)  }
0x206: {  	v2 =	vld [tilespmem:s24+$0xFFFFFFD0];
	[tilespmem:s22+$0xFFFFFFE0] =	vst v0;
	v0 =	vpop (erf)  }
0x207: {  	v3 =	vld [tilespmem:s24+$0xFFFFFFE0];
	[tilespmem:s22+$0x0] =	vst v0;
	v0 =	vpop (erf)  }
0x208: {  	v4 =	vld [tilespmem:s24+$0x0];
	[tilespmem:s22+$0x10] =	vst v0;
	v0 =	vpop (erf)  }
0x209: {  	v5 =	vld [tilespmem:s24+$0x10];
	[tilespmem:s22+$0x20] =	vst v0;
	v0 =	vpop (erf)  }
0x20a: {  	v1 =	vsub.f32 $0.0e+00, v1;
	v6 =	vld [tilespmem:s24+$0x20];
	[tilespmem:s22+$0x30] =	vst v0;
	v0 =	vpop (erf)  }
0x20b: {  	s23 =	sadd.s32 $0x8, s23;
	v2 =	vsub.f32 $0.0e+00, v2;
	v7 =	vld [tilespmem:s24+$0x30];
	[tilespmem:s22+$0xFFFFFFF0] =	vst v0;
	s22 =	smov.u32 s24  }
0x20c: {  	p0 =	slt.u32 s23, $0x268;
	v0 =	vmul.f32 $1.442695020e+00, v1;
	v1 =	vsub.f32 $0.0e+00, v3;
	v3 =	vld [tilespmem:s24+$0xFFFFFFF0]  }
0x20d: {  	v2 =	vmul.f32 $1.442695020e+00, v2;
	v4 =	vsub.f32 $0.0e+00, v4  }
0x20e: {  	v1 =	vmul.f32 $1.442695020e+00, v1;
	v5 =	vsub.f32 $0.0e+00, v5;
	(erf) = vpow2.f32 v0  }
0x20f: {  	v0 =	vmul.f32 $1.442695020e+00, v4;
	v4 =	vsub.f32 $0.0e+00, v6;
	(erf) = vpow2.f32 v2  }
0x210: {  	v2 =	vmul.f32 $1.442695020e+00, v5;
	v5 =	vsub.f32 $0.0e+00, v7;
	(erf) = vpow2.f32 v1  }
0x211: {  	v1 =	vsub.f32 $0.0e+00, v3;
	v3 =	vmul.f32 $1.442695020e+00, v4;
	(erf) = vpow2.f32 v0  }
0x212: {  	v0 =	vmul.f32 $1.442695020e+00, v5;
	(erf) = vpow2.f32 v2  }
0x213: {  	v1 =	vmul.f32 $1.442695020e+00, v1;
	(erf) = vpow2.f32 v3  }
0x214: {  	(erf) = vpow2.f32 v0  }
0x215: {  	(erf) = vpow2.f32 v1;
	_ =	sdelay $0x1  }
0x216: {  	v0 =	vpop (erf)  }
0x217: {  	v3 =	vadd.f32 $1.000000000e+00, v0;
	v1 =	vpop (erf)  }
0x218: {  	v4 =	vadd.f32 $1.000000000e+00, v1;
	v2 =	vpop (erf)  }
0x219: {  	v5 =	vadd.f32 $1.000000000e+00, v2;
	(erf) = vrcp.f32 v3;
	v0 =	vpop (erf)  }
0x21a: {  	v6 =	vadd.f32 $1.000000000e+00, v0;
	(erf) = vrcp.f32 v4;
	v1 =	vpop (erf)  }
0x21b: {  	v1 =	vadd.f32 $1.000000000e+00, v1;
	(erf) = vrcp.f32 v5;
	v2 =	vpop (erf)  }
0x21c: {  	v2 =	vadd.f32 $1.000000000e+00, v2;
	(erf) = vrcp.f32 v6;
	v0 =	vpop (erf)  }
0x21d: {  	v0 =	vadd.f32 $1.000000000e+00, v0;
	v3 =	vpop (erf);
	(erf) = vrcp.f32 v1  }
0x21e: {  	v1 =	vadd.f32 $1.000000000e+00, v3;
	(erf) = vrcp.f32 v2  }
.Ltmp2:
0x21f: {  	(erf) = vrcp.f32 v0;
	(pc) =	sbr.rel @p0 .LBB2_6-.Ltmp2, $3  }
0x220: {  	(erf) = vrcp.f32 v1;
	_ =	sdelay $0x1  }
0x221: {  	v0 =	vpop (erf)  }
0x222: {  	s24 =	sadd.s32 $0x80, s24;
	[tilespmem:s22+$0xFFFFFFC0] =	vst v0;
	v0 =	vpop (erf)  }
0x223: {  	[tilespmem:s22+$0xFFFFFFD0] =	vst v0;
	v58 =	vpop (erf)  }
0x224: {  	[tilespmem:s22+$0xFFFFFFE0] =	vst v58;
	v59 =	vpop (erf)  }
0x225: {  	[tilespmem:s22+$0x0] =	vst v59;
	v60 =	vpop (erf)  }
0x226: {  	[tilespmem:s22+$0x10] =	vst v60;
	v61 =	vpop (erf)  }
0x227: {  	[tilespmem:s22+$0x20] =	vst v61;
	v62 =	vpop (erf)  }
0x228: {  	[tilespmem:s22+$0x30] =	vst v62;
	v63 =	vpop (erf)  }
0x229: {  	[tilespmem:s22+$0xFFFFFFF0] =	vst v63  }
0x22a: {  	v0 =	vld [tilespmem:$0x1B600];
	_ =	sdelay $0x4  }
0x22b: {  	v0 =	vsub.f32 $0.0e+00, v0;
	_ =	sdelay $0x1  }
0x22c: {  	v0 =	vmul.f32 $1.442695020e+00, v0;
	_ =	sdelay $0x1  }
0x22d: {  	(erf) = vpow2.f32 v0;
	_ =	sdelay $0x8  }
0x22e: {  	v0 =	vpop (erf)  }
0x22f: {  	v0 =	vadd.f32 $1.000000000e+00, v0;
	_ =	sdelay $0x1  }
0x230: {  	(erf) = vrcp.f32 v0;
	_ =	sdelay $0x7  }
0x231: {  	s21 =	sadd.s32 $0x1, s21  }
0x232: {  	p0 =	sne.s32 s21, s7;
	v0 =	vpop (erf)  }
.Ltmp3:
0x233: {  	[tilespmem:$0x1B600] =	vst v0;
	(pc) =	sbr.rel @p0 .LBB2_1-.Ltmp3, $4  }
0x234: {  	[hbm4b:s6+s3] =	stream.linear.scatter [tilespmem:s20], [sflag:$0x5], $0x2710, $0x38;
	[tilespmem:$0x1B680] =	vst v63  }
0x235: {  	_ =	swait.ge [sflag:s8], $0x2710  }
0x236: {  	[sflag:s8] =	ssyncset.done $0x0  }
0x237: {  	[sflag:s8] =	ssyncadd.s32 $0xFFFFD8F0  }
0x238: {  	_ =	sfence.sel $0x180000  }
0x239: {  	[bflag:$0x0] =	sbarrier.arrive $0xFFFF  }
0x23a: {  	p0 =	sne.s32 s0, $0x0;
	_ =	strace $0x90000047  }
0x23b: {  	s0 =	sadd.s32 @!p0 $0x100000, s2;
	[bflag:$0x2] =	sbarrier.arrive $0xFFFF  }
0x23c: {  	[sflag:s0] =	ssyncadd.tile.s32 @!p0 $0x1;
	_ =	shalt  }
.Lfunc_end2:
_tile_overlayer_lowered:
.L_overlay_start_2:
0x23d: {  	(tag) =	ssettag $0x2  }
0x23e: {  	s0 =	rddreg [dreg:$0x0];
	s2 =	stileid.u32  }
0x23f: {  	s1 =	rddreg [dreg:$0x1];
	p0 =	sne.s32 s2, $0x0  }
0x240: {  	s3 =	rddreg [dreg:$0x2];
	[bflag:$0x3] =	sbarrier.arrive $0xFFFF;
	s2 =	simm.s32 @!p0 $0x1C05  }
0x241: {  	[timem:s3], [sflag:s2] =	dma.local @!p0 [hbm:s0], s1  }
0x242: {  	s0 =	simm.s32 @!p0 $0x5  }
0x243: {  	_ =	swait.ge @!p0 [sflag:s0], s1  }
0x244: {  	s1 =	ssub.s32 @!p0 $0x0, s1;
	[sflag:s0] =	ssyncset.done @!p0 $0x0  }
0x245: {  	[sflag:s0] =	ssyncadd.s32 @!p0 s1  }
0x246: {  	[bflag:$0x3] =	sbarrier.arrive $0xFFFF  }
0x247: {  	_ =	shalt  }

</sc_bundles>
